<compile_context>
chip_gen: v7x
topology: tpu7x:2x2x1
jax: 0.10.2.dev20260603
libtpu: 0.0.44.dev20260713+nightly
codegen_flags: <defaults>
</compile_context>

<pallas_src>
import functools

import jax
import jax.numpy as jnp
from jax import lax
from jax.experimental import pallas as pl
from jax.experimental.pallas import tpu as pltpu
from jax.experimental.pallas import tpu_sc as plsc

B, S_T, P, D = 2, 8, 2048, 1024
S_S = 4
N = 256
K = 4
EP = 4 * P
T = 2048
TPF = P // T
M = 4 * TPF
BIGI = 1 << 30
INT_MIN = -(1 << 31)
EPS = 1e-8


SC_NC, SC_NS = 2, 16
SC_NW = SC_NC * SC_NS


def _sc_gather(table, idx):
    n = idx.shape[0]
    per_w = n // SC_NW
    ch = min(per_w, 64)
    n_ch = per_w // ch
    mesh = plsc.VectorSubcoreMesh(core_axis_name="c", subcore_axis_name="s")

    @functools.partial(
        pl.kernel, mesh=mesh,
        out_type=jax.ShapeDtypeStruct((n, D), jnp.float32),
        scratch_types=[
            pltpu.VMEM((ch,), jnp.int32),
            pltpu.VMEM((ch, D), jnp.float32),
            pltpu.SemaphoreType.DMA,
        ],
    )
    def k(table_hbm, idx_hbm, out_hbm, idx_v, rows_v, sem):
        wid = lax.axis_index("s") * SC_NC + lax.axis_index("c")
        base = wid * per_w
        for ci in range(n_ch):
            start = base + ci * ch
            pltpu.sync_copy(idx_hbm.at[pl.ds(start, ch)], idx_v)
            pltpu.async_copy(table_hbm.at[idx_v], rows_v, sem).wait()
            pltpu.sync_copy(rows_v, out_hbm.at[pl.ds(start, ch)])

    return k(table, idx)


def _sc_gather_pair(table_a, idx_a, table_b, idx_b):
    n = idx_a.shape[0]
    per_w = n // SC_NW
    ch = min(per_w, 64)
    n_ch = per_w // ch
    mesh = plsc.VectorSubcoreMesh(core_axis_name="c", subcore_axis_name="s")

    @functools.partial(
        pl.kernel, mesh=mesh,
        out_type=(jax.ShapeDtypeStruct((n, D), jnp.float32),
                  jax.ShapeDtypeStruct((n, D), jnp.float32)),
        scratch_types=[
            pltpu.VMEM((ch,), jnp.int32),
            pltpu.VMEM((ch, D), jnp.float32),
            pltpu.SemaphoreType.DMA,
        ],
    )
    def k(ta, ia, tb, ib, oa, ob, idx_v, rows_v, sem):
        wid = lax.axis_index("s") * SC_NC + lax.axis_index("c")
        for tab, idx_hbm, out_hbm in ((ta, ia, oa), (tb, ib, ob)):
            for ci in range(n_ch):
                start = wid * per_w + ci * ch
                pltpu.sync_copy(idx_hbm.at[pl.ds(start, ch)], idx_v)
                pltpu.async_copy(tab.at[idx_v], rows_v, sem).wait()
                pltpu.sync_copy(rows_v, out_hbm.at[pl.ds(start, ch)])

    return k(table_a, idx_a, table_b, idx_b)


def _topk_body(ref_ref, extra_ref, idx_out, vals_scr, idx_scr, rtn_scr):
    b = pl.program_id(0)
    m = pl.program_id(1)

    ones = jnp.ones((D,), jnp.float32)

    @pl.when(m == 0)
    def _():
        rt = ref_ref[0]
        rsq = jax.lax.dot_general(
            rt * rt, ones, (((1,), (0,)), ((), ())),
            preferred_element_type=jnp.float32)
        rtn_scr[...] = rt / (jnp.sqrt(rsq)[:, None] + 1e-12)

    e = extra_ref[0, 0]
    esq = jax.lax.dot_general(
        e * e, ones, (((1,), (0,)), ((), ())),
        preferred_element_type=jnp.float32)
    inv = 1.0 / (jnp.sqrt(esq) + 1e-12)
    sim = jax.lax.dot_general(
        rtn_scr[...], e, (((1,), (1,)), ((), ())),
        preferred_element_type=jnp.float32)
    sim = sim * inv[None, :]

    f = 1 + 2 * (m // TPF)
    base = b * (S_T * P) + f * P + (m % TPF) * T

    bits = jax.lax.bitcast_convert_type(sim, jnp.int32)
    key = jnp.where(bits >= 0, bits, INT_MIN - bits)
    revcol = (T - 1) - jax.lax.broadcasted_iota(jnp.int32, (N, T), 1)
    kq = (key & ~(T - 1)) | revcol

    tv, ti = [], []
    for _ in range(K):
        mk = jnp.max(kq, axis=1, keepdims=True)
        kq = jnp.where(kq == mk, INT_MIN, kq)
        tv.append(mk | (T - 1))
        ti.append(base + ((T - 1) - (mk & (T - 1))))

    @pl.when(m == 0)
    def _():
        vals_scr[...] = jnp.full((N, K), INT_MIN, jnp.int32)
        idx_scr[...] = jnp.zeros((N, K), jnp.int32)

    cv = jnp.concatenate([vals_scr[...]] + tv, axis=1)
    ci = jnp.concatenate([idx_scr[...]] + ti, axis=1)
    nv, ni = [], []
    for _ in range(K):
        mv = jnp.max(cv, axis=1, keepdims=True)
        sel = jnp.min(jnp.where(cv == mv, ci, BIGI), axis=1, keepdims=True)
        nv.append(mv)
        ni.append(sel)
        cv = jnp.where((cv == mv) & (ci == sel), INT_MIN, cv)
    vals_scr[...] = jnp.concatenate(nv, axis=1)
    idx_scr[...] = jnp.concatenate(ni, axis=1)

    @pl.when(m == M - 1)
    def _():
        idx_out[0] = idx_scr[...]


def _topk_flat_idx(gt, teacher):
    return pl.pallas_call(
        _topk_body,
        grid=(B, M),
        in_specs=[
            pl.BlockSpec((1, N, D), lambda b, m: (4 * b, 0, 0)),
            pl.BlockSpec((1, 1, T, D),
                         lambda b, m: (b, 1 + 2 * (m // TPF), m % TPF, 0)),
        ],
        out_specs=pl.BlockSpec((1, N, K), lambda b, m: (b, 0, 0)),
        out_shape=jax.ShapeDtypeStruct((B, N, K), jnp.int32),
        scratch_shapes=[
            pltpu.VMEM((N, K), jnp.int32),
            pltpu.VMEM((N, K), jnp.int32),
            pltpu.VMEM((N, D), jnp.float32),
        ],
    )(gt, teacher)


def _smooth_l1(x, y, beta):
    d = jnp.abs(x - y)
    return jnp.where(d < beta, 0.5 * d * d / beta, d - 0.5 * beta)


def _rows_sq(x, ones):
    return jax.lax.dot_general(
        x, ones, (((x.ndim - 1,), (0,)), ((), ())),
        preferred_element_type=jnp.float32,
        precision=jax.lax.Precision.HIGHEST)


def _loss_body(rt_ref, rs_ref, st_ref, ss_ref, sh_ref, out_ref,
               d1s, d2s, d3s, nref_scr, nsh_scr):
    b = pl.program_id(0)
    p = pl.program_id(1)
    rt = rt_ref[0]
    rs = rs_ref[0]
    st = st_ref[0]
    ss = ss_ref[0]
    shm = sh_ref[0]
    ones = jnp.ones((D,), jnp.float32)

    @pl.when(p == 0)
    def _():
        nref_scr[pl.ds(0, 1), :] = _rows_sq(rt * rt, ones)[None, :]
        nref_scr[pl.ds(1, 1), :] = _rows_sq(rs * rs, ones)[None, :]
        nsh_scr[...] = _rows_sq(shm * shm, ones)

    nrt = nref_scr[0]
    nrs = nref_scr[1]
    nsh = nsh_scr[...]
    nst = _rows_sq(st * st, ones)
    nss = _rows_sq(ss * ss, ones)

    def dist(na, nb, dot):
        return jnp.sqrt(jnp.maximum(na + nb - 2.0 * dot, 0.0))

    grp = b * 3 + p
    d1t = dist(nrt, nst, _rows_sq(rt * st, ones))
    d1sv = dist(nrs, nss, _rows_sq(rs * ss, ones))
    d1s[pl.ds(grp * 2, 1), :] = d1t[None, :]
    d1s[pl.ds(grp * 2 + 1, 1), :] = d1sv[None, :]

    d2t = dist(nrt[None, :], nsh, _rows_sq(rt[None] * shm, ones))
    d2sv = dist(nrs[None, :], nsh, _rows_sq(rs[None] * shm, ones))
    d3t = dist(nst[None, :], nsh, _rows_sq(st[None] * shm, ones))
    d3sv = dist(nss[None, :], nsh, _rows_sq(ss[None] * shm, ones))
    d2s[pl.ds(grp * 8, 8), :] = jnp.concatenate([d2t, d2sv], axis=0)
    d3s[pl.ds(grp * 8, 8), :] = jnp.concatenate([d3t, d3sv], axis=0)

    @pl.when((b == B - 1) & (p == 2))
    def _():
        sum1 = jnp.float32(0.0)
        sum2 = jnp.float32(0.0)
        sum3 = jnp.float32(0.0)
        for pp in range(3):
            t_all = jnp.concatenate(
                [d1s[(bb * 3 + pp) * 2][None, :] for bb in range(B)], axis=0)
            s_all = jnp.concatenate(
                [d1s[(bb * 3 + pp) * 2 + 1][None, :] for bb in range(B)], axis=0)
            tn = t_all / (jnp.mean(t_all) + EPS)
            sn = s_all / (jnp.mean(s_all) + EPS)
            sum1 = sum1 + jnp.sum(_smooth_l1(sn, tn, 0.5))
            for dref, acc in ((d2s, 2), (d3s, 3)):
                t_bs = [dref[pl.ds((bb * 3 + pp) * 8, K), :]
                        for bb in range(B)]
                s_bs = [dref[pl.ds((bb * 3 + pp) * 8 + K, K), :]
                        for bb in range(B)]
                mt = (sum(jnp.sum(x) for x in t_bs) / (B * K * N)) + EPS
                ms = (sum(jnp.sum(x) for x in s_bs) / (B * K * N)) + EPS
                kl_sum = jnp.float32(0.0)
                for tb, sb in zip(t_bs, s_bs):
                    lt = -(tb / mt)
                    ls = -(sb / ms)
                    lpt = lt - (jnp.max(lt, axis=0, keepdims=True) + jnp.log(
                        jnp.sum(jnp.exp(lt - jnp.max(lt, axis=0, keepdims=True)),
                                axis=0, keepdims=True)))
                    lps = ls - (jnp.max(ls, axis=0, keepdims=True) + jnp.log(
                        jnp.sum(jnp.exp(ls - jnp.max(ls, axis=0, keepdims=True)),
                                axis=0, keepdims=True)))
                    kl_sum = kl_sum + jnp.sum(jnp.exp(lpt) * (lpt - lps))
                if acc == 2:
                    sum2 = sum2 + kl_sum
                else:
                    sum3 = sum3 + kl_sum
        cnt = jnp.float32(3 * B * N)
        out_ref[...] = jnp.broadcast_to((sum1 + sum2 + sum3) / cnt, (1, 1))


def _loss(gt, gs, sh):
    return pl.pallas_call(
        _loss_body,
        grid=(B, 3),
        in_specs=[
            pl.BlockSpec((1, N, D), lambda b, p: (4 * b, 0, 0)),
            pl.BlockSpec((1, N, D), lambda b, p: (4 * b, 0, 0)),
            pl.BlockSpec((1, N, D), lambda b, p: (4 * b + p + 1, 0, 0)),
            pl.BlockSpec((1, N, D), lambda b, p: (4 * b + p + 1, 0, 0)),
            pl.BlockSpec((1, K, N, D), lambda b, p: (b, 0, 0, 0)),
        ],
        out_specs=pl.BlockSpec((1, 1), lambda b, p: (0, 0)),
        out_shape=jax.ShapeDtypeStruct((1, 1), jnp.float32),
        scratch_shapes=[
            pltpu.VMEM((3 * B * 2, N), jnp.float32),
            pltpu.VMEM((3 * B * 2 * K, N), jnp.float32),
            pltpu.VMEM((3 * B * 2 * K, N), jnp.float32),
            pltpu.VMEM((2, N), jnp.float32),
            pltpu.VMEM((K, N), jnp.float32),
        ],
    )(gt, gs, gt, gs, sh)


def kernel(teacher_feats, student_feats, ref_perm, shared_perm):
    rp = ref_perm.astype(jnp.int32)
    sp = shared_perm.astype(jnp.int32)
    teacher = teacher_feats
    student = student_feats
    t_flat = teacher.reshape(B * S_T * P, D)
    s_flat = student.reshape(B * S_S * P, D)

    t_frames = (0, 2, 4, 6)
    s_frames = (0, 1, 2, 3)
    idx_t = jnp.concatenate(
        [(b * S_T + t_frames[j]) * P + (rp if j == 0 else sp)
         for b in range(B) for j in range(4)])
    idx_s = jnp.concatenate(
        [(b * S_S + s_frames[j]) * P + (rp if j == 0 else sp)
         for b in range(B) for j in range(4)])

    gt_rows, gs_rows = _sc_gather_pair(t_flat, idx_t, s_flat, idx_s)
    gt = gt_rows.reshape(B * 4, N, D)
    gs = gs_rows.reshape(B * 4, N, D)

    idx = _topk_flat_idx(gt, teacher)

    idx_flat = idx.transpose(0, 2, 1).reshape(-1)
    sh = _sc_gather(t_flat, idx_flat).reshape(B, K, N, D)

    loss = _loss(gt, gs, sh)
    return loss[0, 0]

# --- scband reference (transcript-rebuilt; emitter-appended) ---
"""Pipeline reference for scband-da3-cross-frame-rkddistance-loss-36524401885583 (READ-ONLY COPY).

The authoritative reference and input builder live on the scoring server;
editing this copy changes nothing except your own understanding.
"""

import jax, jax.numpy as jnp
import numpy as np

STUDENT_FRAMES = [0, 2, 4, 6]
EXTRA_FRAMES = [1, 3, 5, 7]
SHARED_T_FRAMES = [2, 4, 6]
SHARED_S_FRAMES = [1, 2, 3]
TOPK = 4
NUM_REF = 256
NUM_SHARED = 256
TEMP = 1.0
D1_W, D2_W, D3_W = 1.0, 1.0, 1.0
HUBER_OUTER_BETA = 0.5
EPS = 1e-8


def setup_inputs(seed: int = 0) -> dict:
    key = jax.random.key(seed)
    k1, k2, k3, k4 = jax.random.split(key, 4)
    B, S_t, P, D = 2, 8, 2048, 1024
    teacher_feats = jax.random.normal(k1, (B, S_t, P, D), dtype=jnp.float32)
    student_feats = jax.random.normal(k2, (B, len(STUDENT_FRAMES), P, D), dtype=jnp.float32)
    ref_perm = jax.random.permutation(k3, P)[:NUM_REF].astype(jnp.int64)
    shared_perm = jax.random.permutation(k4, P)[:NUM_SHARED].astype(jnp.int64)
    return {"teacher_feats": teacher_feats, "student_feats": student_feats,
            "ref_perm": ref_perm, "shared_perm": shared_perm}


def _smooth_l1(x, y, beta):
    d = jnp.abs(x - y)
    return jnp.where(d < beta, 0.5 * d * d / beta, d - 0.5 * beta)


def _norm_dist(d):
    return d / (jnp.mean(d) + EPS)


def _kl(d_t, d_s, temp):
    # teacher/student distances -> similarity logits over the top-k axis
    log_p_t = jax.nn.log_softmax(-d_t / temp, axis=-1)
    log_p_s = jax.nn.log_softmax(-d_s / temp, axis=-1)
    p_t = jnp.exp(log_p_t)
    return jnp.sum(p_t * (log_p_t - log_p_s), axis=-1) * (temp ** 2)


def reference(teacher_feats, student_feats, ref_perm, shared_perm):
    teacher = jax.lax.stop_gradient(teacher_feats)  # teacher is detached
    B, S_t, P, D = teacher.shape

    ref_t = teacher[:, STUDENT_FRAMES[0], ref_perm, :]          # [B, N, D]
    ref_s = student_feats[:, 0, ref_perm, :]                     # [B, N, D]

    # teacher-only extra frames -> candidate pool for top-k retrieval
    extra = teacher[:, jnp.array(EXTRA_FRAMES), :, :].reshape(B, len(EXTRA_FRAMES) * P, D)

    rtn = ref_t / (jnp.linalg.norm(ref_t, axis=-1, keepdims=True) + 1e-12)
    etn = extra / (jnp.linalg.norm(extra, axis=-1, keepdims=True) + 1e-12)
    sim = jnp.einsum('bnd,bmd->bnm', rtn, etn)                   # [B, N, EP]
    _, topk_idx = jax.lax.top_k(sim, TOPK)                       # [B, N, K]

    sim_high = jax.vmap(lambda e, i: e[i])(extra, topk_idx)      # [B, N, K, D]
    sim_high = jax.lax.stop_gradient(sim_high)

    N = min(NUM_REF, NUM_SHARED)
    ref_t_p = ref_t[:, :N, :]
    ref_s_p = ref_s[:, :N, :]
    sh = sim_high[:, :N, :, :]
    sp = shared_perm[:N]

    sum_d1 = 0.0
    sum_d2 = 0.0
    sum_d3 = 0.0
    cnt_d1 = 0
    cnt_d2 = 0
    cnt_d3 = 0

    for t_idx, s_idx in zip(SHARED_T_FRAMES, SHARED_S_FRAMES):
        shared_t = teacher[:, t_idx, sp, :]
        shared_s = student_feats[:, s_idx, sp, :]

        d1_t = jnp.linalg.norm(ref_t_p - shared_t, axis=-1)               # [B, N]
        d1_s = jnp.linalg.norm(ref_s_p - shared_s, axis=-1)
        d2_t = jnp.linalg.norm(ref_t_p[:, :, None, :] - sh, axis=-1)      # [B, N, K]
        d2_s = jnp.linalg.norm(ref_s_p[:, :, None, :] - sh, axis=-1)
        d3_t = jnp.linalg.norm(shared_t[:, :, None, :] - sh, axis=-1)
        d3_s = jnp.linalg.norm(shared_s[:, :, None, :] - sh, axis=-1)

        # RKD-style mean normalization of distances
        d1_t, d1_s = _norm_dist(d1_t), _norm_dist(d1_s)
        d2_t, d2_s = _norm_dist(d2_t), _norm_dist(d2_s)
        d3_t, d3_s = _norm_dist(d3_t), _norm_dist(d3_s)

        l1 = _smooth_l1(d1_s, d1_t, HUBER_OUTER_BETA)                      # [B, N]
        l2 = _kl(d2_t, d2_s, TEMP)                                          # [B, N]
        l3 = _kl(d3_t, d3_s, TEMP)                                          # [B, N]

        sum_d1 = sum_d1 + jnp.sum(l1); cnt_d1 += l1.size
        sum_d2 = sum_d2 + jnp.sum(l2); cnt_d2 += l2.size
        sum_d3 = sum_d3 + jnp.sum(l3); cnt_d3 += l3.size

    loss = (D1_W * sum_d1 / cnt_d1 + D2_W * sum_d2 / cnt_d2 + D3_W * sum_d3 / cnt_d3)
    return loss

if __name__ == "__main__":
    import jax
    _d = setup_inputs()
    print(jax.jit(kernel)(*tuple(_d.values())))

</pallas_src>

<mosaic_0001>
#map = affine_map<(d0, d1) -> (0, 0)>
#map1 = affine_map<(d0, d1) -> (0)>
module attributes {stable_mosaic.version = 14 : i64} {
  func.func @k(%arg0: i32, %arg1: i32, %arg2: memref<32768x1024xf32, #tpu.memory_space<hbm>>, %arg3: memref<2048xi32, #tpu.memory_space<hbm>>, %arg4: memref<16384x1024xf32, #tpu.memory_space<hbm>>, %arg5: memref<2048xi32, #tpu.memory_space<hbm>>, %arg6: memref<2048x1024xf32, #tpu.memory_space<hbm>>, %arg7: memref<2048x1024xf32, #tpu.memory_space<hbm>>, %arg8: memref<64xi32, #tpu.memory_space<vmem>>, %arg9: memref<64x1024xf32, #tpu.memory_space<vmem>>, %arg10: memref<!tpu.dma_semaphore, #tpu.memory_space<semaphore_mem>>) attributes {dimension_semantics = [#tpu.dimension_semantics<core_parallel>, #tpu.dimension_semantics<subcore_parallel>], iteration_bounds = array<i64: 2, 16>, scalar_prefetch = 0 : i64, scratch_operands = 3 : i64, tpu.core_type = #tpu.core_type<sc_vector_subcore>, window_params = [{transform_indices = #map}, {transform_indices = #map1}, {transform_indices = #map}, {transform_indices = #map1}, {transform_indices = #map}, {transform_indices = #map}]} {
    %mul3A = arith.constant 2 : i32
    %mul3A_0 = arith.muli %arg1, %mul3A : i32
    %add3A = arith.addi %mul3A_0, %arg0 : i32
    %mul3A_1 = arith.constant 64 : i32
    %mul3A_2 = arith.muli %add3A, %mul3A_1 : i32
    %add3A_3 = arith.constant 0 : i32
    %add3A_4 = arith.addi %mul3A_2, %add3A_3 : i32
    "tpu.region"() ({
      %run_scoped3A = tpu.sem_alloc : memref<!tpu.dma_semaphore, #tpu.memory_space<semaphore_mem>>
      %dma_start3A_19 = tpu.memref_slice %arg3[%add3A_4] : memref<2048xi32, #tpu.memory_space<hbm>> -> memref<64xi32, #tpu.memory_space<hbm>>
      %dma_start3A_20 = tpu.memref_slice %arg3[%add3A_4] : memref<2048xi32, #tpu.memory_space<hbm>> -> memref<64xi32, #tpu.memory_space<hbm>>
      tpu.enqueue_dma source(%dma_start3A_20 : memref<64xi32, #tpu.memory_space<hbm>>) target(%arg8 : memref<64xi32, #tpu.memory_space<vmem>>) target_semaphore(%run_scoped3A : memref<!tpu.dma_semaphore, #tpu.memory_space<semaphore_mem>>)
      %dma_wait3A_21 = tpu.memref_slice %arg3[%add3A_4] : memref<2048xi32, #tpu.memory_space<hbm>> -> memref<64xi32, #tpu.memory_space<hbm>>
      %dma_wait3A_22 = tpu.memref_slice %arg3[%add3A_4] : memref<2048xi32, #tpu.memory_space<hbm>> -> memref<64xi32, #tpu.memory_space<hbm>>
      tpu.wait_dma2 semaphore(%run_scoped3A : memref<!tpu.dma_semaphore, #tpu.memory_space<semaphore_mem>>) src(%dma_wait3A_22 : memref<64xi32, #tpu.memory_space<hbm>>) dst(%arg8 : memref<64xi32, #tpu.memory_space<vmem>>)
      tpu.yield
    }) : () -> ()
    %dma_start3A = arith.constant 0 : i32
    %dma_start3A_5 = arith.constant 0 : i32
    %dma_start3A_6 = tpu.memref_slice %arg2[%dma_start3A, %dma_start3A_5] : memref<32768x1024xf32, #tpu.memory_space<hbm>> -> memref<32768x1024xf32, #tpu.memory_space<hbm>>
    tpu.enqueue_indirect_dma source(%dma_start3A_6 : memref<32768x1024xf32, #tpu.memory_space<hbm>>) target(%arg9 : memref<64x1024xf32, #tpu.memory_space<vmem>>) offsets(%arg8 : memref<64xi32, #tpu.memory_space<vmem>>) semaphore(%arg10 : memref<!tpu.dma_semaphore, #tpu.memory_space<semaphore_mem>>)
    %dma_wait3A = arith.constant 0 : i32
    %dma_wait3A_7 = arith.constant 0 : i32
    %dma_wait3A_8 = tpu.memref_slice %arg2[%dma_wait3A, %dma_wait3A_7] : memref<32768x1024xf32, #tpu.memory_space<hbm>> -> memref<32768x1024xf32, #tpu.memory_space<hbm>>
    tpu.wait_indirect_dma semaphore(%arg10 : memref<!tpu.dma_semaphore, #tpu.memory_space<semaphore_mem>>) src(%dma_wait3A_8 : memref<32768x1024xf32, #tpu.memory_space<hbm>>) dst(%arg9 : memref<64x1024xf32, #tpu.memory_space<vmem>>)
    "tpu.region"() ({
      %run_scoped3A = tpu.sem_alloc : memref<!tpu.dma_semaphore, #tpu.memory_space<semaphore_mem>>
      %dma_start3A_19 = arith.constant 0 : i32
      %dma_start3A_20 = tpu.memref_slice %arg6[%add3A_4, %dma_start3A_19] : memref<2048x1024xf32, #tpu.memory_space<hbm>> -> memref<64x1024xf32, #tpu.memory_space<hbm>>
      %dma_start3A_21 = arith.constant 0 : i32
      %dma_start3A_22 = tpu.memref_slice %arg6[%add3A_4, %dma_start3A_21] : memref<2048x1024xf32, #tpu.memory_space<hbm>> -> memref<64x1024xf32, #tpu.memory_space<hbm>>
      tpu.enqueue_dma source(%arg9 : memref<64x1024xf32, #tpu.memory_space<vmem>>) target(%dma_start3A_22 : memref<64x1024xf32, #tpu.memory_space<hbm>>) target_semaphore(%run_scoped3A : memref<!tpu.dma_semaphore, #tpu.memory_space<semaphore_mem>>)
      %dma_wait3A_23 = arith.constant 0 : i32
      %dma_wait3A_24 = tpu.memref_slice %arg6[%add3A_4, %dma_wait3A_23] : memref<2048x1024xf32, #tpu.memory_space<hbm>> -> memref<64x1024xf32, #tpu.memory_space<hbm>>
      %dma_wait3A_25 = arith.constant 0 : i32
      %dma_wait3A_26 = tpu.memref_slice %arg6[%add3A_4, %dma_wait3A_25] : memref<2048x1024xf32, #tpu.memory_space<hbm>> -> memref<64x1024xf32, #tpu.memory_space<hbm>>
      tpu.wait_dma2 semaphore(%run_scoped3A : memref<!tpu.dma_semaphore, #tpu.memory_space<semaphore_mem>>) src(%arg9 : memref<64x1024xf32, #tpu.memory_space<vmem>>) dst(%dma_wait3A_26 : memref<64x1024xf32, #tpu.memory_space<hbm>>)
      tpu.yield
    }) : () -> ()
    %mul3A_9 = arith.constant 64 : i32
    %mul3A_10 = arith.muli %add3A, %mul3A_9 : i32
    %add3A_11 = arith.constant 0 : i32
    %add3A_12 = arith.addi %mul3A_10, %add3A_11 : i32
    "tpu.region"() ({
      %run_scoped3A = tpu.sem_alloc : memref<!tpu.dma_semaphore, #tpu.memory_space<semaphore_mem>>
      %dma_start3A_19 = tpu.memref_slice %arg5[%add3A_12] : memref<2048xi32, #tpu.memory_space<hbm>> -> memref<64xi32, #tpu.memory_space<hbm>>
      %dma_start3A_20 = tpu.memref_slice %arg5[%add3A_12] : memref<2048xi32, #tpu.memory_space<hbm>> -> memref<64xi32, #tpu.memory_space<hbm>>
      tpu.enqueue_dma source(%dma_start3A_20 : memref<64xi32, #tpu.memory_space<hbm>>) target(%arg8 : memref<64xi32, #tpu.memory_space<vmem>>) target_semaphore(%run_scoped3A : memref<!tpu.dma_semaphore, #tpu.memory_space<semaphore_mem>>)
      %dma_wait3A_21 = tpu.memref_slice %arg5[%add3A_12] : memref<2048xi32, #tpu.memory_space<hbm>> -> memref<64xi32, #tpu.memory_space<hbm>>
      %dma_wait3A_22 = tpu.memref_slice %arg5[%add3A_12] : memref<2048xi32, #tpu.memory_space<hbm>> -> memref<64xi32, #tpu.memory_space<hbm>>
      tpu.wait_dma2 semaphore(%run_scoped3A : memref<!tpu.dma_semaphore, #tpu.memory_space<semaphore_mem>>) src(%dma_wait3A_22 : memref<64xi32, #tpu.memory_space<hbm>>) dst(%arg8 : memref<64xi32, #tpu.memory_space<vmem>>)
      tpu.yield
    }) : () -> ()
    %dma_start3A_13 = arith.constant 0 : i32
    %dma_start3A_14 = arith.constant 0 : i32
    %dma_start3A_15 = tpu.memref_slice %arg4[%dma_start3A_13, %dma_start3A_14] : memref<16384x1024xf32, #tpu.memory_space<hbm>> -> memref<16384x1024xf32, #tpu.memory_space<hbm>>
    tpu.enqueue_indirect_dma source(%dma_start3A_15 : memref<16384x1024xf32, #tpu.memory_space<hbm>>) target(%arg9 : memref<64x1024xf32, #tpu.memory_space<vmem>>) offsets(%arg8 : memref<64xi32, #tpu.memory_space<vmem>>) semaphore(%arg10 : memref<!tpu.dma_semaphore, #tpu.memory_space<semaphore_mem>>)
    %dma_wait3A_16 = arith.constant 0 : i32
    %dma_wait3A_17 = arith.constant 0 : i32
    %dma_wait3A_18 = tpu.memref_slice %arg4[%dma_wait3A_16, %dma_wait3A_17] : memref<16384x1024xf32, #tpu.memory_space<hbm>> -> memref<16384x1024xf32, #tpu.memory_space<hbm>>
    tpu.wait_indirect_dma semaphore(%arg10 : memref<!tpu.dma_semaphore, #tpu.memory_space<semaphore_mem>>) src(%dma_wait3A_18 : memref<16384x1024xf32, #tpu.memory_space<hbm>>) dst(%arg9 : memref<64x1024xf32, #tpu.memory_space<vmem>>)
    "tpu.region"() ({
      %run_scoped3A = tpu.sem_alloc : memref<!tpu.dma_semaphore, #tpu.memory_space<semaphore_mem>>
      %dma_start3A_19 = arith.constant 0 : i32
      %dma_start3A_20 = tpu.memref_slice %arg7[%add3A_12, %dma_start3A_19] : memref<2048x1024xf32, #tpu.memory_space<hbm>> -> memref<64x1024xf32, #tpu.memory_space<hbm>>
      %dma_start3A_21 = arith.constant 0 : i32
      %dma_start3A_22 = tpu.memref_slice %arg7[%add3A_12, %dma_start3A_21] : memref<2048x1024xf32, #tpu.memory_space<hbm>> -> memref<64x1024xf32, #tpu.memory_space<hbm>>
      tpu.enqueue_dma source(%arg9 : memref<64x1024xf32, #tpu.memory_space<vmem>>) target(%dma_start3A_22 : memref<64x1024xf32, #tpu.memory_space<hbm>>) target_semaphore(%run_scoped3A : memref<!tpu.dma_semaphore, #tpu.memory_space<semaphore_mem>>)
      %dma_wait3A_23 = arith.constant 0 : i32
      %dma_wait3A_24 = tpu.memref_slice %arg7[%add3A_12, %dma_wait3A_23] : memref<2048x1024xf32, #tpu.memory_space<hbm>> -> memref<64x1024xf32, #tpu.memory_space<hbm>>
      %dma_wait3A_25 = arith.constant 0 : i32
      %dma_wait3A_26 = tpu.memref_slice %arg7[%add3A_12, %dma_wait3A_25] : memref<2048x1024xf32, #tpu.memory_space<hbm>> -> memref<64x1024xf32, #tpu.memory_space<hbm>>
      tpu.wait_dma2 semaphore(%run_scoped3A : memref<!tpu.dma_semaphore, #tpu.memory_space<semaphore_mem>>) src(%arg9 : memref<64x1024xf32, #tpu.memory_space<vmem>>) dst(%dma_wait3A_26 : memref<64x1024xf32, #tpu.memory_space<hbm>>)
      tpu.yield
    }) : () -> ()
    return
  }
}

#map = affine_map<(d0, d1) -> (0, 0)>
#map1 = affine_map<(d0, d1) -> (0)>
module attributes {stable_mosaic.version = 14 : i64} {
  func.func @k(%arg0: i32, %arg1: i32, %arg2: memref<32768x1024xf32, #tpu.memory_space<hbm>>, %arg3: memref<2048xi32, #tpu.memory_space<hbm>>, %arg4: memref<2048x1024xf32, #tpu.memory_space<hbm>>, %arg5: memref<64xi32, #tpu.memory_space<vmem>>, %arg6: memref<64x1024xf32, #tpu.memory_space<vmem>>, %arg7: memref<!tpu.dma_semaphore, #tpu.memory_space<semaphore_mem>>) attributes {dimension_semantics = [#tpu.dimension_semantics<core_parallel>, #tpu.dimension_semantics<subcore_parallel>], iteration_bounds = array<i64: 2, 16>, scalar_prefetch = 0 : i64, scratch_operands = 3 : i64, tpu.core_type = #tpu.core_type<sc_vector_subcore>, window_params = [{transform_indices = #map}, {transform_indices = #map1}, {transform_indices = #map}]} {
    %mul3A = arith.constant 2 : i32
    %mul3A_0 = arith.muli %arg1, %mul3A : i32
    %add3A = arith.addi %mul3A_0, %arg0 : i32
    %mul3A_1 = arith.constant 64 : i32
    %mul3A_2 = arith.muli %add3A, %mul3A_1 : i32
    %add3A_3 = arith.constant 0 : i32
    %add3A_4 = arith.addi %mul3A_2, %add3A_3 : i32
    "tpu.region"() ({
      %run_scoped3A = tpu.sem_alloc : memref<!tpu.dma_semaphore, #tpu.memory_space<semaphore_mem>>
      %dma_start3A_9 = tpu.memref_slice %arg3[%add3A_4] : memref<2048xi32, #tpu.memory_space<hbm>> -> memref<64xi32, #tpu.memory_space<hbm>>
      %dma_start3A_10 = tpu.memref_slice %arg3[%add3A_4] : memref<2048xi32, #tpu.memory_space<hbm>> -> memref<64xi32, #tpu.memory_space<hbm>>
      tpu.enqueue_dma source(%dma_start3A_10 : memref<64xi32, #tpu.memory_space<hbm>>) target(%arg5 : memref<64xi32, #tpu.memory_space<vmem>>) target_semaphore(%run_scoped3A : memref<!tpu.dma_semaphore, #tpu.memory_space<semaphore_mem>>)
      %dma_wait3A_11 = tpu.memref_slice %arg3[%add3A_4] : memref<2048xi32, #tpu.memory_space<hbm>> -> memref<64xi32, #tpu.memory_space<hbm>>
      %dma_wait3A_12 = tpu.memref_slice %arg3[%add3A_4] : memref<2048xi32, #tpu.memory_space<hbm>> -> memref<64xi32, #tpu.memory_space<hbm>>
      tpu.wait_dma2 semaphore(%run_scoped3A : memref<!tpu.dma_semaphore, #tpu.memory_space<semaphore_mem>>) src(%dma_wait3A_12 : memref<64xi32, #tpu.memory_space<hbm>>) dst(%arg5 : memref<64xi32, #tpu.memory_space<vmem>>)
      tpu.yield
    }) : () -> ()
    %dma_start3A = arith.constant 0 : i32
    %dma_start3A_5 = arith.constant 0 : i32
    %dma_start3A_6 = tpu.memref_slice %arg2[%dma_start3A, %dma_start3A_5] : memref<32768x1024xf32, #tpu.memory_space<hbm>> -> memref<32768x1024xf32, #tpu.memory_space<hbm>>
    tpu.enqueue_indirect_dma source(%dma_start3A_6 : memref<32768x1024xf32, #tpu.memory_space<hbm>>) target(%arg6 : memref<64x1024xf32, #tpu.memory_space<vmem>>) offsets(%arg5 : memref<64xi32, #tpu.memory_space<vmem>>) semaphore(%arg7 : memref<!tpu.dma_semaphore, #tpu.memory_space<semaphore_mem>>)
    %dma_wait3A = arith.constant 0 : i32
    %dma_wait3A_7 = arith.constant 0 : i32
    %dma_wait3A_8 = tpu.memref_slice %arg2[%dma_wait3A, %dma_wait3A_7] : memref<32768x1024xf32, #tpu.memory_space<hbm>> -> memref<32768x1024xf32, #tpu.memory_space<hbm>>
    tpu.wait_indirect_dma semaphore(%arg7 : memref<!tpu.dma_semaphore, #tpu.memory_space<semaphore_mem>>) src(%dma_wait3A_8 : memref<32768x1024xf32, #tpu.memory_space<hbm>>) dst(%arg6 : memref<64x1024xf32, #tpu.memory_space<vmem>>)
    "tpu.region"() ({
      %run_scoped3A = tpu.sem_alloc : memref<!tpu.dma_semaphore, #tpu.memory_space<semaphore_mem>>
      %dma_start3A_9 = arith.constant 0 : i32
      %dma_start3A_10 = tpu.memref_slice %arg4[%add3A_4, %dma_start3A_9] : memref<2048x1024xf32, #tpu.memory_space<hbm>> -> memref<64x1024xf32, #tpu.memory_space<hbm>>
      %dma_start3A_11 = arith.constant 0 : i32
      %dma_start3A_12 = tpu.memref_slice %arg4[%add3A_4, %dma_start3A_11] : memref<2048x1024xf32, #tpu.memory_space<hbm>> -> memref<64x1024xf32, #tpu.memory_space<hbm>>
      tpu.enqueue_dma source(%arg6 : memref<64x1024xf32, #tpu.memory_space<vmem>>) target(%dma_start3A_12 : memref<64x1024xf32, #tpu.memory_space<hbm>>) target_semaphore(%run_scoped3A : memref<!tpu.dma_semaphore, #tpu.memory_space<semaphore_mem>>)
      %dma_wait3A_13 = arith.constant 0 : i32
      %dma_wait3A_14 = tpu.memref_slice %arg4[%add3A_4, %dma_wait3A_13] : memref<2048x1024xf32, #tpu.memory_space<hbm>> -> memref<64x1024xf32, #tpu.memory_space<hbm>>
      %dma_wait3A_15 = arith.constant 0 : i32
      %dma_wait3A_16 = tpu.memref_slice %arg4[%add3A_4, %dma_wait3A_15] : memref<2048x1024xf32, #tpu.memory_space<hbm>> -> memref<64x1024xf32, #tpu.memory_space<hbm>>
      tpu.wait_dma2 semaphore(%run_scoped3A : memref<!tpu.dma_semaphore, #tpu.memory_space<semaphore_mem>>) src(%arg6 : memref<64x1024xf32, #tpu.memory_space<vmem>>) dst(%dma_wait3A_16 : memref<64x1024xf32, #tpu.memory_space<hbm>>)
      tpu.yield
    }) : () -> ()
    return
  }
}

module attributes {stable_mosaic.version = 14 : i64} {
  func.func @_topk_body(%arg0: i32, %arg1: i32, %arg2: memref<1x256x1024xf32, #tpu.memory_space<vmem>>, %arg3: memref<1x1x2048x1024xf32, #tpu.memory_space<vmem>>, %arg4: memref<1x256x4xi32, #tpu.memory_space<vmem>>, %arg5: memref<256x4xi32, #tpu.memory_space<vmem>>, %arg6: memref<256x4xi32, #tpu.memory_space<vmem>>, %arg7: memref<256x1024xf32, #tpu.memory_space<vmem>>) attributes {dimension_semantics = [#tpu.dimension_semantics<arbitrary>, #tpu.dimension_semantics<arbitrary>], iteration_bounds = array<i64: 2, 4>, scalar_prefetch = 0 : i64, scratch_operands = 3 : i64, tpu.core_type = #tpu.core_type<tc>, window_params = [{transform_indices = @transform_0, window_bounds = array<i64: 1, 256, 1024>}, {transform_indices = @transform_1, window_bounds = array<i64: 1, 1, 2048, 1024>}, {transform_indices = @transform_2, window_bounds = array<i64: 1, 256, 4>}]} {
    %broadcast_in_dim3A = arith.constant 1.000000e+00 : f32
    %broadcast_in_dim3A_0 = vector.broadcast %broadcast_in_dim3A : f32 to vector<1024xf32>
    %eq3A = arith.constant 0 : i32
    %eq3A_1 = arith.cmpi eq, %arg1, %eq3A : i32
    %convert_element_type3A = arith.extui %eq3A_1 : i1 to i32
    %cond3A = arith.constant 0 : i32
    %cond3A_2 = arith.cmpi ne, %convert_element_type3A, %cond3A : i32
    scf.if %cond3A_2 {
      %get3A_238 = arith.constant 0 : index
      %get3A_239 = arith.constant 0 : index
      %get3A_240 = arith.constant 0 : index
      %get3A_241 = vector.load %arg2[%get3A_238, %get3A_239, %get3A_240] : memref<1x256x1024xf32, #tpu.memory_space<vmem>>, vector<1x256x1024xf32>
      %get3A_242 = vector.shape_cast %get3A_241 : vector<1x256x1024xf32> to vector<256x1024xf32>
      %mul3A_243 = arith.mulf %get3A_242, %get3A_242 : vector<256x1024xf32>
      %dot_general3A_244 = arith.constant dense<0.000000e+00> : vector<256xf32>
      %dot_general3A_245 = tpu.matmul %mul3A_243, %broadcast_in_dim3A_0, %dot_general3A_244 {dimension_numbers = #tpu.dot_dimension_numbers<[1], [0], [0], [], [0, 0], [], []>, transpose_lhs_hint = false} : vector<256x1024xf32>, vector<1024xf32>, vector<256xf32> -> vector<256xf32>
      %sqrt3A_246 = math.sqrt %dot_general3A_245 : vector<256xf32>
      %broadcast_in_dim3A_247 = vector.shape_cast %sqrt3A_246 : vector<256xf32> to vector<256x1xf32>
      %add3A_248 = arith.constant 9.99999996E-13 : f32
      %add3A_249 = vector.broadcast %add3A_248 : f32 to vector<256x1xf32>
      %add3A_250 = arith.addf %broadcast_in_dim3A_247, %add3A_249 : vector<256x1xf32>
      %div3A_251 = vector.broadcast %add3A_250 : vector<256x1xf32> to vector<256x1024xf32>
      %div3A_252 = arith.divf %get3A_242, %div3A_251 : vector<256x1024xf32>
      %swap3A_253 = arith.constant 0 : index
      %swap3A_254 = arith.constant 0 : index
      %swap3A_255 = vector.load %arg7[%swap3A_253, %swap3A_254] : memref<256x1024xf32, #tpu.memory_space<vmem>>, vector<256x1024xf32>
      tpu.vector_store %arg7[%swap3A_253, %swap3A_254], %div3A_252 {strides = array<i32>} : memref<256x1024xf32, #tpu.memory_space<vmem>>, vector<256x1024xf32>,
    } else {
    }
    %get3A = arith.constant 0 : index
    %get3A_3 = arith.constant 0 : index
    %get3A_4 = arith.constant 0 : index
    %get3A_5 = arith.constant 0 : index
    %get3A_6 = vector.load %arg3[%get3A, %get3A_3, %get3A_4, %get3A_5] : memref<1x1x2048x1024xf32, #tpu.memory_space<vmem>>, vector<1x1x2048x1024xf32>
    %get3A_7 = vector.shape_cast %get3A_6 : vector<1x1x2048x1024xf32> to vector<2048x1024xf32>
    %mul3A = arith.mulf %get3A_7, %get3A_7 : vector<2048x1024xf32>
    %dot_general3A = arith.constant dense<0.000000e+00> : vector<2048xf32>
    %dot_general3A_8 = tpu.matmul %mul3A, %broadcast_in_dim3A_0, %dot_general3A {dimension_numbers = #tpu.dot_dimension_numbers<[1], [0], [0], [], [0, 0], [], []>, transpose_lhs_hint = false} : vector<2048x1024xf32>, vector<1024xf32>, vector<2048xf32> -> vector<2048xf32>
    %sqrt3A = math.sqrt %dot_general3A_8 : vector<2048xf32>
    %add3A = arith.constant 9.99999996E-13 : f32
    %add3A_9 = vector.broadcast %add3A : f32 to vector<2048xf32>
    %add3A_10 = arith.addf %sqrt3A, %add3A_9 : vector<2048xf32>
    %div3A = arith.constant 1.000000e+00 : f32
    %div3A_11 = vector.broadcast %div3A : f32 to vector<2048xf32>
    %div3A_12 = arith.divf %div3A_11, %add3A_10 : vector<2048xf32>
    %get3A_13 = arith.constant 0 : index
    %get3A_14 = arith.constant 0 : index
    %get3A_15 = vector.load %arg7[%get3A_13, %get3A_14] : memref<256x1024xf32, #tpu.memory_space<vmem>>, vector<256x1024xf32>
    %dot_general3A_16 = arith.constant dense<0.000000e+00> : vector<256x2048xf32>
    %dot_general3A_17 = tpu.matmul %get3A_15, %get3A_7, %dot_general3A_16 {dimension_numbers = #tpu.dot_dimension_numbers<[1], [1], [0], [0], [0, 0, 1, 0], [], []>, transpose_lhs_hint = false} : vector<256x1024xf32>, vector<2048x1024xf32>, vector<256x2048xf32> -> vector<256x2048xf32>
    %broadcast_in_dim3A_18 = vector.shape_cast %div3A_12 : vector<2048xf32> to vector<1x2048xf32>
    %mul3A_19 = vector.broadcast %broadcast_in_dim3A_18 : vector<1x2048xf32> to vector<256x2048xf32>
    %mul3A_20 = arith.mulf %dot_general3A_17, %mul3A_19 : vector<256x2048xf32>
    %jit3A = arith.constant 1 : i32
    %div3A_21 = arith.divsi %arg1, %jit3A : i32
    %sign3A = arith.constant 0 : i32
    %sign3A_22 = arith.cmpi sgt, %arg1, %sign3A : i32
    %sign3A_23 = arith.extui %sign3A_22 : i1 to i32
    %sign3A_24 = arith.constant 0 : i32
    %sign3A_25 = arith.cmpi slt, %arg1, %sign3A_24 : i32
    %sign3A_26 = arith.extui %sign3A_25 : i1 to i32
    %sign3A_27 = arith.subi %sign3A_23, %sign3A_26 : i32
    %sign3A_28 = arith.constant 0 : i32
    %sign3A_29 = arith.cmpi sgt, %jit3A, %sign3A_28 : i32
    %sign3A_30 = arith.extui %sign3A_29 : i1 to i32
    %sign3A_31 = arith.constant 0 : i32
    %sign3A_32 = arith.cmpi slt, %jit3A, %sign3A_31 : i32
    %sign3A_33 = arith.extui %sign3A_32 : i1 to i32
    %sign3A_34 = arith.subi %sign3A_30, %sign3A_33 : i32
    %ne3A = arith.cmpi ne, %sign3A_27, %sign3A_34 : i32
    %rem3A = arith.remsi %arg1, %jit3A : i32
    %ne3A_35 = arith.constant 0 : i32
    %ne3A_36 = arith.cmpi ne, %rem3A, %ne3A_35 : i32
    %and3A = arith.andi %ne3A, %ne3A_36 : i1
    %sub3A = arith.constant 1 : i32
    %sub3A_37 = arith.subi %div3A_21, %sub3A : i32
    %select_n3A = arith.select %and3A, %sub3A_37, %div3A_21 : i32
    %mul3A_38 = arith.constant 2 : i32
    %mul3A_39 = arith.muli %mul3A_38, %select_n3A : i32
    %add3A_40 = arith.constant 1 : i32
    %add3A_41 = arith.addi %add3A_40, %mul3A_39 : i32
    %mul3A_42 = arith.constant 16384 : i32
    %mul3A_43 = arith.muli %arg0, %mul3A_42 : i32
    %mul3A_44 = arith.constant 2048 : i32
    %mul3A_45 = arith.muli %add3A_41, %mul3A_44 : i32
    %add3A_46 = arith.addi %mul3A_43, %mul3A_45 : i32
    %jit3A_47 = arith.constant 1 : i32
    %eq3A_48 = arith.constant 0 : i32
    %eq3A_49 = arith.cmpi eq, %jit3A_47, %eq3A_48 : i32
    %jit3A_50 = arith.constant 1 : i32
    %select_n3A_51 = arith.select %eq3A_49, %jit3A_50, %jit3A_47 : i32
    %rem3A_52 = arith.remsi %arg1, %select_n3A_51 : i32
    %ne3A_53 = arith.constant 0 : i32
    %ne3A_54 = arith.cmpi ne, %rem3A_52, %ne3A_53 : i32
    %lt3A = arith.constant 0 : i32
    %lt3A_55 = arith.cmpi slt, %rem3A_52, %lt3A : i32
    %lt3A_56 = arith.constant 0 : i32
    %lt3A_57 = arith.cmpi slt, %select_n3A_51, %lt3A_56 : i32
    %ne3A_58 = arith.xori %lt3A_55, %lt3A_57 : i1
    %and3A_59 = arith.andi %ne3A_58, %ne3A_54 : i1
    %add3A_60 = arith.addi %rem3A_52, %select_n3A_51 : i32
    %select_n3A_61 = arith.select %and3A_59, %add3A_60, %rem3A_52 : i32
    %mul3A_62 = arith.constant 2048 : i32
    %mul3A_63 = arith.muli %select_n3A_61, %mul3A_62 : i32
    %add3A_64 = arith.addi %add3A_46, %mul3A_63 : i32
    %bitcast_convert_type3A = tpu.bitcast %mul3A_20 : vector<256x2048xf32> -> vector<256x2048xi32>
    %ge3A = arith.constant 0 : i32
    %ge3A_65 = vector.broadcast %ge3A : i32 to vector<256x2048xi32>
    %ge3A_66 = arith.cmpi sge, %bitcast_convert_type3A, %ge3A_65 : vector<256x2048xi32>
    %sub3A_67 = arith.constant -2147483648 : i32
    %sub3A_68 = vector.broadcast %sub3A_67 : i32 to vector<256x2048xi32>
    %sub3A_69 = arith.subi %sub3A_68, %bitcast_convert_type3A : vector<256x2048xi32>
    %select_n3A_70 = arith.select %ge3A_66, %bitcast_convert_type3A, %sub3A_69 : vector<256x2048xi1>, vector<256x2048xi32>
    %iota3A = tpu.iota {dimensions = array<i32: 1>} : vector<256x2048xi32>
    %sub3A_71 = arith.constant 2047 : i32
    %sub3A_72 = vector.broadcast %sub3A_71 : i32 to vector<256x2048xi32>
    %sub3A_73 = arith.subi %sub3A_72, %iota3A : vector<256x2048xi32>
    %and3A_74 = arith.constant -2048 : i32
    %and3A_75 = vector.broadcast %and3A_74 : i32 to vector<256x2048xi32>
    %and3A_76 = arith.andi %select_n3A_70, %and3A_75 : vector<256x2048xi32>
    %or3A = arith.ori %and3A_76, %sub3A_73 : vector<256x2048xi32>
    %reduce_max3A = arith.constant dense<-2147483648> : vector<256xi32>
    %reduce_max3A_77 = vector.multi_reduction <maxsi>, %or3A, %reduce_max3A [1] : vector<256x2048xi32> to vector<256xi32>
    %broadcast_in_dim3A_78 = vector.shape_cast %reduce_max3A_77 : vector<256xi32> to vector<256x1xi32>
    %eq3A_79 = vector.broadcast %broadcast_in_dim3A_78 : vector<256x1xi32> to vector<256x2048xi32>
    %eq3A_80 = arith.cmpi eq, %or3A, %eq3A_79 : vector<256x2048xi32>
    %jit3A_81 = arith.constant -2147483648 : i32
    %broadcast_in_dim3A_82 = vector.broadcast %jit3A_81 : i32 to vector<256x2048xi32>
    %select_n3A_83 = arith.select %eq3A_80, %broadcast_in_dim3A_82, %or3A : vector<256x2048xi1>, vector<256x2048xi32>
    %or3A_84 = arith.constant 2047 : i32
    %or3A_85 = vector.broadcast %or3A_84 : i32 to vector<256x1xi32>
    %or3A_86 = arith.ori %broadcast_in_dim3A_78, %or3A_85 : vector<256x1xi32>
    %and3A_87 = arith.constant 2047 : i32
    %and3A_88 = vector.broadcast %and3A_87 : i32 to vector<256x1xi32>
    %and3A_89 = arith.andi %broadcast_in_dim3A_78, %and3A_88 : vector<256x1xi32>
    %sub3A_90 = arith.constant 2047 : i32
    %sub3A_91 = vector.broadcast %sub3A_90 : i32 to vector<256x1xi32>
    %sub3A_92 = arith.subi %sub3A_91, %and3A_89 : vector<256x1xi32>
    %add3A_93 = vector.broadcast %add3A_64 : i32 to vector<256x1xi32>
    %add3A_94 = arith.addi %add3A_93, %sub3A_92 : vector<256x1xi32>
    %reduce_max3A_95 = arith.constant dense<-2147483648> : vector<256xi32>
    %reduce_max3A_96 = vector.multi_reduction <maxsi>, %select_n3A_83, %reduce_max3A_95 [1] : vector<256x2048xi32> to vector<256xi32>
    %broadcast_in_dim3A_97 = vector.shape_cast %reduce_max3A_96 : vector<256xi32> to vector<256x1xi32>
    %eq3A_98 = vector.broadcast %broadcast_in_dim3A_97 : vector<256x1xi32> to vector<256x2048xi32>
    %eq3A_99 = arith.cmpi eq, %select_n3A_83, %eq3A_98 : vector<256x2048xi32>
    %jit3A_100 = arith.constant -2147483648 : i32
    %broadcast_in_dim3A_101 = vector.broadcast %jit3A_100 : i32 to vector<256x2048xi32>
    %select_n3A_102 = arith.select %eq3A_99, %broadcast_in_dim3A_101, %select_n3A_83 : vector<256x2048xi1>, vector<256x2048xi32>
    %or3A_103 = arith.constant 2047 : i32
    %or3A_104 = vector.broadcast %or3A_103 : i32 to vector<256x1xi32>
    %or3A_105 = arith.ori %broadcast_in_dim3A_97, %or3A_104 : vector<256x1xi32>
    %and3A_106 = arith.constant 2047 : i32
    %and3A_107 = vector.broadcast %and3A_106 : i32 to vector<256x1xi32>
    %and3A_108 = arith.andi %broadcast_in_dim3A_97, %and3A_107 : vector<256x1xi32>
    %sub3A_109 = arith.constant 2047 : i32
    %sub3A_110 = vector.broadcast %sub3A_109 : i32 to vector<256x1xi32>
    %sub3A_111 = arith.subi %sub3A_110, %and3A_108 : vector<256x1xi32>
    %add3A_112 = vector.broadcast %add3A_64 : i32 to vector<256x1xi32>
    %add3A_113 = arith.addi %add3A_112, %sub3A_111 : vector<256x1xi32>
    %reduce_max3A_114 = arith.constant dense<-2147483648> : vector<256xi32>
    %reduce_max3A_115 = vector.multi_reduction <maxsi>, %select_n3A_102, %reduce_max3A_114 [1] : vector<256x2048xi32> to vector<256xi32>
    %broadcast_in_dim3A_116 = vector.shape_cast %reduce_max3A_115 : vector<256xi32> to vector<256x1xi32>
    %eq3A_117 = vector.broadcast %broadcast_in_dim3A_116 : vector<256x1xi32> to vector<256x2048xi32>
    %eq3A_118 = arith.cmpi eq, %select_n3A_102, %eq3A_117 : vector<256x2048xi32>
    %jit3A_119 = arith.constant -2147483648 : i32
    %broadcast_in_dim3A_120 = vector.broadcast %jit3A_119 : i32 to vector<256x2048xi32>
    %select_n3A_121 = arith.select %eq3A_118, %broadcast_in_dim3A_120, %select_n3A_102 : vector<256x2048xi1>, vector<256x2048xi32>
    %or3A_122 = arith.constant 2047 : i32
    %or3A_123 = vector.broadcast %or3A_122 : i32 to vector<256x1xi32>
    %or3A_124 = arith.ori %broadcast_in_dim3A_116, %or3A_123 : vector<256x1xi32>
    %and3A_125 = arith.constant 2047 : i32
    %and3A_126 = vector.broadcast %and3A_125 : i32 to vector<256x1xi32>
    %and3A_127 = arith.andi %broadcast_in_dim3A_116, %and3A_126 : vector<256x1xi32>
    %sub3A_128 = arith.constant 2047 : i32
    %sub3A_129 = vector.broadcast %sub3A_128 : i32 to vector<256x1xi32>
    %sub3A_130 = arith.subi %sub3A_129, %and3A_127 : vector<256x1xi32>
    %add3A_131 = vector.broadcast %add3A_64 : i32 to vector<256x1xi32>
    %add3A_132 = arith.addi %add3A_131, %sub3A_130 : vector<256x1xi32>
    %reduce_max3A_133 = arith.constant dense<-2147483648> : vector<256xi32>
    %reduce_max3A_134 = vector.multi_reduction <maxsi>, %select_n3A_121, %reduce_max3A_133 [1] : vector<256x2048xi32> to vector<256xi32>
    %broadcast_in_dim3A_135 = vector.shape_cast %reduce_max3A_134 : vector<256xi32> to vector<256x1xi32>
    %or3A_136 = arith.constant 2047 : i32
    %or3A_137 = vector.broadcast %or3A_136 : i32 to vector<256x1xi32>
    %or3A_138 = arith.ori %broadcast_in_dim3A_135, %or3A_137 : vector<256x1xi32>
    %and3A_139 = arith.constant 2047 : i32
    %and3A_140 = vector.broadcast %and3A_139 : i32 to vector<256x1xi32>
    %and3A_141 = arith.andi %broadcast_in_dim3A_135, %and3A_140 : vector<256x1xi32>
    %sub3A_142 = arith.constant 2047 : i32
    %sub3A_143 = vector.broadcast %sub3A_142 : i32 to vector<256x1xi32>
    %sub3A_144 = arith.subi %sub3A_143, %and3A_141 : vector<256x1xi32>
    %add3A_145 = vector.broadcast %add3A_64 : i32 to vector<256x1xi32>
    %add3A_146 = arith.addi %add3A_145, %sub3A_144 : vector<256x1xi32>
    %eq3A_147 = arith.constant 0 : i32
    %eq3A_148 = arith.cmpi eq, %arg1, %eq3A_147 : i32
    %convert_element_type3A_149 = arith.extui %eq3A_148 : i1 to i32
    %cond3A_150 = arith.constant 0 : i32
    %cond3A_151 = arith.cmpi ne, %convert_element_type3A_149, %cond3A_150 : i32
    scf.if %cond3A_151 {
      %broadcast_in_dim3A_238 = arith.constant -2147483648 : i32
      %broadcast_in_dim3A_239 = vector.broadcast %broadcast_in_dim3A_238 : i32 to vector<256x4xi32>
      %swap3A_240 = arith.constant 0 : index
      %swap3A_241 = arith.constant 0 : index
      %swap3A_242 = vector.load %arg5[%swap3A_240, %swap3A_241] : memref<256x4xi32, #tpu.memory_space<vmem>>, vector<256x4xi32>
      tpu.vector_store %arg5[%swap3A_240, %swap3A_241], %broadcast_in_dim3A_239 {strides = array<i32>} : memref<256x4xi32, #tpu.memory_space<vmem>>, vector<256x4xi32>,
      %broadcast_in_dim3A_243 = arith.constant 0 : i32
      %broadcast_in_dim3A_244 = vector.broadcast %broadcast_in_dim3A_243 : i32 to vector<256x4xi32>
      %swap3A_245 = arith.constant 0 : index
      %swap3A_246 = arith.constant 0 : index
      %swap3A_247 = vector.load %arg6[%swap3A_245, %swap3A_246] : memref<256x4xi32, #tpu.memory_space<vmem>>, vector<256x4xi32>
      tpu.vector_store %arg6[%swap3A_245, %swap3A_246], %broadcast_in_dim3A_244 {strides = array<i32>} : memref<256x4xi32, #tpu.memory_space<vmem>>, vector<256x4xi32>,
    } else {
    }
    %get3A_152 = arith.constant 0 : index
    %get3A_153 = arith.constant 0 : index
    %get3A_154 = vector.load %arg5[%get3A_152, %get3A_153] : memref<256x4xi32, #tpu.memory_space<vmem>>, vector<256x4xi32>
    %concatenate3A = tpu.concatenate %get3A_154, %or3A_86, %or3A_105, %or3A_124, %or3A_138 in 1 : vector<256x4xi32>, vector<256x1xi32>, vector<256x1xi32>, vector<256x1xi32>, vector<256x1xi32> -> vector<256x8xi32>
    %get3A_155 = arith.constant 0 : index
    %get3A_156 = arith.constant 0 : index
    %get3A_157 = vector.load %arg6[%get3A_155, %get3A_156] : memref<256x4xi32, #tpu.memory_space<vmem>>, vector<256x4xi32>
    %concatenate3A_158 = tpu.concatenate %get3A_157, %add3A_94, %add3A_113, %add3A_132, %add3A_146 in 1 : vector<256x4xi32>, vector<256x1xi32>, vector<256x1xi32>, vector<256x1xi32>, vector<256x1xi32> -> vector<256x8xi32>
    %reduce_max3A_159 = arith.constant dense<-2147483648> : vector<256xi32>
    %reduce_max3A_160 = vector.multi_reduction <maxsi>, %concatenate3A, %reduce_max3A_159 [1] : vector<256x8xi32> to vector<256xi32>
    %broadcast_in_dim3A_161 = vector.shape_cast %reduce_max3A_160 : vector<256xi32> to vector<256x1xi32>
    %eq3A_162 = vector.broadcast %broadcast_in_dim3A_161 : vector<256x1xi32> to vector<256x8xi32>
    %eq3A_163 = arith.cmpi eq, %concatenate3A, %eq3A_162 : vector<256x8xi32>
    %jit3A_164 = arith.constant 1073741824 : i32
    %broadcast_in_dim3A_165 = vector.broadcast %jit3A_164 : i32 to vector<256x8xi32>
    %select_n3A_166 = arith.select %eq3A_163, %concatenate3A_158, %broadcast_in_dim3A_165 : vector<256x8xi1>, vector<256x8xi32>
    %reduce_min3A = arith.constant dense<2147483647> : vector<256xi32>
    %reduce_min3A_167 = vector.multi_reduction <minsi>, %select_n3A_166, %reduce_min3A [1] : vector<256x8xi32> to vector<256xi32>
    %broadcast_in_dim3A_168 = vector.shape_cast %reduce_min3A_167 : vector<256xi32> to vector<256x1xi32>
    %eq3A_169 = vector.broadcast %broadcast_in_dim3A_161 : vector<256x1xi32> to vector<256x8xi32>
    %eq3A_170 = arith.cmpi eq, %concatenate3A, %eq3A_169 : vector<256x8xi32>
    %eq3A_171 = vector.broadcast %broadcast_in_dim3A_168 : vector<256x1xi32> to vector<256x8xi32>
    %eq3A_172 = arith.cmpi eq, %concatenate3A_158, %eq3A_171 : vector<256x8xi32>
    %and3A_173 = arith.andi %eq3A_170, %eq3A_172 : vector<256x8xi1>
    %jit3A_174 = arith.constant -2147483648 : i32
    %broadcast_in_dim3A_175 = vector.broadcast %jit3A_174 : i32 to vector<256x8xi32>
    %select_n3A_176 = arith.select %and3A_173, %broadcast_in_dim3A_175, %concatenate3A : vector<256x8xi1>, vector<256x8xi32>
    %reduce_max3A_177 = arith.constant dense<-2147483648> : vector<256xi32>
    %reduce_max3A_178 = vector.multi_reduction <maxsi>, %select_n3A_176, %reduce_max3A_177 [1] : vector<256x8xi32> to vector<256xi32>
    %broadcast_in_dim3A_179 = vector.shape_cast %reduce_max3A_178 : vector<256xi32> to vector<256x1xi32>
    %eq3A_180 = vector.broadcast %broadcast_in_dim3A_179 : vector<256x1xi32> to vector<256x8xi32>
    %eq3A_181 = arith.cmpi eq, %select_n3A_176, %eq3A_180 : vector<256x8xi32>
    %jit3A_182 = arith.constant 1073741824 : i32
    %broadcast_in_dim3A_183 = vector.broadcast %jit3A_182 : i32 to vector<256x8xi32>
    %select_n3A_184 = arith.select %eq3A_181, %concatenate3A_158, %broadcast_in_dim3A_183 : vector<256x8xi1>, vector<256x8xi32>
    %reduce_min3A_185 = arith.constant dense<2147483647> : vector<256xi32>
    %reduce_min3A_186 = vector.multi_reduction <minsi>, %select_n3A_184, %reduce_min3A_185 [1] : vector<256x8xi32> to vector<256xi32>
    %broadcast_in_dim3A_187 = vector.shape_cast %reduce_min3A_186 : vector<256xi32> to vector<256x1xi32>
    %eq3A_188 = vector.broadcast %broadcast_in_dim3A_179 : vector<256x1xi32> to vector<256x8xi32>
    %eq3A_189 = arith.cmpi eq, %select_n3A_176, %eq3A_188 : vector<256x8xi32>
    %eq3A_190 = vector.broadcast %broadcast_in_dim3A_187 : vector<256x1xi32> to vector<256x8xi32>
    %eq3A_191 = arith.cmpi eq, %concatenate3A_158, %eq3A_190 : vector<256x8xi32>
    %and3A_192 = arith.andi %eq3A_189, %eq3A_191 : vector<256x8xi1>
    %jit3A_193 = arith.constant -2147483648 : i32
    %broadcast_in_dim3A_194 = vector.broadcast %jit3A_193 : i32 to vector<256x8xi32>
    %select_n3A_195 = arith.select %and3A_192, %broadcast_in_dim3A_194, %select_n3A_176 : vector<256x8xi1>, vector<256x8xi32>
    %reduce_max3A_196 = arith.constant dense<-2147483648> : vector<256xi32>
    %reduce_max3A_197 = vector.multi_reduction <maxsi>, %select_n3A_195, %reduce_max3A_196 [1] : vector<256x8xi32> to vector<256xi32>
    %broadcast_in_dim3A_198 = vector.shape_cast %reduce_max3A_197 : vector<256xi32> to vector<256x1xi32>
    %eq3A_199 = vector.broadcast %broadcast_in_dim3A_198 : vector<256x1xi32> to vector<256x8xi32>
    %eq3A_200 = arith.cmpi eq, %select_n3A_195, %eq3A_199 : vector<256x8xi32>
    %jit3A_201 = arith.constant 1073741824 : i32
    %broadcast_in_dim3A_202 = vector.broadcast %jit3A_201 : i32 to vector<256x8xi32>
    %select_n3A_203 = arith.select %eq3A_200, %concatenate3A_158, %broadcast_in_dim3A_202 : vector<256x8xi1>, vector<256x8xi32>
    %reduce_min3A_204 = arith.constant dense<2147483647> : vector<256xi32>
    %reduce_min3A_205 = vector.multi_reduction <minsi>, %select_n3A_203, %reduce_min3A_204 [1] : vector<256x8xi32> to vector<256xi32>
    %broadcast_in_dim3A_206 = vector.shape_cast %reduce_min3A_205 : vector<256xi32> to vector<256x1xi32>
    %eq3A_207 = vector.broadcast %broadcast_in_dim3A_198 : vector<256x1xi32> to vector<256x8xi32>
    %eq3A_208 = arith.cmpi eq, %select_n3A_195, %eq3A_207 : vector<256x8xi32>
    %eq3A_209 = vector.broadcast %broadcast_in_dim3A_206 : vector<256x1xi32> to vector<256x8xi32>
    %eq3A_210 = arith.cmpi eq, %concatenate3A_158, %eq3A_209 : vector<256x8xi32>
    %and3A_211 = arith.andi %eq3A_208, %eq3A_210 : vector<256x8xi1>
    %jit3A_212 = arith.constant -2147483648 : i32
    %broadcast_in_dim3A_213 = vector.broadcast %jit3A_212 : i32 to vector<256x8xi32>
    %select_n3A_214 = arith.select %and3A_211, %broadcast_in_dim3A_213, %select_n3A_195 : vector<256x8xi1>, vector<256x8xi32>
    %reduce_max3A_215 = arith.constant dense<-2147483648> : vector<256xi32>
    %reduce_max3A_216 = vector.multi_reduction <maxsi>, %select_n3A_214, %reduce_max3A_215 [1] : vector<256x8xi32> to vector<256xi32>
    %broadcast_in_dim3A_217 = vector.shape_cast %reduce_max3A_216 : vector<256xi32> to vector<256x1xi32>
    %eq3A_218 = vector.broadcast %broadcast_in_dim3A_217 : vector<256x1xi32> to vector<256x8xi32>
    %eq3A_219 = arith.cmpi eq, %select_n3A_214, %eq3A_218 : vector<256x8xi32>
    %jit3A_220 = arith.constant 1073741824 : i32
    %broadcast_in_dim3A_221 = vector.broadcast %jit3A_220 : i32 to vector<256x8xi32>
    %select_n3A_222 = arith.select %eq3A_219, %concatenate3A_158, %broadcast_in_dim3A_221 : vector<256x8xi1>, vector<256x8xi32>
    %reduce_min3A_223 = arith.constant dense<2147483647> : vector<256xi32>
    %reduce_min3A_224 = vector.multi_reduction <minsi>, %select_n3A_222, %reduce_min3A_223 [1] : vector<256x8xi32> to vector<256xi32>
    %broadcast_in_dim3A_225 = vector.shape_cast %reduce_min3A_224 : vector<256xi32> to vector<256x1xi32>
    %concatenate3A_226 = tpu.concatenate %broadcast_in_dim3A_161, %broadcast_in_dim3A_179, %broadcast_in_dim3A_198, %broadcast_in_dim3A_217 in 1 : vector<256x1xi32>, vector<256x1xi32>, vector<256x1xi32>, vector<256x1xi32> -> vector<256x4xi32>
    %swap3A = arith.constant 0 : index
    %swap3A_227 = arith.constant 0 : index
    %swap3A_228 = vector.load %arg5[%swap3A, %swap3A_227] : memref<256x4xi32, #tpu.memory_space<vmem>>, vector<256x4xi32>
    tpu.vector_store %arg5[%swap3A, %swap3A_227], %concatenate3A_226 {strides = array<i32>} : memref<256x4xi32, #tpu.memory_space<vmem>>, vector<256x4xi32>,
    %concatenate3A_229 = tpu.concatenate %broadcast_in_dim3A_168, %broadcast_in_dim3A_187, %broadcast_in_dim3A_206, %broadcast_in_dim3A_225 in 1 : vector<256x1xi32>, vector<256x1xi32>, vector<256x1xi32>, vector<256x1xi32> -> vector<256x4xi32>
    %swap3A_230 = arith.constant 0 : index
    %swap3A_231 = arith.constant 0 : index
    %swap3A_232 = vector.load %arg6[%swap3A_230, %swap3A_231] : memref<256x4xi32, #tpu.memory_space<vmem>>, vector<256x4xi32>
    tpu.vector_store %arg6[%swap3A_230, %swap3A_231], %concatenate3A_229 {strides = array<i32>} : memref<256x4xi32, #tpu.memory_space<vmem>>, vector<256x4xi32>,
    %eq3A_233 = arith.constant 3 : i32
    %eq3A_234 = arith.cmpi eq, %arg1, %eq3A_233 : i32
    %convert_element_type3A_235 = arith.extui %eq3A_234 : i1 to i32
    %cond3A_236 = arith.constant 0 : i32
    %cond3A_237 = arith.cmpi ne, %convert_element_type3A_235, %cond3A_236 : i32
    scf.if %cond3A_237 {
      %get3A_238 = arith.constant 0 : index
      %get3A_239 = arith.constant 0 : index
      %get3A_240 = vector.load %arg6[%get3A_238, %get3A_239] : memref<256x4xi32, #tpu.memory_space<vmem>>, vector<256x4xi32>
      %swap3A_241 = arith.constant 0 : index
      %swap3A_242 = arith.constant 0 : index
      %swap3A_243 = arith.constant 0 : index
      %swap3A_244 = vector.load %arg4[%swap3A_241, %swap3A_242, %swap3A_243] : memref<1x256x4xi32, #tpu.memory_space<vmem>>, vector<1x256x4xi32>
      %swap3A_245 = vector.shape_cast %swap3A_244 : vector<1x256x4xi32> to vector<256x4xi32>
      %swap3A_246 = vector.shape_cast %get3A_240 : vector<256x4xi32> to vector<1x256x4xi32>
      tpu.vector_store %arg4[%swap3A_241, %swap3A_242, %swap3A_243], %swap3A_246 {strides = array<i32>} : memref<1x256x4xi32, #tpu.memory_space<vmem>>, vector<1x256x4xi32>,
    } else {
    }
    return
  }
  func.func @transform_0(%arg0: i32, %arg1: i32) -> (i32, i32, i32) {
    %mul3A = arith.constant 4 : i32
    %mul3A_0 = arith.muli %mul3A, %arg0 : i32
    %c0_i32 = arith.constant 0 : i32
    %c0_i32_1 = arith.constant 0 : i32
    %c0_i32_2 = arith.constant 0 : i32
    return %mul3A_0, %c0_i32, %c0_i32_1 : i32, i32, i32
  }
  func.func @transform_1(%arg0: i32, %arg1: i32) -> (i32, i32, i32, i32) {
    %jit3A = arith.constant 1 : i32
    %div3A = arith.divsi %arg1, %jit3A : i32
    %sign3A = arith.constant 0 : i32
    %sign3A_0 = arith.cmpi sgt, %arg1, %sign3A : i32
    %sign3A_1 = arith.extui %sign3A_0 : i1 to i32
    %sign3A_2 = arith.constant 0 : i32
    %sign3A_3 = arith.cmpi slt, %arg1, %sign3A_2 : i32
    %sign3A_4 = arith.extui %sign3A_3 : i1 to i32
    %sign3A_5 = arith.subi %sign3A_1, %sign3A_4 : i32
    %sign3A_6 = arith.constant 0 : i32
    %sign3A_7 = arith.cmpi sgt, %jit3A, %sign3A_6 : i32
    %sign3A_8 = arith.extui %sign3A_7 : i1 to i32
    %sign3A_9 = arith.constant 0 : i32
    %sign3A_10 = arith.cmpi slt, %jit3A, %sign3A_9 : i32
    %sign3A_11 = arith.extui %sign3A_10 : i1 to i32
    %sign3A_12 = arith.subi %sign3A_8, %sign3A_11 : i32
    %ne3A = arith.cmpi ne, %sign3A_5, %sign3A_12 : i32
    %rem3A = arith.remsi %arg1, %jit3A : i32
    %ne3A_13 = arith.constant 0 : i32
    %ne3A_14 = arith.cmpi ne, %rem3A, %ne3A_13 : i32
    %and3A = arith.andi %ne3A, %ne3A_14 : i1
    %sub3A = arith.constant 1 : i32
    %sub3A_15 = arith.subi %div3A, %sub3A : i32
    %select_n3A = arith.select %and3A, %sub3A_15, %div3A : i32
    %mul3A = arith.constant 2 : i32
    %mul3A_16 = arith.muli %mul3A, %select_n3A : i32
    %add3A = arith.constant 1 : i32
    %add3A_17 = arith.addi %add3A, %mul3A_16 : i32
    %jit3A_18 = arith.constant 1 : i32
    %eq3A = arith.constant 0 : i32
    %eq3A_19 = arith.cmpi eq, %jit3A_18, %eq3A : i32
    %jit3A_20 = arith.constant 1 : i32
    %select_n3A_21 = arith.select %eq3A_19, %jit3A_20, %jit3A_18 : i32
    %rem3A_22 = arith.remsi %arg1, %select_n3A_21 : i32
    %ne3A_23 = arith.constant 0 : i32
    %ne3A_24 = arith.cmpi ne, %rem3A_22, %ne3A_23 : i32
    %lt3A = arith.constant 0 : i32
    %lt3A_25 = arith.cmpi slt, %rem3A_22, %lt3A : i32
    %lt3A_26 = arith.constant 0 : i32
    %lt3A_27 = arith.cmpi slt, %select_n3A_21, %lt3A_26 : i32
    %ne3A_28 = arith.xori %lt3A_25, %lt3A_27 : i1
    %and3A_29 = arith.andi %ne3A_28, %ne3A_24 : i1
    %add3A_30 = arith.addi %rem3A_22, %select_n3A_21 : i32
    %select_n3A_31 = arith.select %and3A_29, %add3A_30, %rem3A_22 : i32
    %c0_i32 = arith.constant 0 : i32
    %c0_i32_32 = arith.constant 0 : i32
    return %arg0, %add3A_17, %select_n3A_31, %c0_i32 : i32, i32, i32, i32
  }
  func.func @transform_2(%arg0: i32, %arg1: i32) -> (i32, i32, i32) {
    %c0_i32 = arith.constant 0 : i32
    %c0_i32_0 = arith.constant 0 : i32
    %c0_i32_1 = arith.constant 0 : i32
    return %arg0, %c0_i32, %c0_i32_0 : i32, i32, i32
  }
}

module attributes {stable_mosaic.version = 14 : i64} {
  func.func @_loss_body(%arg0: i32, %arg1: i32, %arg2: memref<1x256x1024xf32, #tpu.memory_space<vmem>>, %arg3: memref<1x256x1024xf32, #tpu.memory_space<vmem>>, %arg4: memref<1x256x1024xf32, #tpu.memory_space<vmem>>, %arg5: memref<1x256x1024xf32, #tpu.memory_space<vmem>>, %arg6: memref<1x4x256x1024xf32, #tpu.memory_space<vmem>>, %arg7: memref<1x1xf32, #tpu.memory_space<vmem>>, %arg8: memref<12x256xf32, #tpu.memory_space<vmem>>, %arg9: memref<48x256xf32, #tpu.memory_space<vmem>>, %arg10: memref<48x256xf32, #tpu.memory_space<vmem>>, %arg11: memref<2x256xf32, #tpu.memory_space<vmem>>, %arg12: memref<4x256xf32, #tpu.memory_space<vmem>>) attributes {dimension_semantics = [#tpu.dimension_semantics<arbitrary>, #tpu.dimension_semantics<arbitrary>], iteration_bounds = array<i64: 2, 3>, scalar_prefetch = 0 : i64, scratch_operands = 5 : i64, tpu.core_type = #tpu.core_type<tc>, window_params = [{transform_indices = @transform_0, window_bounds = array<i64: 1, 256, 1024>}, {transform_indices = @transform_1, window_bounds = array<i64: 1, 256, 1024>}, {transform_indices = @transform_2, window_bounds = array<i64: 1, 256, 1024>}, {transform_indices = @transform_3, window_bounds = array<i64: 1, 256, 1024>}, {transform_indices = @transform_4, window_bounds = array<i64: 1, 4, 256, 1024>}, {pipeline_mode = #tpu.pipeline_mode<synchronous>, transform_indices = @transform_5, window_bounds = array<i64: 1, 1>}]} {
    %get3A = arith.constant 0 : index
    %get3A_0 = arith.constant 0 : index
    %get3A_1 = arith.constant 0 : index
    %get3A_2 = vector.load %arg2[%get3A, %get3A_0, %get3A_1] : memref<1x256x1024xf32, #tpu.memory_space<vmem>>, vector<1x256x1024xf32>
    %get3A_3 = vector.shape_cast %get3A_2 : vector<1x256x1024xf32> to vector<256x1024xf32>
    %get3A_4 = arith.constant 0 : index
    %get3A_5 = arith.constant 0 : index
    %get3A_6 = arith.constant 0 : index
    %get3A_7 = vector.load %arg3[%get3A_4, %get3A_5, %get3A_6] : memref<1x256x1024xf32, #tpu.memory_space<vmem>>, vector<1x256x1024xf32>
    %get3A_8 = vector.shape_cast %get3A_7 : vector<1x256x1024xf32> to vector<256x1024xf32>
    %get3A_9 = arith.constant 0 : index
    %get3A_10 = arith.constant 0 : index
    %get3A_11 = arith.constant 0 : index
    %get3A_12 = vector.load %arg4[%get3A_9, %get3A_10, %get3A_11] : memref<1x256x1024xf32, #tpu.memory_space<vmem>>, vector<1x256x1024xf32>
    %get3A_13 = vector.shape_cast %get3A_12 : vector<1x256x1024xf32> to vector<256x1024xf32>
    %get3A_14 = arith.constant 0 : index
    %get3A_15 = arith.constant 0 : index
    %get3A_16 = arith.constant 0 : index
    %get3A_17 = vector.load %arg5[%get3A_14, %get3A_15, %get3A_16] : memref<1x256x1024xf32, #tpu.memory_space<vmem>>, vector<1x256x1024xf32>
    %get3A_18 = vector.shape_cast %get3A_17 : vector<1x256x1024xf32> to vector<256x1024xf32>
    %get3A_19 = arith.constant 0 : index
    %get3A_20 = arith.constant 0 : index
    %get3A_21 = arith.constant 0 : index
    %get3A_22 = arith.constant 0 : index
    %get3A_23 = vector.load %arg6[%get3A_19, %get3A_20, %get3A_21, %get3A_22] : memref<1x4x256x1024xf32, #tpu.memory_space<vmem>>, vector<1x4x256x1024xf32>
    %get3A_24 = vector.shape_cast %get3A_23 : vector<1x4x256x1024xf32> to vector<4x256x1024xf32>
    %broadcast_in_dim3A = arith.constant 1.000000e+00 : f32
    %broadcast_in_dim3A_25 = vector.broadcast %broadcast_in_dim3A : f32 to vector<1024xf32>
    %eq3A = arith.constant 0 : i32
    %eq3A_26 = arith.cmpi eq, %arg1, %eq3A : i32
    %convert_element_type3A = arith.extui %eq3A_26 : i1 to i32
    %cond3A = arith.constant 0 : i32
    %cond3A_27 = arith.cmpi ne, %convert_element_type3A, %cond3A : i32
    scf.if %cond3A_27 {
      %mul3A_161 = arith.mulf %get3A_3, %get3A_3 : vector<256x1024xf32>
      %dot_general3A_162 = arith.constant dense<0.000000e+00> : vector<256xf32>
      %dot_general3A_163 = tpu.matmul %mul3A_161, %broadcast_in_dim3A_25, %dot_general3A_162 {dimension_numbers = #tpu.dot_dimension_numbers<[1], [0], [0], [], [0, 0], [], []>, precision = #tpu.contract_precision<fp32>, transpose_lhs_hint = false} : vector<256x1024xf32>, vector<1024xf32>, vector<256xf32> -> vector<256xf32>
      %broadcast_in_dim3A_164 = vector.shape_cast %dot_general3A_163 : vector<256xf32> to vector<1x256xf32>
      %swap3A_165 = arith.constant 0 : index
      %swap3A_166 = arith.constant 0 : index
      %swap3A_167 = vector.load %arg11[%swap3A_165, %swap3A_166] : memref<2x256xf32, #tpu.memory_space<vmem>>, vector<1x256xf32>
      tpu.vector_store %arg11[%swap3A_165, %swap3A_166], %broadcast_in_dim3A_164 {strides = array<i32>} : memref<2x256xf32, #tpu.memory_space<vmem>>, vector<1x256xf32>,
      %mul3A_168 = arith.mulf %get3A_8, %get3A_8 : vector<256x1024xf32>
      %dot_general3A_169 = arith.constant dense<0.000000e+00> : vector<256xf32>
      %dot_general3A_170 = tpu.matmul %mul3A_168, %broadcast_in_dim3A_25, %dot_general3A_169 {dimension_numbers = #tpu.dot_dimension_numbers<[1], [0], [0], [], [0, 0], [], []>, precision = #tpu.contract_precision<fp32>, transpose_lhs_hint = false} : vector<256x1024xf32>, vector<1024xf32>, vector<256xf32> -> vector<256xf32>
      %broadcast_in_dim3A_171 = vector.shape_cast %dot_general3A_170 : vector<256xf32> to vector<1x256xf32>
      %swap3A_172 = arith.constant 1 : index
      %swap3A_173 = arith.constant 0 : index
      %swap3A_174 = vector.load %arg11[%swap3A_172, %swap3A_173] : memref<2x256xf32, #tpu.memory_space<vmem>>, vector<1x256xf32>
      tpu.vector_store %arg11[%swap3A_172, %swap3A_173], %broadcast_in_dim3A_171 {strides = array<i32>} : memref<2x256xf32, #tpu.memory_space<vmem>>, vector<1x256xf32>,
      %mul3A_175 = arith.mulf %get3A_24, %get3A_24 : vector<4x256x1024xf32>
      %dot_general3A_176 = arith.constant dense<0.000000e+00> : vector<4x256xf32>
      %dot_general3A_177 = tpu.matmul %mul3A_175, %broadcast_in_dim3A_25, %dot_general3A_176 {dimension_numbers = #tpu.dot_dimension_numbers<[2], [0], [0, 1], [], [0, 0, 0, 1], [], []>, precision = #tpu.contract_precision<fp32>, transpose_lhs_hint = false} : vector<4x256x1024xf32>, vector<1024xf32>, vector<4x256xf32> -> vector<4x256xf32>
      %swap3A_178 = arith.constant 0 : index
      %swap3A_179 = arith.constant 0 : index
      %swap3A_180 = vector.load %arg12[%swap3A_178, %swap3A_179] : memref<4x256xf32, #tpu.memory_space<vmem>>, vector<4x256xf32>
      tpu.vector_store %arg12[%swap3A_178, %swap3A_179], %dot_general3A_177 {strides = array<i32>} : memref<4x256xf32, #tpu.memory_space<vmem>>, vector<4x256xf32>,
    } else {
    }
    %get3A_28 = arith.constant 0 : index
    %get3A_29 = arith.constant 0 : index
    %get3A_30 = vector.load %arg11[%get3A_28, %get3A_29] : memref<2x256xf32, #tpu.memory_space<vmem>>, vector<1x256xf32>
    %get3A_31 = vector.shape_cast %get3A_30 : vector<1x256xf32> to vector<256xf32>
    %get3A_32 = arith.constant 1 : index
    %get3A_33 = arith.constant 0 : index
    %get3A_34 = vector.load %arg11[%get3A_32, %get3A_33] : memref<2x256xf32, #tpu.memory_space<vmem>>, vector<1x256xf32>
    %get3A_35 = vector.shape_cast %get3A_34 : vector<1x256xf32> to vector<256xf32>
    %get3A_36 = arith.constant 0 : index
    %get3A_37 = arith.constant 0 : index
    %get3A_38 = vector.load %arg12[%get3A_36, %get3A_37] : memref<4x256xf32, #tpu.memory_space<vmem>>, vector<4x256xf32>
    %mul3A = arith.mulf %get3A_13, %get3A_13 : vector<256x1024xf32>
    %dot_general3A = arith.constant dense<0.000000e+00> : vector<256xf32>
    %dot_general3A_39 = tpu.matmul %mul3A, %broadcast_in_dim3A_25, %dot_general3A {dimension_numbers = #tpu.dot_dimension_numbers<[1], [0], [0], [], [0, 0], [], []>, precision = #tpu.contract_precision<fp32>, transpose_lhs_hint = false} : vector<256x1024xf32>, vector<1024xf32>, vector<256xf32> -> vector<256xf32>
    %mul3A_40 = arith.mulf %get3A_18, %get3A_18 : vector<256x1024xf32>
    %dot_general3A_41 = arith.constant dense<0.000000e+00> : vector<256xf32>
    %dot_general3A_42 = tpu.matmul %mul3A_40, %broadcast_in_dim3A_25, %dot_general3A_41 {dimension_numbers = #tpu.dot_dimension_numbers<[1], [0], [0], [], [0, 0], [], []>, precision = #tpu.contract_precision<fp32>, transpose_lhs_hint = false} : vector<256x1024xf32>, vector<1024xf32>, vector<256xf32> -> vector<256xf32>
    %mul3A_43 = arith.constant 3 : i32
    %mul3A_44 = arith.muli %arg0, %mul3A_43 : i32
    %add3A = arith.addi %mul3A_44, %arg1 : i32
    %mul3A_45 = arith.mulf %get3A_3, %get3A_13 : vector<256x1024xf32>
    %dot_general3A_46 = arith.constant dense<0.000000e+00> : vector<256xf32>
    %dot_general3A_47 = tpu.matmul %mul3A_45, %broadcast_in_dim3A_25, %dot_general3A_46 {dimension_numbers = #tpu.dot_dimension_numbers<[1], [0], [0], [], [0, 0], [], []>, precision = #tpu.contract_precision<fp32>, transpose_lhs_hint = false} : vector<256x1024xf32>, vector<1024xf32>, vector<256xf32> -> vector<256xf32>
    %add3A_48 = arith.addf %get3A_31, %dot_general3A_39 : vector<256xf32>
    %mul3A_49 = arith.constant 2.000000e+00 : f32
    %mul3A_50 = vector.broadcast %mul3A_49 : f32 to vector<256xf32>
    %mul3A_51 = arith.mulf %mul3A_50, %dot_general3A_47 : vector<256xf32>
    %sub3A = arith.subf %add3A_48, %mul3A_51 : vector<256xf32>
    %max3A = arith.constant 0.000000e+00 : f32
    %max3A_52 = vector.broadcast %max3A : f32 to vector<256xf32>
    %max3A_53 = arith.maximumf %sub3A, %max3A_52 : vector<256xf32>
    %sqrt3A = math.sqrt %max3A_53 : vector<256xf32>
    %mul3A_54 = arith.mulf %get3A_8, %get3A_18 : vector<256x1024xf32>
    %dot_general3A_55 = arith.constant dense<0.000000e+00> : vector<256xf32>
    %dot_general3A_56 = tpu.matmul %mul3A_54, %broadcast_in_dim3A_25, %dot_general3A_55 {dimension_numbers = #tpu.dot_dimension_numbers<[1], [0], [0], [], [0, 0], [], []>, precision = #tpu.contract_precision<fp32>, transpose_lhs_hint = false} : vector<256x1024xf32>, vector<1024xf32>, vector<256xf32> -> vector<256xf32>
    %add3A_57 = arith.addf %get3A_35, %dot_general3A_42 : vector<256xf32>
    %mul3A_58 = arith.constant 2.000000e+00 : f32
    %mul3A_59 = vector.broadcast %mul3A_58 : f32 to vector<256xf32>
    %mul3A_60 = arith.mulf %mul3A_59, %dot_general3A_56 : vector<256xf32>
    %sub3A_61 = arith.subf %add3A_57, %mul3A_60 : vector<256xf32>
    %max3A_62 = arith.constant 0.000000e+00 : f32
    %max3A_63 = vector.broadcast %max3A_62 : f32 to vector<256xf32>
    %max3A_64 = arith.maximumf %sub3A_61, %max3A_63 : vector<256xf32>
    %sqrt3A_65 = math.sqrt %max3A_64 : vector<256xf32>
    %broadcast_in_dim3A_66 = vector.shape_cast %sqrt3A : vector<256xf32> to vector<1x256xf32>
    %mul3A_67 = arith.constant 2 : i32
    %mul3A_68 = arith.muli %add3A, %mul3A_67 : i32
    %swap3A = arith.index_cast %mul3A_68 : i32 to index
    %swap3A_69 = arith.constant 0 : index
    %swap3A_70 = vector.load %arg8[%swap3A, %swap3A_69] : memref<12x256xf32, #tpu.memory_space<vmem>>, vector<1x256xf32>
    tpu.vector_store %arg8[%swap3A, %swap3A_69], %broadcast_in_dim3A_66 {strides = array<i32>} : memref<12x256xf32, #tpu.memory_space<vmem>>, vector<1x256xf32>,
    %broadcast_in_dim3A_71 = vector.shape_cast %sqrt3A_65 : vector<256xf32> to vector<1x256xf32>
    %mul3A_72 = arith.constant 2 : i32
    %mul3A_73 = arith.muli %add3A, %mul3A_72 : i32
    %add3A_74 = arith.constant 1 : i32
    %add3A_75 = arith.addi %mul3A_73, %add3A_74 : i32
    %swap3A_76 = arith.index_cast %add3A_75 : i32 to index
    %swap3A_77 = arith.constant 0 : index
    %swap3A_78 = vector.load %arg8[%swap3A_76, %swap3A_77] : memref<12x256xf32, #tpu.memory_space<vmem>>, vector<1x256xf32>
    tpu.vector_store %arg8[%swap3A_76, %swap3A_77], %broadcast_in_dim3A_71 {strides = array<i32>} : memref<12x256xf32, #tpu.memory_space<vmem>>, vector<1x256xf32>,
    %broadcast_in_dim3A_79 = vector.shape_cast %get3A_31 : vector<256xf32> to vector<1x256xf32>
    %broadcast_in_dim3A_80 = vector.shape_cast %get3A_3 : vector<256x1024xf32> to vector<1x256x1024xf32>
    %mul3A_81 = vector.broadcast %broadcast_in_dim3A_80 : vector<1x256x1024xf32> to vector<4x256x1024xf32>
    %mul3A_82 = arith.mulf %mul3A_81, %get3A_24 : vector<4x256x1024xf32>
    %dot_general3A_83 = arith.constant dense<0.000000e+00> : vector<4x256xf32>
    %dot_general3A_84 = tpu.matmul %mul3A_82, %broadcast_in_dim3A_25, %dot_general3A_83 {dimension_numbers = #tpu.dot_dimension_numbers<[2], [0], [0, 1], [], [0, 0, 0, 1], [], []>, precision = #tpu.contract_precision<fp32>, transpose_lhs_hint = false} : vector<4x256x1024xf32>, vector<1024xf32>, vector<4x256xf32> -> vector<4x256xf32>
    %add3A_85 = vector.broadcast %broadcast_in_dim3A_79 : vector<1x256xf32> to vector<4x256xf32>
    %add3A_86 = arith.addf %add3A_85, %get3A_38 : vector<4x256xf32>
    %mul3A_87 = arith.constant 2.000000e+00 : f32
    %mul3A_88 = vector.broadcast %mul3A_87 : f32 to vector<4x256xf32>
    %mul3A_89 = arith.mulf %mul3A_88, %dot_general3A_84 : vector<4x256xf32>
    %sub3A_90 = arith.subf %add3A_86, %mul3A_89 : vector<4x256xf32>
    %max3A_91 = arith.constant 0.000000e+00 : f32
    %max3A_92 = vector.broadcast %max3A_91 : f32 to vector<4x256xf32>
    %max3A_93 = arith.maximumf %sub3A_90, %max3A_92 : vector<4x256xf32>
    %sqrt3A_94 = math.sqrt %max3A_93 : vector<4x256xf32>
    %broadcast_in_dim3A_95 = vector.shape_cast %get3A_35 : vector<256xf32> to vector<1x256xf32>
    %broadcast_in_dim3A_96 = vector.shape_cast %get3A_8 : vector<256x1024xf32> to vector<1x256x1024xf32>
    %mul3A_97 = vector.broadcast %broadcast_in_dim3A_96 : vector<1x256x1024xf32> to vector<4x256x1024xf32>
    %mul3A_98 = arith.mulf %mul3A_97, %get3A_24 : vector<4x256x1024xf32>
    %dot_general3A_99 = arith.constant dense<0.000000e+00> : vector<4x256xf32>
    %dot_general3A_100 = tpu.matmul %mul3A_98, %broadcast_in_dim3A_25, %dot_general3A_99 {dimension_numbers = #tpu.dot_dimension_numbers<[2], [0], [0, 1], [], [0, 0, 0, 1], [], []>, precision = #tpu.contract_precision<fp32>, transpose_lhs_hint = false} : vector<4x256x1024xf32>, vector<1024xf32>, vector<4x256xf32> -> vector<4x256xf32>
    %add3A_101 = vector.broadcast %broadcast_in_dim3A_95 : vector<1x256xf32> to vector<4x256xf32>
    %add3A_102 = arith.addf %add3A_101, %get3A_38 : vector<4x256xf32>
    %mul3A_103 = arith.constant 2.000000e+00 : f32
    %mul3A_104 = vector.broadcast %mul3A_103 : f32 to vector<4x256xf32>
    %mul3A_105 = arith.mulf %mul3A_104, %dot_general3A_100 : vector<4x256xf32>
    %sub3A_106 = arith.subf %add3A_102, %mul3A_105 : vector<4x256xf32>
    %max3A_107 = arith.constant 0.000000e+00 : f32
    %max3A_108 = vector.broadcast %max3A_107 : f32 to vector<4x256xf32>
    %max3A_109 = arith.maximumf %sub3A_106, %max3A_108 : vector<4x256xf32>
    %sqrt3A_110 = math.sqrt %max3A_109 : vector<4x256xf32>
    %broadcast_in_dim3A_111 = vector.shape_cast %dot_general3A_39 : vector<256xf32> to vector<1x256xf32>
    %broadcast_in_dim3A_112 = vector.shape_cast %get3A_13 : vector<256x1024xf32> to vector<1x256x1024xf32>
    %mul3A_113 = vector.broadcast %broadcast_in_dim3A_112 : vector<1x256x1024xf32> to vector<4x256x1024xf32>
    %mul3A_114 = arith.mulf %mul3A_113, %get3A_24 : vector<4x256x1024xf32>
    %dot_general3A_115 = arith.constant dense<0.000000e+00> : vector<4x256xf32>
    %dot_general3A_116 = tpu.matmul %mul3A_114, %broadcast_in_dim3A_25, %dot_general3A_115 {dimension_numbers = #tpu.dot_dimension_numbers<[2], [0], [0, 1], [], [0, 0, 0, 1], [], []>, precision = #tpu.contract_precision<fp32>, transpose_lhs_hint = false} : vector<4x256x1024xf32>, vector<1024xf32>, vector<4x256xf32> -> vector<4x256xf32>
    %add3A_117 = vector.broadcast %broadcast_in_dim3A_111 : vector<1x256xf32> to vector<4x256xf32>
    %add3A_118 = arith.addf %add3A_117, %get3A_38 : vector<4x256xf32>
    %mul3A_119 = arith.constant 2.000000e+00 : f32
    %mul3A_120 = vector.broadcast %mul3A_119 : f32 to vector<4x256xf32>
    %mul3A_121 = arith.mulf %mul3A_120, %dot_general3A_116 : vector<4x256xf32>
    %sub3A_122 = arith.subf %add3A_118, %mul3A_121 : vector<4x256xf32>
    %max3A_123 = arith.constant 0.000000e+00 : f32
    %max3A_124 = vector.broadcast %max3A_123 : f32 to vector<4x256xf32>
    %max3A_125 = arith.maximumf %sub3A_122, %max3A_124 : vector<4x256xf32>
    %sqrt3A_126 = math.sqrt %max3A_125 : vector<4x256xf32>
    %broadcast_in_dim3A_127 = vector.shape_cast %dot_general3A_42 : vector<256xf32> to vector<1x256xf32>
    %broadcast_in_dim3A_128 = vector.shape_cast %get3A_18 : vector<256x1024xf32> to vector<1x256x1024xf32>
    %mul3A_129 = vector.broadcast %broadcast_in_dim3A_128 : vector<1x256x1024xf32> to vector<4x256x1024xf32>
    %mul3A_130 = arith.mulf %mul3A_129, %get3A_24 : vector<4x256x1024xf32>
    %dot_general3A_131 = arith.constant dense<0.000000e+00> : vector<4x256xf32>
    %dot_general3A_132 = tpu.matmul %mul3A_130, %broadcast_in_dim3A_25, %dot_general3A_131 {dimension_numbers = #tpu.dot_dimension_numbers<[2], [0], [0, 1], [], [0, 0, 0, 1], [], []>, precision = #tpu.contract_precision<fp32>, transpose_lhs_hint = false} : vector<4x256x1024xf32>, vector<1024xf32>, vector<4x256xf32> -> vector<4x256xf32>
    %add3A_133 = vector.broadcast %broadcast_in_dim3A_127 : vector<1x256xf32> to vector<4x256xf32>
    %add3A_134 = arith.addf %add3A_133, %get3A_38 : vector<4x256xf32>
    %mul3A_135 = arith.constant 2.000000e+00 : f32
    %mul3A_136 = vector.broadcast %mul3A_135 : f32 to vector<4x256xf32>
    %mul3A_137 = arith.mulf %mul3A_136, %dot_general3A_132 : vector<4x256xf32>
    %sub3A_138 = arith.subf %add3A_134, %mul3A_137 : vector<4x256xf32>
    %max3A_139 = arith.constant 0.000000e+00 : f32
    %max3A_140 = vector.broadcast %max3A_139 : f32 to vector<4x256xf32>
    %max3A_141 = arith.maximumf %sub3A_138, %max3A_140 : vector<4x256xf32>
    %sqrt3A_142 = math.sqrt %max3A_141 : vector<4x256xf32>
    %concatenate3A = tpu.concatenate %sqrt3A_94, %sqrt3A_110 in 0 : vector<4x256xf32>, vector<4x256xf32> -> vector<8x256xf32>
    %mul3A_143 = arith.constant 8 : i32
    %mul3A_144 = arith.muli %add3A, %mul3A_143 : i32
    %swap3A_145 = arith.index_cast %mul3A_144 : i32 to index
    %swap3A_146 = arith.constant 0 : index
    %swap3A_147 = vector.load %arg9[%swap3A_145, %swap3A_146] : memref<48x256xf32, #tpu.memory_space<vmem>>, vector<8x256xf32>
    tpu.vector_store %arg9[%swap3A_145, %swap3A_146], %concatenate3A {strides = array<i32>} : memref<48x256xf32, #tpu.memory_space<vmem>>, vector<8x256xf32>,
    %concatenate3A_148 = tpu.concatenate %sqrt3A_126, %sqrt3A_142 in 0 : vector<4x256xf32>, vector<4x256xf32> -> vector<8x256xf32>
    %mul3A_149 = arith.constant 8 : i32
    %mul3A_150 = arith.muli %add3A, %mul3A_149 : i32
    %swap3A_151 = arith.index_cast %mul3A_150 : i32 to index
    %swap3A_152 = arith.constant 0 : index
    %swap3A_153 = vector.load %arg10[%swap3A_151, %swap3A_152] : memref<48x256xf32, #tpu.memory_space<vmem>>, vector<8x256xf32>
    tpu.vector_store %arg10[%swap3A_151, %swap3A_152], %concatenate3A_148 {strides = array<i32>} : memref<48x256xf32, #tpu.memory_space<vmem>>, vector<8x256xf32>,
    %eq3A_154 = arith.constant 1 : i32
    %eq3A_155 = arith.cmpi eq, %arg0, %eq3A_154 : i32
    %eq3A_156 = arith.constant 2 : i32
    %eq3A_157 = arith.cmpi eq, %arg1, %eq3A_156 : i32
    %and3A = arith.andi %eq3A_155, %eq3A_157 : i1
    %convert_element_type3A_158 = arith.extui %and3A : i1 to i32
    %cond3A_159 = arith.constant 0 : i32
    %cond3A_160 = arith.cmpi ne, %convert_element_type3A_158, %cond3A_159 : i32
    scf.if %cond3A_160 {
      %get3A_161 = arith.constant 0 : index
      %get3A_162 = arith.constant 0 : index
      %get3A_163 = vector.load %arg8[%get3A_161, %get3A_162] : memref<12x256xf32, #tpu.memory_space<vmem>>, vector<1x256xf32>
      %get3A_164 = vector.shape_cast %get3A_163 : vector<1x256xf32> to vector<256xf32>
      %broadcast_in_dim3A_165 = vector.shape_cast %get3A_164 : vector<256xf32> to vector<1x256xf32>
      %get3A_166 = arith.constant 6 : index
      %get3A_167 = arith.constant 0 : index
      %get3A_168 = vector.load %arg8[%get3A_166, %get3A_167] : memref<12x256xf32, #tpu.memory_space<vmem>>, vector<1x256xf32>
      %get3A_169 = vector.shape_cast %get3A_168 : vector<1x256xf32> to vector<256xf32>
      %broadcast_in_dim3A_170 = vector.shape_cast %get3A_169 : vector<256xf32> to vector<1x256xf32>
      %concatenate3A_171 = tpu.concatenate %broadcast_in_dim3A_165, %broadcast_in_dim3A_170 in 0 : vector<1x256xf32>, vector<1x256xf32> -> vector<2x256xf32>
      %get3A_172 = arith.constant 1 : index
      %get3A_173 = arith.constant 0 : index
      %get3A_174 = vector.load %arg8[%get3A_172, %get3A_173] : memref<12x256xf32, #tpu.memory_space<vmem>>, vector<1x256xf32>
      %get3A_175 = vector.shape_cast %get3A_174 : vector<1x256xf32> to vector<256xf32>
      %broadcast_in_dim3A_176 = vector.shape_cast %get3A_175 : vector<256xf32> to vector<1x256xf32>
      %get3A_177 = arith.constant 7 : index
      %get3A_178 = arith.constant 0 : index
      %get3A_179 = vector.load %arg8[%get3A_177, %get3A_178] : memref<12x256xf32, #tpu.memory_space<vmem>>, vector<1x256xf32>
      %get3A_180 = vector.shape_cast %get3A_179 : vector<1x256xf32> to vector<256xf32>
      %broadcast_in_dim3A_181 = vector.shape_cast %get3A_180 : vector<256xf32> to vector<1x256xf32>
      %concatenate3A_182 = tpu.concatenate %broadcast_in_dim3A_176, %broadcast_in_dim3A_181 in 0 : vector<1x256xf32>, vector<1x256xf32> -> vector<2x256xf32>
      %reduce_sum3A = vector.shape_cast %concatenate3A_171 : vector<2x256xf32> to vector<1x2x256xf32>
      %reduce_sum3A_183 = arith.constant dense<0.000000e+00> : vector<1xf32>
      %reduce_sum3A_184 = vector.multi_reduction <add>, %reduce_sum3A, %reduce_sum3A_183 [1, 2] : vector<1x2x256xf32> to vector<1xf32>
      %reduce_sum3A_185 = vector.shape_cast %reduce_sum3A_184 : vector<1xf32> to vector<1x1x1xf32>
      %reduce_sum3A_186 = vector.extract %reduce_sum3A_185[0, 0, 0] : f32 from vector<1x1x1xf32>
      %div3A = arith.constant 5.120000e+02 : f32
      %div3A_187 = arith.divf %reduce_sum3A_186, %div3A : f32
      %add3A_188 = arith.constant 9.99999993E-9 : f32
      %add3A_189 = arith.addf %div3A_187, %add3A_188 : f32
      %div3A_190 = vector.broadcast %add3A_189 : f32 to vector<2x256xf32>
      %div3A_191 = arith.divf %concatenate3A_171, %div3A_190 : vector<2x256xf32>
      %reduce_sum3A_192 = vector.shape_cast %concatenate3A_182 : vector<2x256xf32> to vector<1x2x256xf32>
      %reduce_sum3A_193 = arith.constant dense<0.000000e+00> : vector<1xf32>
      %reduce_sum3A_194 = vector.multi_reduction <add>, %reduce_sum3A_192, %reduce_sum3A_193 [1, 2] : vector<1x2x256xf32> to vector<1xf32>
      %reduce_sum3A_195 = vector.shape_cast %reduce_sum3A_194 : vector<1xf32> to vector<1x1x1xf32>
      %reduce_sum3A_196 = vector.extract %reduce_sum3A_195[0, 0, 0] : f32 from vector<1x1x1xf32>
      %div3A_197 = arith.constant 5.120000e+02 : f32
      %div3A_198 = arith.divf %reduce_sum3A_196, %div3A_197 : f32
      %add3A_199 = arith.constant 9.99999993E-9 : f32
      %add3A_200 = arith.addf %div3A_198, %add3A_199 : f32
      %div3A_201 = vector.broadcast %add3A_200 : f32 to vector<2x256xf32>
      %div3A_202 = arith.divf %concatenate3A_182, %div3A_201 : vector<2x256xf32>
      %sub3A_203 = arith.subf %div3A_202, %div3A_191 : vector<2x256xf32>
      %abs3A = math.absf %sub3A_203 : vector<2x256xf32>
      %lt3A = arith.constant 5.000000e-01 : f32
      %lt3A_204 = vector.broadcast %lt3A : f32 to vector<2x256xf32>
      %lt3A_205 = arith.cmpf olt, %abs3A, %lt3A_204 : vector<2x256xf32>
      %mul3A_206 = arith.constant 5.000000e-01 : f32
      %mul3A_207 = vector.broadcast %mul3A_206 : f32 to vector<2x256xf32>
      %mul3A_208 = arith.mulf %mul3A_207, %abs3A : vector<2x256xf32>
      %mul3A_209 = arith.mulf %mul3A_208, %abs3A : vector<2x256xf32>
      %div3A_210 = arith.constant 5.000000e-01 : f32
      %div3A_211 = vector.broadcast %div3A_210 : f32 to vector<2x256xf32>
      %div3A_212 = arith.divf %mul3A_209, %div3A_211 : vector<2x256xf32>
      %sub3A_213 = arith.constant 2.500000e-01 : f32
      %sub3A_214 = vector.broadcast %sub3A_213 : f32 to vector<2x256xf32>
      %sub3A_215 = arith.subf %abs3A, %sub3A_214 : vector<2x256xf32>
      %select_n3A = arith.select %lt3A_205, %div3A_212, %sub3A_215 : vector<2x256xi1>, vector<2x256xf32>
      %reduce_sum3A_216 = vector.shape_cast %select_n3A : vector<2x256xf32> to vector<1x2x256xf32>
      %reduce_sum3A_217 = arith.constant dense<0.000000e+00> : vector<1xf32>
      %reduce_sum3A_218 = vector.multi_reduction <add>, %reduce_sum3A_216, %reduce_sum3A_217 [1, 2] : vector<1x2x256xf32> to vector<1xf32>
      %reduce_sum3A_219 = vector.shape_cast %reduce_sum3A_218 : vector<1xf32> to vector<1x1x1xf32>
      %reduce_sum3A_220 = vector.extract %reduce_sum3A_219[0, 0, 0] : f32 from vector<1x1x1xf32>
      %add3A_221 = arith.constant 0.000000e+00 : f32
      %add3A_222 = arith.addf %add3A_221, %reduce_sum3A_220 : f32
      %get3A_223 = arith.constant 0 : index
      %get3A_224 = arith.constant 0 : index
      %get3A_225 = vector.load %arg9[%get3A_223, %get3A_224] : memref<48x256xf32, #tpu.memory_space<vmem>>, vector<4x256xf32>
      %get3A_226 = arith.constant 24 : index
      %get3A_227 = arith.constant 0 : index
      %get3A_228 = vector.load %arg9[%get3A_226, %get3A_227] : memref<48x256xf32, #tpu.memory_space<vmem>>, vector<4x256xf32>
      %get3A_229 = arith.constant 4 : index
      %get3A_230 = arith.constant 0 : index
      %get3A_231 = vector.load %arg9[%get3A_229, %get3A_230] : memref<48x256xf32, #tpu.memory_space<vmem>>, vector<4x256xf32>
      %get3A_232 = arith.constant 28 : index
      %get3A_233 = arith.constant 0 : index
      %get3A_234 = vector.load %arg9[%get3A_232, %get3A_233] : memref<48x256xf32, #tpu.memory_space<vmem>>, vector<4x256xf32>
      %reduce_sum3A_235 = vector.shape_cast %get3A_225 : vector<4x256xf32> to vector<1x4x256xf32>
      %reduce_sum3A_236 = arith.constant dense<0.000000e+00> : vector<1xf32>
      %reduce_sum3A_237 = vector.multi_reduction <add>, %reduce_sum3A_235, %reduce_sum3A_236 [1, 2] : vector<1x4x256xf32> to vector<1xf32>
      %reduce_sum3A_238 = vector.shape_cast %reduce_sum3A_237 : vector<1xf32> to vector<1x1x1xf32>
      %reduce_sum3A_239 = vector.extract %reduce_sum3A_238[0, 0, 0] : f32 from vector<1x1x1xf32>
      %add3A_240 = arith.constant 0.000000e+00 : f32
      %add3A_241 = arith.addf %add3A_240, %reduce_sum3A_239 : f32
      %reduce_sum3A_242 = vector.shape_cast %get3A_228 : vector<4x256xf32> to vector<1x4x256xf32>
      %reduce_sum3A_243 = arith.constant dense<0.000000e+00> : vector<1xf32>
      %reduce_sum3A_244 = vector.multi_reduction <add>, %reduce_sum3A_242, %reduce_sum3A_243 [1, 2] : vector<1x4x256xf32> to vector<1xf32>
      %reduce_sum3A_245 = vector.shape_cast %reduce_sum3A_244 : vector<1xf32> to vector<1x1x1xf32>
      %reduce_sum3A_246 = vector.extract %reduce_sum3A_245[0, 0, 0] : f32 from vector<1x1x1xf32>
      %add3A_247 = arith.addf %add3A_241, %reduce_sum3A_246 : f32
      %div3A_248 = arith.constant 2.048000e+03 : f32
      %div3A_249 = arith.divf %add3A_247, %div3A_248 : f32
      %add3A_250 = arith.constant 9.99999993E-9 : f32
      %add3A_251 = arith.addf %div3A_249, %add3A_250 : f32
      %reduce_sum3A_252 = vector.shape_cast %get3A_231 : vector<4x256xf32> to vector<1x4x256xf32>
      %reduce_sum3A_253 = arith.constant dense<0.000000e+00> : vector<1xf32>
      %reduce_sum3A_254 = vector.multi_reduction <add>, %reduce_sum3A_252, %reduce_sum3A_253 [1, 2] : vector<1x4x256xf32> to vector<1xf32>
      %reduce_sum3A_255 = vector.shape_cast %reduce_sum3A_254 : vector<1xf32> to vector<1x1x1xf32>
      %reduce_sum3A_256 = vector.extract %reduce_sum3A_255[0, 0, 0] : f32 from vector<1x1x1xf32>
      %add3A_257 = arith.constant 0.000000e+00 : f32
      %add3A_258 = arith.addf %add3A_257, %reduce_sum3A_256 : f32
      %reduce_sum3A_259 = vector.shape_cast %get3A_234 : vector<4x256xf32> to vector<1x4x256xf32>
      %reduce_sum3A_260 = arith.constant dense<0.000000e+00> : vector<1xf32>
      %reduce_sum3A_261 = vector.multi_reduction <add>, %reduce_sum3A_259, %reduce_sum3A_260 [1, 2] : vector<1x4x256xf32> to vector<1xf32>
      %reduce_sum3A_262 = vector.shape_cast %reduce_sum3A_261 : vector<1xf32> to vector<1x1x1xf32>
      %reduce_sum3A_263 = vector.extract %reduce_sum3A_262[0, 0, 0] : f32 from vector<1x1x1xf32>
      %add3A_264 = arith.addf %add3A_258, %reduce_sum3A_263 : f32
      %div3A_265 = arith.constant 2.048000e+03 : f32
      %div3A_266 = arith.divf %add3A_264, %div3A_265 : f32
      %add3A_267 = arith.constant 9.99999993E-9 : f32
      %add3A_268 = arith.addf %div3A_266, %add3A_267 : f32
      %div3A_269 = vector.broadcast %add3A_251 : f32 to vector<4x256xf32>
      %div3A_270 = arith.divf %get3A_225, %div3A_269 : vector<4x256xf32>
      %neg3A = arith.constant 0.000000e+00 : f32
      %neg3A_271 = vector.broadcast %neg3A : f32 to vector<4x256xf32>
      %neg3A_272 = arith.subf %neg3A_271, %div3A_270 : vector<4x256xf32>
      %div3A_273 = vector.broadcast %add3A_268 : f32 to vector<4x256xf32>
      %div3A_274 = arith.divf %get3A_231, %div3A_273 : vector<4x256xf32>
      %neg3A_275 = arith.constant 0.000000e+00 : f32
      %neg3A_276 = vector.broadcast %neg3A_275 : f32 to vector<4x256xf32>
      %neg3A_277 = arith.subf %neg3A_276, %div3A_274 : vector<4x256xf32>
      %reduce_max3A = arith.constant dense<0xFF800000> : vector<256xf32>
      %reduce_max3A_278 = vector.multi_reduction <maximumf>, %neg3A_272, %reduce_max3A [0] : vector<4x256xf32> to vector<256xf32>
      %broadcast_in_dim3A_279 = vector.shape_cast %reduce_max3A_278 : vector<256xf32> to vector<1x256xf32>
      %reduce_max3A_280 = arith.constant dense<0xFF800000> : vector<256xf32>
      %reduce_max3A_281 = vector.multi_reduction <maximumf>, %neg3A_272, %reduce_max3A_280 [0] : vector<4x256xf32> to vector<256xf32>
      %broadcast_in_dim3A_282 = vector.shape_cast %reduce_max3A_281 : vector<256xf32> to vector<1x256xf32>
      %sub3A_283 = vector.broadcast %broadcast_in_dim3A_282 : vector<1x256xf32> to vector<4x256xf32>
      %sub3A_284 = arith.subf %neg3A_272, %sub3A_283 : vector<4x256xf32>
      %exp3A = math.exp %sub3A_284 : vector<4x256xf32>
      %reduce_sum3A_285 = arith.constant dense<0.000000e+00> : vector<256xf32>
      %reduce_sum3A_286 = vector.multi_reduction <add>, %exp3A, %reduce_sum3A_285 [0] : vector<4x256xf32> to vector<256xf32>
      %broadcast_in_dim3A_287 = vector.shape_cast %reduce_sum3A_286 : vector<256xf32> to vector<1x256xf32>
      %log3A = math.log %broadcast_in_dim3A_287 : vector<1x256xf32>
      %add3A_288 = arith.addf %broadcast_in_dim3A_279, %log3A : vector<1x256xf32>
      %sub3A_289 = vector.broadcast %add3A_288 : vector<1x256xf32> to vector<4x256xf32>
      %sub3A_290 = arith.subf %neg3A_272, %sub3A_289 : vector<4x256xf32>
      %reduce_max3A_291 = arith.constant dense<0xFF800000> : vector<256xf32>
      %reduce_max3A_292 = vector.multi_reduction <maximumf>, %neg3A_277, %reduce_max3A_291 [0] : vector<4x256xf32> to vector<256xf32>
      %broadcast_in_dim3A_293 = vector.shape_cast %reduce_max3A_292 : vector<256xf32> to vector<1x256xf32>
      %reduce_max3A_294 = arith.constant dense<0xFF800000> : vector<256xf32>
      %reduce_max3A_295 = vector.multi_reduction <maximumf>, %neg3A_277, %reduce_max3A_294 [0] : vector<4x256xf32> to vector<256xf32>
      %broadcast_in_dim3A_296 = vector.shape_cast %reduce_max3A_295 : vector<256xf32> to vector<1x256xf32>
      %sub3A_297 = vector.broadcast %broadcast_in_dim3A_296 : vector<1x256xf32> to vector<4x256xf32>
      %sub3A_298 = arith.subf %neg3A_277, %sub3A_297 : vector<4x256xf32>
      %exp3A_299 = math.exp %sub3A_298 : vector<4x256xf32>
      %reduce_sum3A_300 = arith.constant dense<0.000000e+00> : vector<256xf32>
      %reduce_sum3A_301 = vector.multi_reduction <add>, %exp3A_299, %reduce_sum3A_300 [0] : vector<4x256xf32> to vector<256xf32>
      %broadcast_in_dim3A_302 = vector.shape_cast %reduce_sum3A_301 : vector<256xf32> to vector<1x256xf32>
      %log3A_303 = math.log %broadcast_in_dim3A_302 : vector<1x256xf32>
      %add3A_304 = arith.addf %broadcast_in_dim3A_293, %log3A_303 : vector<1x256xf32>
      %sub3A_305 = vector.broadcast %add3A_304 : vector<1x256xf32> to vector<4x256xf32>
      %sub3A_306 = arith.subf %neg3A_277, %sub3A_305 : vector<4x256xf32>
      %exp3A_307 = math.exp %sub3A_290 : vector<4x256xf32>
      %sub3A_308 = arith.subf %sub3A_290, %sub3A_306 : vector<4x256xf32>
      %mul3A_309 = arith.mulf %exp3A_307, %sub3A_308 : vector<4x256xf32>
      %reduce_sum3A_310 = vector.shape_cast %mul3A_309 : vector<4x256xf32> to vector<1x4x256xf32>
      %reduce_sum3A_311 = arith.constant dense<0.000000e+00> : vector<1xf32>
      %reduce_sum3A_312 = vector.multi_reduction <add>, %reduce_sum3A_310, %reduce_sum3A_311 [1, 2] : vector<1x4x256xf32> to vector<1xf32>
      %reduce_sum3A_313 = vector.shape_cast %reduce_sum3A_312 : vector<1xf32> to vector<1x1x1xf32>
      %reduce_sum3A_314 = vector.extract %reduce_sum3A_313[0, 0, 0] : f32 from vector<1x1x1xf32>
      %add3A_315 = arith.constant 0.000000e+00 : f32
      %add3A_316 = arith.addf %add3A_315, %reduce_sum3A_314 : f32
      %div3A_317 = vector.broadcast %add3A_251 : f32 to vector<4x256xf32>
      %div3A_318 = arith.divf %get3A_228, %div3A_317 : vector<4x256xf32>
      %neg3A_319 = arith.constant 0.000000e+00 : f32
      %neg3A_320 = vector.broadcast %neg3A_319 : f32 to vector<4x256xf32>
      %neg3A_321 = arith.subf %neg3A_320, %div3A_318 : vector<4x256xf32>
      %div3A_322 = vector.broadcast %add3A_268 : f32 to vector<4x256xf32>
      %div3A_323 = arith.divf %get3A_234, %div3A_322 : vector<4x256xf32>
      %neg3A_324 = arith.constant 0.000000e+00 : f32
      %neg3A_325 = vector.broadcast %neg3A_324 : f32 to vector<4x256xf32>
      %neg3A_326 = arith.subf %neg3A_325, %div3A_323 : vector<4x256xf32>
      %reduce_max3A_327 = arith.constant dense<0xFF800000> : vector<256xf32>
      %reduce_max3A_328 = vector.multi_reduction <maximumf>, %neg3A_321, %reduce_max3A_327 [0] : vector<4x256xf32> to vector<256xf32>
      %broadcast_in_dim3A_329 = vector.shape_cast %reduce_max3A_328 : vector<256xf32> to vector<1x256xf32>
      %reduce_max3A_330 = arith.constant dense<0xFF800000> : vector<256xf32>
      %reduce_max3A_331 = vector.multi_reduction <maximumf>, %neg3A_321, %reduce_max3A_330 [0] : vector<4x256xf32> to vector<256xf32>
      %broadcast_in_dim3A_332 = vector.shape_cast %reduce_max3A_331 : vector<256xf32> to vector<1x256xf32>
      %sub3A_333 = vector.broadcast %broadcast_in_dim3A_332 : vector<1x256xf32> to vector<4x256xf32>
      %sub3A_334 = arith.subf %neg3A_321, %sub3A_333 : vector<4x256xf32>
      %exp3A_335 = math.exp %sub3A_334 : vector<4x256xf32>
      %reduce_sum3A_336 = arith.constant dense<0.000000e+00> : vector<256xf32>
      %reduce_sum3A_337 = vector.multi_reduction <add>, %exp3A_335, %reduce_sum3A_336 [0] : vector<4x256xf32> to vector<256xf32>
      %broadcast_in_dim3A_338 = vector.shape_cast %reduce_sum3A_337 : vector<256xf32> to vector<1x256xf32>
      %log3A_339 = math.log %broadcast_in_dim3A_338 : vector<1x256xf32>
      %add3A_340 = arith.addf %broadcast_in_dim3A_329, %log3A_339 : vector<1x256xf32>
      %sub3A_341 = vector.broadcast %add3A_340 : vector<1x256xf32> to vector<4x256xf32>
      %sub3A_342 = arith.subf %neg3A_321, %sub3A_341 : vector<4x256xf32>
      %reduce_max3A_343 = arith.constant dense<0xFF800000> : vector<256xf32>
      %reduce_max3A_344 = vector.multi_reduction <maximumf>, %neg3A_326, %reduce_max3A_343 [0] : vector<4x256xf32> to vector<256xf32>
      %broadcast_in_dim3A_345 = vector.shape_cast %reduce_max3A_344 : vector<256xf32> to vector<1x256xf32>
      %reduce_max3A_346 = arith.constant dense<0xFF800000> : vector<256xf32>
      %reduce_max3A_347 = vector.multi_reduction <maximumf>, %neg3A_326, %reduce_max3A_346 [0] : vector<4x256xf32> to vector<256xf32>
      %broadcast_in_dim3A_348 = vector.shape_cast %reduce_max3A_347 : vector<256xf32> to vector<1x256xf32>
      %sub3A_349 = vector.broadcast %broadcast_in_dim3A_348 : vector<1x256xf32> to vector<4x256xf32>
      %sub3A_350 = arith.subf %neg3A_326, %sub3A_349 : vector<4x256xf32>
      %exp3A_351 = math.exp %sub3A_350 : vector<4x256xf32>
      %reduce_sum3A_352 = arith.constant dense<0.000000e+00> : vector<256xf32>
      %reduce_sum3A_353 = vector.multi_reduction <add>, %exp3A_351, %reduce_sum3A_352 [0] : vector<4x256xf32> to vector<256xf32>
      %broadcast_in_dim3A_354 = vector.shape_cast %reduce_sum3A_353 : vector<256xf32> to vector<1x256xf32>
      %log3A_355 = math.log %broadcast_in_dim3A_354 : vector<1x256xf32>
      %add3A_356 = arith.addf %broadcast_in_dim3A_345, %log3A_355 : vector<1x256xf32>
      %sub3A_357 = vector.broadcast %add3A_356 : vector<1x256xf32> to vector<4x256xf32>
      %sub3A_358 = arith.subf %neg3A_326, %sub3A_357 : vector<4x256xf32>
      %exp3A_359 = math.exp %sub3A_342 : vector<4x256xf32>
      %sub3A_360 = arith.subf %sub3A_342, %sub3A_358 : vector<4x256xf32>
      %mul3A_361 = arith.mulf %exp3A_359, %sub3A_360 : vector<4x256xf32>
      %reduce_sum3A_362 = vector.shape_cast %mul3A_361 : vector<4x256xf32> to vector<1x4x256xf32>
      %reduce_sum3A_363 = arith.constant dense<0.000000e+00> : vector<1xf32>
      %reduce_sum3A_364 = vector.multi_reduction <add>, %reduce_sum3A_362, %reduce_sum3A_363 [1, 2] : vector<1x4x256xf32> to vector<1xf32>
      %reduce_sum3A_365 = vector.shape_cast %reduce_sum3A_364 : vector<1xf32> to vector<1x1x1xf32>
      %reduce_sum3A_366 = vector.extract %reduce_sum3A_365[0, 0, 0] : f32 from vector<1x1x1xf32>
      %add3A_367 = arith.addf %add3A_316, %reduce_sum3A_366 : f32
      %add3A_368 = arith.constant 0.000000e+00 : f32
      %add3A_369 = arith.addf %add3A_368, %add3A_367 : f32
      %get3A_370 = arith.constant 0 : index
      %get3A_371 = arith.constant 0 : index
      %get3A_372 = vector.load %arg10[%get3A_370, %get3A_371] : memref<48x256xf32, #tpu.memory_space<vmem>>, vector<4x256xf32>
      %get3A_373 = arith.constant 24 : index
      %get3A_374 = arith.constant 0 : index
      %get3A_375 = vector.load %arg10[%get3A_373, %get3A_374] : memref<48x256xf32, #tpu.memory_space<vmem>>, vector<4x256xf32>
      %get3A_376 = arith.constant 4 : index
      %get3A_377 = arith.constant 0 : index
      %get3A_378 = vector.load %arg10[%get3A_376, %get3A_377] : memref<48x256xf32, #tpu.memory_space<vmem>>, vector<4x256xf32>
      %get3A_379 = arith.constant 28 : index
      %get3A_380 = arith.constant 0 : index
      %get3A_381 = vector.load %arg10[%get3A_379, %get3A_380] : memref<48x256xf32, #tpu.memory_space<vmem>>, vector<4x256xf32>
      %reduce_sum3A_382 = vector.shape_cast %get3A_372 : vector<4x256xf32> to vector<1x4x256xf32>
      %reduce_sum3A_383 = arith.constant dense<0.000000e+00> : vector<1xf32>
      %reduce_sum3A_384 = vector.multi_reduction <add>, %reduce_sum3A_382, %reduce_sum3A_383 [1, 2] : vector<1x4x256xf32> to vector<1xf32>
      %reduce_sum3A_385 = vector.shape_cast %reduce_sum3A_384 : vector<1xf32> to vector<1x1x1xf32>
      %reduce_sum3A_386 = vector.extract %reduce_sum3A_385[0, 0, 0] : f32 from vector<1x1x1xf32>
      %add3A_387 = arith.constant 0.000000e+00 : f32
      %add3A_388 = arith.addf %add3A_387, %reduce_sum3A_386 : f32
      %reduce_sum3A_389 = vector.shape_cast %get3A_375 : vector<4x256xf32> to vector<1x4x256xf32>
      %reduce_sum3A_390 = arith.constant dense<0.000000e+00> : vector<1xf32>
      %reduce_sum3A_391 = vector.multi_reduction <add>, %reduce_sum3A_389, %reduce_sum3A_390 [1, 2] : vector<1x4x256xf32> to vector<1xf32>
      %reduce_sum3A_392 = vector.shape_cast %reduce_sum3A_391 : vector<1xf32> to vector<1x1x1xf32>
      %reduce_sum3A_393 = vector.extract %reduce_sum3A_392[0, 0, 0] : f32 from vector<1x1x1xf32>
      %add3A_394 = arith.addf %add3A_388, %reduce_sum3A_393 : f32
      %div3A_395 = arith.constant 2.048000e+03 : f32
      %div3A_396 = arith.divf %add3A_394, %div3A_395 : f32
      %add3A_397 = arith.constant 9.99999993E-9 : f32
      %add3A_398 = arith.addf %div3A_396, %add3A_397 : f32
      %reduce_sum3A_399 = vector.shape_cast %get3A_378 : vector<4x256xf32> to vector<1x4x256xf32>
      %reduce_sum3A_400 = arith.constant dense<0.000000e+00> : vector<1xf32>
      %reduce_sum3A_401 = vector.multi_reduction <add>, %reduce_sum3A_399, %reduce_sum3A_400 [1, 2] : vector<1x4x256xf32> to vector<1xf32>
      %reduce_sum3A_402 = vector.shape_cast %reduce_sum3A_401 : vector<1xf32> to vector<1x1x1xf32>
      %reduce_sum3A_403 = vector.extract %reduce_sum3A_402[0, 0, 0] : f32 from vector<1x1x1xf32>
      %add3A_404 = arith.constant 0.000000e+00 : f32
      %add3A_405 = arith.addf %add3A_404, %reduce_sum3A_403 : f32
      %reduce_sum3A_406 = vector.shape_cast %get3A_381 : vector<4x256xf32> to vector<1x4x256xf32>
      %reduce_sum3A_407 = arith.constant dense<0.000000e+00> : vector<1xf32>
      %reduce_sum3A_408 = vector.multi_reduction <add>, %reduce_sum3A_406, %reduce_sum3A_407 [1, 2] : vector<1x4x256xf32> to vector<1xf32>
      %reduce_sum3A_409 = vector.shape_cast %reduce_sum3A_408 : vector<1xf32> to vector<1x1x1xf32>
      %reduce_sum3A_410 = vector.extract %reduce_sum3A_409[0, 0, 0] : f32 from vector<1x1x1xf32>
      %add3A_411 = arith.addf %add3A_405, %reduce_sum3A_410 : f32
      %div3A_412 = arith.constant 2.048000e+03 : f32
      %div3A_413 = arith.divf %add3A_411, %div3A_412 : f32
      %add3A_414 = arith.constant 9.99999993E-9 : f32
      %add3A_415 = arith.addf %div3A_413, %add3A_414 : f32
      %div3A_416 = vector.broadcast %add3A_398 : f32 to vector<4x256xf32>
      %div3A_417 = arith.divf %get3A_372, %div3A_416 : vector<4x256xf32>
      %neg3A_418 = arith.constant 0.000000e+00 : f32
      %neg3A_419 = vector.broadcast %neg3A_418 : f32 to vector<4x256xf32>
      %neg3A_420 = arith.subf %neg3A_419, %div3A_417 : vector<4x256xf32>
      %div3A_421 = vector.broadcast %add3A_415 : f32 to vector<4x256xf32>
      %div3A_422 = arith.divf %get3A_378, %div3A_421 : vector<4x256xf32>
      %neg3A_423 = arith.constant 0.000000e+00 : f32
      %neg3A_424 = vector.broadcast %neg3A_423 : f32 to vector<4x256xf32>
      %neg3A_425 = arith.subf %neg3A_424, %div3A_422 : vector<4x256xf32>
      %reduce_max3A_426 = arith.constant dense<0xFF800000> : vector<256xf32>
      %reduce_max3A_427 = vector.multi_reduction <maximumf>, %neg3A_420, %reduce_max3A_426 [0] : vector<4x256xf32> to vector<256xf32>
      %broadcast_in_dim3A_428 = vector.shape_cast %reduce_max3A_427 : vector<256xf32> to vector<1x256xf32>
      %reduce_max3A_429 = arith.constant dense<0xFF800000> : vector<256xf32>
      %reduce_max3A_430 = vector.multi_reduction <maximumf>, %neg3A_420, %reduce_max3A_429 [0] : vector<4x256xf32> to vector<256xf32>
      %broadcast_in_dim3A_431 = vector.shape_cast %reduce_max3A_430 : vector<256xf32> to vector<1x256xf32>
      %sub3A_432 = vector.broadcast %broadcast_in_dim3A_431 : vector<1x256xf32> to vector<4x256xf32>
      %sub3A_433 = arith.subf %neg3A_420, %sub3A_432 : vector<4x256xf32>
      %exp3A_434 = math.exp %sub3A_433 : vector<4x256xf32>
      %reduce_sum3A_435 = arith.constant dense<0.000000e+00> : vector<256xf32>
      %reduce_sum3A_436 = vector.multi_reduction <add>, %exp3A_434, %reduce_sum3A_435 [0] : vector<4x256xf32> to vector<256xf32>
      %broadcast_in_dim3A_437 = vector.shape_cast %reduce_sum3A_436 : vector<256xf32> to vector<1x256xf32>
      %log3A_438 = math.log %broadcast_in_dim3A_437 : vector<1x256xf32>
      %add3A_439 = arith.addf %broadcast_in_dim3A_428, %log3A_438 : vector<1x256xf32>
      %sub3A_440 = vector.broadcast %add3A_439 : vector<1x256xf32> to vector<4x256xf32>
      %sub3A_441 = arith.subf %neg3A_420, %sub3A_440 : vector<4x256xf32>
      %reduce_max3A_442 = arith.constant dense<0xFF800000> : vector<256xf32>
      %reduce_max3A_443 = vector.multi_reduction <maximumf>, %neg3A_425, %reduce_max3A_442 [0] : vector<4x256xf32> to vector<256xf32>
      %broadcast_in_dim3A_444 = vector.shape_cast %reduce_max3A_443 : vector<256xf32> to vector<1x256xf32>
      %reduce_max3A_445 = arith.constant dense<0xFF800000> : vector<256xf32>
      %reduce_max3A_446 = vector.multi_reduction <maximumf>, %neg3A_425, %reduce_max3A_445 [0] : vector<4x256xf32> to vector<256xf32>
      %broadcast_in_dim3A_447 = vector.shape_cast %reduce_max3A_446 : vector<256xf32> to vector<1x256xf32>
      %sub3A_448 = vector.broadcast %broadcast_in_dim3A_447 : vector<1x256xf32> to vector<4x256xf32>
      %sub3A_449 = arith.subf %neg3A_425, %sub3A_448 : vector<4x256xf32>
      %exp3A_450 = math.exp %sub3A_449 : vector<4x256xf32>
      %reduce_sum3A_451 = arith.constant dense<0.000000e+00> : vector<256xf32>
      %reduce_sum3A_452 = vector.multi_reduction <add>, %exp3A_450, %reduce_sum3A_451 [0] : vector<4x256xf32> to vector<256xf32>
      %broadcast_in_dim3A_453 = vector.shape_cast %reduce_sum3A_452 : vector<256xf32> to vector<1x256xf32>
      %log3A_454 = math.log %broadcast_in_dim3A_453 : vector<1x256xf32>
      %add3A_455 = arith.addf %broadcast_in_dim3A_444, %log3A_454 : vector<1x256xf32>
      %sub3A_456 = vector.broadcast %add3A_455 : vector<1x256xf32> to vector<4x256xf32>
      %sub3A_457 = arith.subf %neg3A_425, %sub3A_456 : vector<4x256xf32>
      %exp3A_458 = math.exp %sub3A_441 : vector<4x256xf32>
      %sub3A_459 = arith.subf %sub3A_441, %sub3A_457 : vector<4x256xf32>
      %mul3A_460 = arith.mulf %exp3A_458, %sub3A_459 : vector<4x256xf32>
      %reduce_sum3A_461 = vector.shape_cast %mul3A_460 : vector<4x256xf32> to vector<1x4x256xf32>
      %reduce_sum3A_462 = arith.constant dense<0.000000e+00> : vector<1xf32>
      %reduce_sum3A_463 = vector.multi_reduction <add>, %reduce_sum3A_461, %reduce_sum3A_462 [1, 2] : vector<1x4x256xf32> to vector<1xf32>
      %reduce_sum3A_464 = vector.shape_cast %reduce_sum3A_463 : vector<1xf32> to vector<1x1x1xf32>
      %reduce_sum3A_465 = vector.extract %reduce_sum3A_464[0, 0, 0] : f32 from vector<1x1x1xf32>
      %add3A_466 = arith.constant 0.000000e+00 : f32
      %add3A_467 = arith.addf %add3A_466, %reduce_sum3A_465 : f32
      %div3A_468 = vector.broadcast %add3A_398 : f32 to vector<4x256xf32>
      %div3A_469 = arith.divf %get3A_375, %div3A_468 : vector<4x256xf32>
      %neg3A_470 = arith.constant 0.000000e+00 : f32
      %neg3A_471 = vector.broadcast %neg3A_470 : f32 to vector<4x256xf32>
      %neg3A_472 = arith.subf %neg3A_471, %div3A_469 : vector<4x256xf32>
      %div3A_473 = vector.broadcast %add3A_415 : f32 to vector<4x256xf32>
      %div3A_474 = arith.divf %get3A_381, %div3A_473 : vector<4x256xf32>
      %neg3A_475 = arith.constant 0.000000e+00 : f32
      %neg3A_476 = vector.broadcast %neg3A_475 : f32 to vector<4x256xf32>
      %neg3A_477 = arith.subf %neg3A_476, %div3A_474 : vector<4x256xf32>
      %reduce_max3A_478 = arith.constant dense<0xFF800000> : vector<256xf32>
      %reduce_max3A_479 = vector.multi_reduction <maximumf>, %neg3A_472, %reduce_max3A_478 [0] : vector<4x256xf32> to vector<256xf32>
      %broadcast_in_dim3A_480 = vector.shape_cast %reduce_max3A_479 : vector<256xf32> to vector<1x256xf32>
      %reduce_max3A_481 = arith.constant dense<0xFF800000> : vector<256xf32>
      %reduce_max3A_482 = vector.multi_reduction <maximumf>, %neg3A_472, %reduce_max3A_481 [0] : vector<4x256xf32> to vector<256xf32>
      %broadcast_in_dim3A_483 = vector.shape_cast %reduce_max3A_482 : vector<256xf32> to vector<1x256xf32>
      %sub3A_484 = vector.broadcast %broadcast_in_dim3A_483 : vector<1x256xf32> to vector<4x256xf32>
      %sub3A_485 = arith.subf %neg3A_472, %sub3A_484 : vector<4x256xf32>
      %exp3A_486 = math.exp %sub3A_485 : vector<4x256xf32>
      %reduce_sum3A_487 = arith.constant dense<0.000000e+00> : vector<256xf32>
      %reduce_sum3A_488 = vector.multi_reduction <add>, %exp3A_486, %reduce_sum3A_487 [0] : vector<4x256xf32> to vector<256xf32>
      %broadcast_in_dim3A_489 = vector.shape_cast %reduce_sum3A_488 : vector<256xf32> to vector<1x256xf32>
      %log3A_490 = math.log %broadcast_in_dim3A_489 : vector<1x256xf32>
      %add3A_491 = arith.addf %broadcast_in_dim3A_480, %log3A_490 : vector<1x256xf32>
      %sub3A_492 = vector.broadcast %add3A_491 : vector<1x256xf32> to vector<4x256xf32>
      %sub3A_493 = arith.subf %neg3A_472, %sub3A_492 : vector<4x256xf32>
      %reduce_max3A_494 = arith.constant dense<0xFF800000> : vector<256xf32>
      %reduce_max3A_495 = vector.multi_reduction <maximumf>, %neg3A_477, %reduce_max3A_494 [0] : vector<4x256xf32> to vector<256xf32>
      %broadcast_in_dim3A_496 = vector.shape_cast %reduce_max3A_495 : vector<256xf32> to vector<1x256xf32>
      %reduce_max3A_497 = arith.constant dense<0xFF800000> : vector<256xf32>
      %reduce_max3A_498 = vector.multi_reduction <maximumf>, %neg3A_477, %reduce_max3A_497 [0] : vector<4x256xf32> to vector<256xf32>
      %broadcast_in_dim3A_499 = vector.shape_cast %reduce_max3A_498 : vector<256xf32> to vector<1x256xf32>
      %sub3A_500 = vector.broadcast %broadcast_in_dim3A_499 : vector<1x256xf32> to vector<4x256xf32>
      %sub3A_501 = arith.subf %neg3A_477, %sub3A_500 : vector<4x256xf32>
      %exp3A_502 = math.exp %sub3A_501 : vector<4x256xf32>
      %reduce_sum3A_503 = arith.constant dense<0.000000e+00> : vector<256xf32>
      %reduce_sum3A_504 = vector.multi_reduction <add>, %exp3A_502, %reduce_sum3A_503 [0] : vector<4x256xf32> to vector<256xf32>
      %broadcast_in_dim3A_505 = vector.shape_cast %reduce_sum3A_504 : vector<256xf32> to vector<1x256xf32>
      %log3A_506 = math.log %broadcast_in_dim3A_505 : vector<1x256xf32>
      %add3A_507 = arith.addf %broadcast_in_dim3A_496, %log3A_506 : vector<1x256xf32>
      %sub3A_508 = vector.broadcast %add3A_507 : vector<1x256xf32> to vector<4x256xf32>
      %sub3A_509 = arith.subf %neg3A_477, %sub3A_508 : vector<4x256xf32>
      %exp3A_510 = math.exp %sub3A_493 : vector<4x256xf32>
      %sub3A_511 = arith.subf %sub3A_493, %sub3A_509 : vector<4x256xf32>
      %mul3A_512 = arith.mulf %exp3A_510, %sub3A_511 : vector<4x256xf32>
      %reduce_sum3A_513 = vector.shape_cast %mul3A_512 : vector<4x256xf32> to vector<1x4x256xf32>
      %reduce_sum3A_514 = arith.constant dense<0.000000e+00> : vector<1xf32>
      %reduce_sum3A_515 = vector.multi_reduction <add>, %reduce_sum3A_513, %reduce_sum3A_514 [1, 2] : vector<1x4x256xf32> to vector<1xf32>
      %reduce_sum3A_516 = vector.shape_cast %reduce_sum3A_515 : vector<1xf32> to vector<1x1x1xf32>
      %reduce_sum3A_517 = vector.extract %reduce_sum3A_516[0, 0, 0] : f32 from vector<1x1x1xf32>
      %add3A_518 = arith.addf %add3A_467, %reduce_sum3A_517 : f32
      %add3A_519 = arith.constant 0.000000e+00 : f32
      %add3A_520 = arith.addf %add3A_519, %add3A_518 : f32
      %get3A_521 = arith.constant 2 : index
      %get3A_522 = arith.constant 0 : index
      %get3A_523 = vector.load %arg8[%get3A_521, %get3A_522] : memref<12x256xf32, #tpu.memory_space<vmem>>, vector<1x256xf32>
      %get3A_524 = vector.shape_cast %get3A_523 : vector<1x256xf32> to vector<256xf32>
      %broadcast_in_dim3A_525 = vector.shape_cast %get3A_524 : vector<256xf32> to vector<1x256xf32>
      %get3A_526 = arith.constant 8 : index
      %get3A_527 = arith.constant 0 : index
      %get3A_528 = vector.load %arg8[%get3A_526, %get3A_527] : memref<12x256xf32, #tpu.memory_space<vmem>>, vector<1x256xf32>
      %get3A_529 = vector.shape_cast %get3A_528 : vector<1x256xf32> to vector<256xf32>
      %broadcast_in_dim3A_530 = vector.shape_cast %get3A_529 : vector<256xf32> to vector<1x256xf32>
      %concatenate3A_531 = tpu.concatenate %broadcast_in_dim3A_525, %broadcast_in_dim3A_530 in 0 : vector<1x256xf32>, vector<1x256xf32> -> vector<2x256xf32>
      %get3A_532 = arith.constant 3 : index
      %get3A_533 = arith.constant 0 : index
      %get3A_534 = vector.load %arg8[%get3A_532, %get3A_533] : memref<12x256xf32, #tpu.memory_space<vmem>>, vector<1x256xf32>
      %get3A_535 = vector.shape_cast %get3A_534 : vector<1x256xf32> to vector<256xf32>
      %broadcast_in_dim3A_536 = vector.shape_cast %get3A_535 : vector<256xf32> to vector<1x256xf32>
      %get3A_537 = arith.constant 9 : index
      %get3A_538 = arith.constant 0 : index
      %get3A_539 = vector.load %arg8[%get3A_537, %get3A_538] : memref<12x256xf32, #tpu.memory_space<vmem>>, vector<1x256xf32>
      %get3A_540 = vector.shape_cast %get3A_539 : vector<1x256xf32> to vector<256xf32>
      %broadcast_in_dim3A_541 = vector.shape_cast %get3A_540 : vector<256xf32> to vector<1x256xf32>
      %concatenate3A_542 = tpu.concatenate %broadcast_in_dim3A_536, %broadcast_in_dim3A_541 in 0 : vector<1x256xf32>, vector<1x256xf32> -> vector<2x256xf32>
      %reduce_sum3A_543 = vector.shape_cast %concatenate3A_531 : vector<2x256xf32> to vector<1x2x256xf32>
      %reduce_sum3A_544 = arith.constant dense<0.000000e+00> : vector<1xf32>
      %reduce_sum3A_545 = vector.multi_reduction <add>, %reduce_sum3A_543, %reduce_sum3A_544 [1, 2] : vector<1x2x256xf32> to vector<1xf32>
      %reduce_sum3A_546 = vector.shape_cast %reduce_sum3A_545 : vector<1xf32> to vector<1x1x1xf32>
      %reduce_sum3A_547 = vector.extract %reduce_sum3A_546[0, 0, 0] : f32 from vector<1x1x1xf32>
      %div3A_548 = arith.constant 5.120000e+02 : f32
      %div3A_549 = arith.divf %reduce_sum3A_547, %div3A_548 : f32
      %add3A_550 = arith.constant 9.99999993E-9 : f32
      %add3A_551 = arith.addf %div3A_549, %add3A_550 : f32
      %div3A_552 = vector.broadcast %add3A_551 : f32 to vector<2x256xf32>
      %div3A_553 = arith.divf %concatenate3A_531, %div3A_552 : vector<2x256xf32>
      %reduce_sum3A_554 = vector.shape_cast %concatenate3A_542 : vector<2x256xf32> to vector<1x2x256xf32>
      %reduce_sum3A_555 = arith.constant dense<0.000000e+00> : vector<1xf32>
      %reduce_sum3A_556 = vector.multi_reduction <add>, %reduce_sum3A_554, %reduce_sum3A_555 [1, 2] : vector<1x2x256xf32> to vector<1xf32>
      %reduce_sum3A_557 = vector.shape_cast %reduce_sum3A_556 : vector<1xf32> to vector<1x1x1xf32>
      %reduce_sum3A_558 = vector.extract %reduce_sum3A_557[0, 0, 0] : f32 from vector<1x1x1xf32>
      %div3A_559 = arith.constant 5.120000e+02 : f32
      %div3A_560 = arith.divf %reduce_sum3A_558, %div3A_559 : f32
      %add3A_561 = arith.constant 9.99999993E-9 : f32
      %add3A_562 = arith.addf %div3A_560, %add3A_561 : f32
      %div3A_563 = vector.broadcast %add3A_562 : f32 to vector<2x256xf32>
      %div3A_564 = arith.divf %concatenate3A_542, %div3A_563 : vector<2x256xf32>
      %sub3A_565 = arith.subf %div3A_564, %div3A_553 : vector<2x256xf32>
      %abs3A_566 = math.absf %sub3A_565 : vector<2x256xf32>
      %lt3A_567 = arith.constant 5.000000e-01 : f32
      %lt3A_568 = vector.broadcast %lt3A_567 : f32 to vector<2x256xf32>
      %lt3A_569 = arith.cmpf olt, %abs3A_566, %lt3A_568 : vector<2x256xf32>
      %mul3A_570 = arith.constant 5.000000e-01 : f32
      %mul3A_571 = vector.broadcast %mul3A_570 : f32 to vector<2x256xf32>
      %mul3A_572 = arith.mulf %mul3A_571, %abs3A_566 : vector<2x256xf32>
      %mul3A_573 = arith.mulf %mul3A_572, %abs3A_566 : vector<2x256xf32>
      %div3A_574 = arith.constant 5.000000e-01 : f32
      %div3A_575 = vector.broadcast %div3A_574 : f32 to vector<2x256xf32>
      %div3A_576 = arith.divf %mul3A_573, %div3A_575 : vector<2x256xf32>
      %sub3A_577 = arith.constant 2.500000e-01 : f32
      %sub3A_578 = vector.broadcast %sub3A_577 : f32 to vector<2x256xf32>
      %sub3A_579 = arith.subf %abs3A_566, %sub3A_578 : vector<2x256xf32>
      %select_n3A_580 = arith.select %lt3A_569, %div3A_576, %sub3A_579 : vector<2x256xi1>, vector<2x256xf32>
      %reduce_sum3A_581 = vector.shape_cast %select_n3A_580 : vector<2x256xf32> to vector<1x2x256xf32>
      %reduce_sum3A_582 = arith.constant dense<0.000000e+00> : vector<1xf32>
      %reduce_sum3A_583 = vector.multi_reduction <add>, %reduce_sum3A_581, %reduce_sum3A_582 [1, 2] : vector<1x2x256xf32> to vector<1xf32>
      %reduce_sum3A_584 = vector.shape_cast %reduce_sum3A_583 : vector<1xf32> to vector<1x1x1xf32>
      %reduce_sum3A_585 = vector.extract %reduce_sum3A_584[0, 0, 0] : f32 from vector<1x1x1xf32>
      %add3A_586 = arith.addf %add3A_222, %reduce_sum3A_585 : f32
      %get3A_587 = arith.constant 8 : index
      %get3A_588 = arith.constant 0 : index
      %get3A_589 = vector.load %arg9[%get3A_587, %get3A_588] : memref<48x256xf32, #tpu.memory_space<vmem>>, vector<4x256xf32>
      %get3A_590 = arith.constant 32 : index
      %get3A_591 = arith.constant 0 : index
      %get3A_592 = vector.load %arg9[%get3A_590, %get3A_591] : memref<48x256xf32, #tpu.memory_space<vmem>>, vector<4x256xf32>
      %get3A_593 = arith.constant 12 : index
      %get3A_594 = arith.constant 0 : index
      %get3A_595 = vector.load %arg9[%get3A_593, %get3A_594] : memref<48x256xf32, #tpu.memory_space<vmem>>, vector<4x256xf32>
      %get3A_596 = arith.constant 36 : index
      %get3A_597 = arith.constant 0 : index
      %get3A_598 = vector.load %arg9[%get3A_596, %get3A_597] : memref<48x256xf32, #tpu.memory_space<vmem>>, vector<4x256xf32>
      %reduce_sum3A_599 = vector.shape_cast %get3A_589 : vector<4x256xf32> to vector<1x4x256xf32>
      %reduce_sum3A_600 = arith.constant dense<0.000000e+00> : vector<1xf32>
      %reduce_sum3A_601 = vector.multi_reduction <add>, %reduce_sum3A_599, %reduce_sum3A_600 [1, 2] : vector<1x4x256xf32> to vector<1xf32>
      %reduce_sum3A_602 = vector.shape_cast %reduce_sum3A_601 : vector<1xf32> to vector<1x1x1xf32>
      %reduce_sum3A_603 = vector.extract %reduce_sum3A_602[0, 0, 0] : f32 from vector<1x1x1xf32>
      %add3A_604 = arith.constant 0.000000e+00 : f32
      %add3A_605 = arith.addf %add3A_604, %reduce_sum3A_603 : f32
      %reduce_sum3A_606 = vector.shape_cast %get3A_592 : vector<4x256xf32> to vector<1x4x256xf32>
      %reduce_sum3A_607 = arith.constant dense<0.000000e+00> : vector<1xf32>
      %reduce_sum3A_608 = vector.multi_reduction <add>, %reduce_sum3A_606, %reduce_sum3A_607 [1, 2] : vector<1x4x256xf32> to vector<1xf32>
      %reduce_sum3A_609 = vector.shape_cast %reduce_sum3A_608 : vector<1xf32> to vector<1x1x1xf32>
      %reduce_sum3A_610 = vector.extract %reduce_sum3A_609[0, 0, 0] : f32 from vector<1x1x1xf32>
      %add3A_611 = arith.addf %add3A_605, %reduce_sum3A_610 : f32
      %div3A_612 = arith.constant 2.048000e+03 : f32
      %div3A_613 = arith.divf %add3A_611, %div3A_612 : f32
      %add3A_614 = arith.constant 9.99999993E-9 : f32
      %add3A_615 = arith.addf %div3A_613, %add3A_614 : f32
      %reduce_sum3A_616 = vector.shape_cast %get3A_595 : vector<4x256xf32> to vector<1x4x256xf32>
      %reduce_sum3A_617 = arith.constant dense<0.000000e+00> : vector<1xf32>
      %reduce_sum3A_618 = vector.multi_reduction <add>, %reduce_sum3A_616, %reduce_sum3A_617 [1, 2] : vector<1x4x256xf32> to vector<1xf32>
      %reduce_sum3A_619 = vector.shape_cast %reduce_sum3A_618 : vector<1xf32> to vector<1x1x1xf32>
      %reduce_sum3A_620 = vector.extract %reduce_sum3A_619[0, 0, 0] : f32 from vector<1x1x1xf32>
      %add3A_621 = arith.constant 0.000000e+00 : f32
      %add3A_622 = arith.addf %add3A_621, %reduce_sum3A_620 : f32
      %reduce_sum3A_623 = vector.shape_cast %get3A_598 : vector<4x256xf32> to vector<1x4x256xf32>
      %reduce_sum3A_624 = arith.constant dense<0.000000e+00> : vector<1xf32>
      %reduce_sum3A_625 = vector.multi_reduction <add>, %reduce_sum3A_623, %reduce_sum3A_624 [1, 2] : vector<1x4x256xf32> to vector<1xf32>
      %reduce_sum3A_626 = vector.shape_cast %reduce_sum3A_625 : vector<1xf32> to vector<1x1x1xf32>
      %reduce_sum3A_627 = vector.extract %reduce_sum3A_626[0, 0, 0] : f32 from vector<1x1x1xf32>
      %add3A_628 = arith.addf %add3A_622, %reduce_sum3A_627 : f32
      %div3A_629 = arith.constant 2.048000e+03 : f32
      %div3A_630 = arith.divf %add3A_628, %div3A_629 : f32
      %add3A_631 = arith.constant 9.99999993E-9 : f32
      %add3A_632 = arith.addf %div3A_630, %add3A_631 : f32
      %div3A_633 = vector.broadcast %add3A_615 : f32 to vector<4x256xf32>
      %div3A_634 = arith.divf %get3A_589, %div3A_633 : vector<4x256xf32>
      %neg3A_635 = arith.constant 0.000000e+00 : f32
      %neg3A_636 = vector.broadcast %neg3A_635 : f32 to vector<4x256xf32>
      %neg3A_637 = arith.subf %neg3A_636, %div3A_634 : vector<4x256xf32>
      %div3A_638 = vector.broadcast %add3A_632 : f32 to vector<4x256xf32>
      %div3A_639 = arith.divf %get3A_595, %div3A_638 : vector<4x256xf32>
      %neg3A_640 = arith.constant 0.000000e+00 : f32
      %neg3A_641 = vector.broadcast %neg3A_640 : f32 to vector<4x256xf32>
      %neg3A_642 = arith.subf %neg3A_641, %div3A_639 : vector<4x256xf32>
      %reduce_max3A_643 = arith.constant dense<0xFF800000> : vector<256xf32>
      %reduce_max3A_644 = vector.multi_reduction <maximumf>, %neg3A_637, %reduce_max3A_643 [0] : vector<4x256xf32> to vector<256xf32>
      %broadcast_in_dim3A_645 = vector.shape_cast %reduce_max3A_644 : vector<256xf32> to vector<1x256xf32>
      %reduce_max3A_646 = arith.constant dense<0xFF800000> : vector<256xf32>
      %reduce_max3A_647 = vector.multi_reduction <maximumf>, %neg3A_637, %reduce_max3A_646 [0] : vector<4x256xf32> to vector<256xf32>
      %broadcast_in_dim3A_648 = vector.shape_cast %reduce_max3A_647 : vector<256xf32> to vector<1x256xf32>
      %sub3A_649 = vector.broadcast %broadcast_in_dim3A_648 : vector<1x256xf32> to vector<4x256xf32>
      %sub3A_650 = arith.subf %neg3A_637, %sub3A_649 : vector<4x256xf32>
      %exp3A_651 = math.exp %sub3A_650 : vector<4x256xf32>
      %reduce_sum3A_652 = arith.constant dense<0.000000e+00> : vector<256xf32>
      %reduce_sum3A_653 = vector.multi_reduction <add>, %exp3A_651, %reduce_sum3A_652 [0] : vector<4x256xf32> to vector<256xf32>
      %broadcast_in_dim3A_654 = vector.shape_cast %reduce_sum3A_653 : vector<256xf32> to vector<1x256xf32>
      %log3A_655 = math.log %broadcast_in_dim3A_654 : vector<1x256xf32>
      %add3A_656 = arith.addf %broadcast_in_dim3A_645, %log3A_655 : vector<1x256xf32>
      %sub3A_657 = vector.broadcast %add3A_656 : vector<1x256xf32> to vector<4x256xf32>
      %sub3A_658 = arith.subf %neg3A_637, %sub3A_657 : vector<4x256xf32>
      %reduce_max3A_659 = arith.constant dense<0xFF800000> : vector<256xf32>
      %reduce_max3A_660 = vector.multi_reduction <maximumf>, %neg3A_642, %reduce_max3A_659 [0] : vector<4x256xf32> to vector<256xf32>
      %broadcast_in_dim3A_661 = vector.shape_cast %reduce_max3A_660 : vector<256xf32> to vector<1x256xf32>
      %reduce_max3A_662 = arith.constant dense<0xFF800000> : vector<256xf32>
      %reduce_max3A_663 = vector.multi_reduction <maximumf>, %neg3A_642, %reduce_max3A_662 [0] : vector<4x256xf32> to vector<256xf32>
      %broadcast_in_dim3A_664 = vector.shape_cast %reduce_max3A_663 : vector<256xf32> to vector<1x256xf32>
      %sub3A_665 = vector.broadcast %broadcast_in_dim3A_664 : vector<1x256xf32> to vector<4x256xf32>
      %sub3A_666 = arith.subf %neg3A_642, %sub3A_665 : vector<4x256xf32>
      %exp3A_667 = math.exp %sub3A_666 : vector<4x256xf32>
      %reduce_sum3A_668 = arith.constant dense<0.000000e+00> : vector<256xf32>
      %reduce_sum3A_669 = vector.multi_reduction <add>, %exp3A_667, %reduce_sum3A_668 [0] : vector<4x256xf32> to vector<256xf32>
      %broadcast_in_dim3A_670 = vector.shape_cast %reduce_sum3A_669 : vector<256xf32> to vector<1x256xf32>
      %log3A_671 = math.log %broadcast_in_dim3A_670 : vector<1x256xf32>
      %add3A_672 = arith.addf %broadcast_in_dim3A_661, %log3A_671 : vector<1x256xf32>
      %sub3A_673 = vector.broadcast %add3A_672 : vector<1x256xf32> to vector<4x256xf32>
      %sub3A_674 = arith.subf %neg3A_642, %sub3A_673 : vector<4x256xf32>
      %exp3A_675 = math.exp %sub3A_658 : vector<4x256xf32>
      %sub3A_676 = arith.subf %sub3A_658, %sub3A_674 : vector<4x256xf32>
      %mul3A_677 = arith.mulf %exp3A_675, %sub3A_676 : vector<4x256xf32>
      %reduce_sum3A_678 = vector.shape_cast %mul3A_677 : vector<4x256xf32> to vector<1x4x256xf32>
      %reduce_sum3A_679 = arith.constant dense<0.000000e+00> : vector<1xf32>
      %reduce_sum3A_680 = vector.multi_reduction <add>, %reduce_sum3A_678, %reduce_sum3A_679 [1, 2] : vector<1x4x256xf32> to vector<1xf32>
      %reduce_sum3A_681 = vector.shape_cast %reduce_sum3A_680 : vector<1xf32> to vector<1x1x1xf32>
      %reduce_sum3A_682 = vector.extract %reduce_sum3A_681[0, 0, 0] : f32 from vector<1x1x1xf32>
      %add3A_683 = arith.constant 0.000000e+00 : f32
      %add3A_684 = arith.addf %add3A_683, %reduce_sum3A_682 : f32
      %div3A_685 = vector.broadcast %add3A_615 : f32 to vector<4x256xf32>
      %div3A_686 = arith.divf %get3A_592, %div3A_685 : vector<4x256xf32>
      %neg3A_687 = arith.constant 0.000000e+00 : f32
      %neg3A_688 = vector.broadcast %neg3A_687 : f32 to vector<4x256xf32>
      %neg3A_689 = arith.subf %neg3A_688, %div3A_686 : vector<4x256xf32>
      %div3A_690 = vector.broadcast %add3A_632 : f32 to vector<4x256xf32>
      %div3A_691 = arith.divf %get3A_598, %div3A_690 : vector<4x256xf32>
      %neg3A_692 = arith.constant 0.000000e+00 : f32
      %neg3A_693 = vector.broadcast %neg3A_692 : f32 to vector<4x256xf32>
      %neg3A_694 = arith.subf %neg3A_693, %div3A_691 : vector<4x256xf32>
      %reduce_max3A_695 = arith.constant dense<0xFF800000> : vector<256xf32>
      %reduce_max3A_696 = vector.multi_reduction <maximumf>, %neg3A_689, %reduce_max3A_695 [0] : vector<4x256xf32> to vector<256xf32>
      %broadcast_in_dim3A_697 = vector.shape_cast %reduce_max3A_696 : vector<256xf32> to vector<1x256xf32>
      %reduce_max3A_698 = arith.constant dense<0xFF800000> : vector<256xf32>
      %reduce_max3A_699 = vector.multi_reduction <maximumf>, %neg3A_689, %reduce_max3A_698 [0] : vector<4x256xf32> to vector<256xf32>
      %broadcast_in_dim3A_700 = vector.shape_cast %reduce_max3A_699 : vector<256xf32> to vector<1x256xf32>
      %sub3A_701 = vector.broadcast %broadcast_in_dim3A_700 : vector<1x256xf32> to vector<4x256xf32>
      %sub3A_702 = arith.subf %neg3A_689, %sub3A_701 : vector<4x256xf32>
      %exp3A_703 = math.exp %sub3A_702 : vector<4x256xf32>
      %reduce_sum3A_704 = arith.constant dense<0.000000e+00> : vector<256xf32>
      %reduce_sum3A_705 = vector.multi_reduction <add>, %exp3A_703, %reduce_sum3A_704 [0] : vector<4x256xf32> to vector<256xf32>
      %broadcast_in_dim3A_706 = vector.shape_cast %reduce_sum3A_705 : vector<256xf32> to vector<1x256xf32>
      %log3A_707 = math.log %broadcast_in_dim3A_706 : vector<1x256xf32>
      %add3A_708 = arith.addf %broadcast_in_dim3A_697, %log3A_707 : vector<1x256xf32>
      %sub3A_709 = vector.broadcast %add3A_708 : vector<1x256xf32> to vector<4x256xf32>
      %sub3A_710 = arith.subf %neg3A_689, %sub3A_709 : vector<4x256xf32>
      %reduce_max3A_711 = arith.constant dense<0xFF800000> : vector<256xf32>
      %reduce_max3A_712 = vector.multi_reduction <maximumf>, %neg3A_694, %reduce_max3A_711 [0] : vector<4x256xf32> to vector<256xf32>
      %broadcast_in_dim3A_713 = vector.shape_cast %reduce_max3A_712 : vector<256xf32> to vector<1x256xf32>
      %reduce_max3A_714 = arith.constant dense<0xFF800000> : vector<256xf32>
      %reduce_max3A_715 = vector.multi_reduction <maximumf>, %neg3A_694, %reduce_max3A_714 [0] : vector<4x256xf32> to vector<256xf32>
      %broadcast_in_dim3A_716 = vector.shape_cast %reduce_max3A_715 : vector<256xf32> to vector<1x256xf32>
      %sub3A_717 = vector.broadcast %broadcast_in_dim3A_716 : vector<1x256xf32> to vector<4x256xf32>
      %sub3A_718 = arith.subf %neg3A_694, %sub3A_717 : vector<4x256xf32>
      %exp3A_719 = math.exp %sub3A_718 : vector<4x256xf32>
      %reduce_sum3A_720 = arith.constant dense<0.000000e+00> : vector<256xf32>
      %reduce_sum3A_721 = vector.multi_reduction <add>, %exp3A_719, %reduce_sum3A_720 [0] : vector<4x256xf32> to vector<256xf32>
      %broadcast_in_dim3A_722 = vector.shape_cast %reduce_sum3A_721 : vector<256xf32> to vector<1x256xf32>
      %log3A_723 = math.log %broadcast_in_dim3A_722 : vector<1x256xf32>
      %add3A_724 = arith.addf %broadcast_in_dim3A_713, %log3A_723 : vector<1x256xf32>
      %sub3A_725 = vector.broadcast %add3A_724 : vector<1x256xf32> to vector<4x256xf32>
      %sub3A_726 = arith.subf %neg3A_694, %sub3A_725 : vector<4x256xf32>
      %exp3A_727 = math.exp %sub3A_710 : vector<4x256xf32>
      %sub3A_728 = arith.subf %sub3A_710, %sub3A_726 : vector<4x256xf32>
      %mul3A_729 = arith.mulf %exp3A_727, %sub3A_728 : vector<4x256xf32>
      %reduce_sum3A_730 = vector.shape_cast %mul3A_729 : vector<4x256xf32> to vector<1x4x256xf32>
      %reduce_sum3A_731 = arith.constant dense<0.000000e+00> : vector<1xf32>
      %reduce_sum3A_732 = vector.multi_reduction <add>, %reduce_sum3A_730, %reduce_sum3A_731 [1, 2] : vector<1x4x256xf32> to vector<1xf32>
      %reduce_sum3A_733 = vector.shape_cast %reduce_sum3A_732 : vector<1xf32> to vector<1x1x1xf32>
      %reduce_sum3A_734 = vector.extract %reduce_sum3A_733[0, 0, 0] : f32 from vector<1x1x1xf32>
      %add3A_735 = arith.addf %add3A_684, %reduce_sum3A_734 : f32
      %add3A_736 = arith.addf %add3A_369, %add3A_735 : f32
      %get3A_737 = arith.constant 8 : index
      %get3A_738 = arith.constant 0 : index
      %get3A_739 = vector.load %arg10[%get3A_737, %get3A_738] : memref<48x256xf32, #tpu.memory_space<vmem>>, vector<4x256xf32>
      %get3A_740 = arith.constant 32 : index
      %get3A_741 = arith.constant 0 : index
      %get3A_742 = vector.load %arg10[%get3A_740, %get3A_741] : memref<48x256xf32, #tpu.memory_space<vmem>>, vector<4x256xf32>
      %get3A_743 = arith.constant 12 : index
      %get3A_744 = arith.constant 0 : index
      %get3A_745 = vector.load %arg10[%get3A_743, %get3A_744] : memref<48x256xf32, #tpu.memory_space<vmem>>, vector<4x256xf32>
      %get3A_746 = arith.constant 36 : index
      %get3A_747 = arith.constant 0 : index
      %get3A_748 = vector.load %arg10[%get3A_746, %get3A_747] : memref<48x256xf32, #tpu.memory_space<vmem>>, vector<4x256xf32>
      %reduce_sum3A_749 = vector.shape_cast %get3A_739 : vector<4x256xf32> to vector<1x4x256xf32>
      %reduce_sum3A_750 = arith.constant dense<0.000000e+00> : vector<1xf32>
      %reduce_sum3A_751 = vector.multi_reduction <add>, %reduce_sum3A_749, %reduce_sum3A_750 [1, 2] : vector<1x4x256xf32> to vector<1xf32>
      %reduce_sum3A_752 = vector.shape_cast %reduce_sum3A_751 : vector<1xf32> to vector<1x1x1xf32>
      %reduce_sum3A_753 = vector.extract %reduce_sum3A_752[0, 0, 0] : f32 from vector<1x1x1xf32>
      %add3A_754 = arith.constant 0.000000e+00 : f32
      %add3A_755 = arith.addf %add3A_754, %reduce_sum3A_753 : f32
      %reduce_sum3A_756 = vector.shape_cast %get3A_742 : vector<4x256xf32> to vector<1x4x256xf32>
      %reduce_sum3A_757 = arith.constant dense<0.000000e+00> : vector<1xf32>
      %reduce_sum3A_758 = vector.multi_reduction <add>, %reduce_sum3A_756, %reduce_sum3A_757 [1, 2] : vector<1x4x256xf32> to vector<1xf32>
      %reduce_sum3A_759 = vector.shape_cast %reduce_sum3A_758 : vector<1xf32> to vector<1x1x1xf32>
      %reduce_sum3A_760 = vector.extract %reduce_sum3A_759[0, 0, 0] : f32 from vector<1x1x1xf32>
      %add3A_761 = arith.addf %add3A_755, %reduce_sum3A_760 : f32
      %div3A_762 = arith.constant 2.048000e+03 : f32
      %div3A_763 = arith.divf %add3A_761, %div3A_762 : f32
      %add3A_764 = arith.constant 9.99999993E-9 : f32
      %add3A_765 = arith.addf %div3A_763, %add3A_764 : f32
      %reduce_sum3A_766 = vector.shape_cast %get3A_745 : vector<4x256xf32> to vector<1x4x256xf32>
      %reduce_sum3A_767 = arith.constant dense<0.000000e+00> : vector<1xf32>
      %reduce_sum3A_768 = vector.multi_reduction <add>, %reduce_sum3A_766, %reduce_sum3A_767 [1, 2] : vector<1x4x256xf32> to vector<1xf32>
      %reduce_sum3A_769 = vector.shape_cast %reduce_sum3A_768 : vector<1xf32> to vector<1x1x1xf32>
      %reduce_sum3A_770 = vector.extract %reduce_sum3A_769[0, 0, 0] : f32 from vector<1x1x1xf32>
      %add3A_771 = arith.constant 0.000000e+00 : f32
      %add3A_772 = arith.addf %add3A_771, %reduce_sum3A_770 : f32
      %reduce_sum3A_773 = vector.shape_cast %get3A_748 : vector<4x256xf32> to vector<1x4x256xf32>
      %reduce_sum3A_774 = arith.constant dense<0.000000e+00> : vector<1xf32>
      %reduce_sum3A_775 = vector.multi_reduction <add>, %reduce_sum3A_773, %reduce_sum3A_774 [1, 2] : vector<1x4x256xf32> to vector<1xf32>
      %reduce_sum3A_776 = vector.shape_cast %reduce_sum3A_775 : vector<1xf32> to vector<1x1x1xf32>
      %reduce_sum3A_777 = vector.extract %reduce_sum3A_776[0, 0, 0] : f32 from vector<1x1x1xf32>
      %add3A_778 = arith.addf %add3A_772, %reduce_sum3A_777 : f32
      %div3A_779 = arith.constant 2.048000e+03 : f32
      %div3A_780 = arith.divf %add3A_778, %div3A_779 : f32
      %add3A_781 = arith.constant 9.99999993E-9 : f32
      %add3A_782 = arith.addf %div3A_780, %add3A_781 : f32
      %div3A_783 = vector.broadcast %add3A_765 : f32 to vector<4x256xf32>
      %div3A_784 = arith.divf %get3A_739, %div3A_783 : vector<4x256xf32>
      %neg3A_785 = arith.constant 0.000000e+00 : f32
      %neg3A_786 = vector.broadcast %neg3A_785 : f32 to vector<4x256xf32>
      %neg3A_787 = arith.subf %neg3A_786, %div3A_784 : vector<4x256xf32>
      %div3A_788 = vector.broadcast %add3A_782 : f32 to vector<4x256xf32>
      %div3A_789 = arith.divf %get3A_745, %div3A_788 : vector<4x256xf32>
      %neg3A_790 = arith.constant 0.000000e+00 : f32
      %neg3A_791 = vector.broadcast %neg3A_790 : f32 to vector<4x256xf32>
      %neg3A_792 = arith.subf %neg3A_791, %div3A_789 : vector<4x256xf32>
      %reduce_max3A_793 = arith.constant dense<0xFF800000> : vector<256xf32>
      %reduce_max3A_794 = vector.multi_reduction <maximumf>, %neg3A_787, %reduce_max3A_793 [0] : vector<4x256xf32> to vector<256xf32>
      %broadcast_in_dim3A_795 = vector.shape_cast %reduce_max3A_794 : vector<256xf32> to vector<1x256xf32>
      %reduce_max3A_796 = arith.constant dense<0xFF800000> : vector<256xf32>
      %reduce_max3A_797 = vector.multi_reduction <maximumf>, %neg3A_787, %reduce_max3A_796 [0] : vector<4x256xf32> to vector<256xf32>
      %broadcast_in_dim3A_798 = vector.shape_cast %reduce_max3A_797 : vector<256xf32> to vector<1x256xf32>
      %sub3A_799 = vector.broadcast %broadcast_in_dim3A_798 : vector<1x256xf32> to vector<4x256xf32>
      %sub3A_800 = arith.subf %neg3A_787, %sub3A_799 : vector<4x256xf32>
      %exp3A_801 = math.exp %sub3A_800 : vector<4x256xf32>
      %reduce_sum3A_802 = arith.constant dense<0.000000e+00> : vector<256xf32>
      %reduce_sum3A_803 = vector.multi_reduction <add>, %exp3A_801, %reduce_sum3A_802 [0] : vector<4x256xf32> to vector<256xf32>
      %broadcast_in_dim3A_804 = vector.shape_cast %reduce_sum3A_803 : vector<256xf32> to vector<1x256xf32>
      %log3A_805 = math.log %broadcast_in_dim3A_804 : vector<1x256xf32>
      %add3A_806 = arith.addf %broadcast_in_dim3A_795, %log3A_805 : vector<1x256xf32>
      %sub3A_807 = vector.broadcast %add3A_806 : vector<1x256xf32> to vector<4x256xf32>
      %sub3A_808 = arith.subf %neg3A_787, %sub3A_807 : vector<4x256xf32>
      %reduce_max3A_809 = arith.constant dense<0xFF800000> : vector<256xf32>
      %reduce_max3A_810 = vector.multi_reduction <maximumf>, %neg3A_792, %reduce_max3A_809 [0] : vector<4x256xf32> to vector<256xf32>
      %broadcast_in_dim3A_811 = vector.shape_cast %reduce_max3A_810 : vector<256xf32> to vector<1x256xf32>
      %reduce_max3A_812 = arith.constant dense<0xFF800000> : vector<256xf32>
      %reduce_max3A_813 = vector.multi_reduction <maximumf>, %neg3A_792, %reduce_max3A_812 [0] : vector<4x256xf32> to vector<256xf32>
      %broadcast_in_dim3A_814 = vector.shape_cast %reduce_max3A_813 : vector<256xf32> to vector<1x256xf32>
      %sub3A_815 = vector.broadcast %broadcast_in_dim3A_814 : vector<1x256xf32> to vector<4x256xf32>
      %sub3A_816 = arith.subf %neg3A_792, %sub3A_815 : vector<4x256xf32>
      %exp3A_817 = math.exp %sub3A_816 : vector<4x256xf32>
      %reduce_sum3A_818 = arith.constant dense<0.000000e+00> : vector<256xf32>
      %reduce_sum3A_819 = vector.multi_reduction <add>, %exp3A_817, %reduce_sum3A_818 [0] : vector<4x256xf32> to vector<256xf32>
      %broadcast_in_dim3A_820 = vector.shape_cast %reduce_sum3A_819 : vector<256xf32> to vector<1x256xf32>
      %log3A_821 = math.log %broadcast_in_dim3A_820 : vector<1x256xf32>
      %add3A_822 = arith.addf %broadcast_in_dim3A_811, %log3A_821 : vector<1x256xf32>
      %sub3A_823 = vector.broadcast %add3A_822 : vector<1x256xf32> to vector<4x256xf32>
      %sub3A_824 = arith.subf %neg3A_792, %sub3A_823 : vector<4x256xf32>
      %exp3A_825 = math.exp %sub3A_808 : vector<4x256xf32>
      %sub3A_826 = arith.subf %sub3A_808, %sub3A_824 : vector<4x256xf32>
      %mul3A_827 = arith.mulf %exp3A_825, %sub3A_826 : vector<4x256xf32>
      %reduce_sum3A_828 = vector.shape_cast %mul3A_827 : vector<4x256xf32> to vector<1x4x256xf32>
      %reduce_sum3A_829 = arith.constant dense<0.000000e+00> : vector<1xf32>
      %reduce_sum3A_830 = vector.multi_reduction <add>, %reduce_sum3A_828, %reduce_sum3A_829 [1, 2] : vector<1x4x256xf32> to vector<1xf32>
      %reduce_sum3A_831 = vector.shape_cast %reduce_sum3A_830 : vector<1xf32> to vector<1x1x1xf32>
      %reduce_sum3A_832 = vector.extract %reduce_sum3A_831[0, 0, 0] : f32 from vector<1x1x1xf32>
      %add3A_833 = arith.constant 0.000000e+00 : f32
      %add3A_834 = arith.addf %add3A_833, %reduce_sum3A_832 : f32
      %div3A_835 = vector.broadcast %add3A_765 : f32 to vector<4x256xf32>
      %div3A_836 = arith.divf %get3A_742, %div3A_835 : vector<4x256xf32>
      %neg3A_837 = arith.constant 0.000000e+00 : f32
      %neg3A_838 = vector.broadcast %neg3A_837 : f32 to vector<4x256xf32>
      %neg3A_839 = arith.subf %neg3A_838, %div3A_836 : vector<4x256xf32>
      %div3A_840 = vector.broadcast %add3A_782 : f32 to vector<4x256xf32>
      %div3A_841 = arith.divf %get3A_748, %div3A_840 : vector<4x256xf32>
      %neg3A_842 = arith.constant 0.000000e+00 : f32
      %neg3A_843 = vector.broadcast %neg3A_842 : f32 to vector<4x256xf32>
      %neg3A_844 = arith.subf %neg3A_843, %div3A_841 : vector<4x256xf32>
      %reduce_max3A_845 = arith.constant dense<0xFF800000> : vector<256xf32>
      %reduce_max3A_846 = vector.multi_reduction <maximumf>, %neg3A_839, %reduce_max3A_845 [0] : vector<4x256xf32> to vector<256xf32>
      %broadcast_in_dim3A_847 = vector.shape_cast %reduce_max3A_846 : vector<256xf32> to vector<1x256xf32>
      %reduce_max3A_848 = arith.constant dense<0xFF800000> : vector<256xf32>
      %reduce_max3A_849 = vector.multi_reduction <maximumf>, %neg3A_839, %reduce_max3A_848 [0] : vector<4x256xf32> to vector<256xf32>
      %broadcast_in_dim3A_850 = vector.shape_cast %reduce_max3A_849 : vector<256xf32> to vector<1x256xf32>
      %sub3A_851 = vector.broadcast %broadcast_in_dim3A_850 : vector<1x256xf32> to vector<4x256xf32>
      %sub3A_852 = arith.subf %neg3A_839, %sub3A_851 : vector<4x256xf32>
      %exp3A_853 = math.exp %sub3A_852 : vector<4x256xf32>
      %reduce_sum3A_854 = arith.constant dense<0.000000e+00> : vector<256xf32>
      %reduce_sum3A_855 = vector.multi_reduction <add>, %exp3A_853, %reduce_sum3A_854 [0] : vector<4x256xf32> to vector<256xf32>
      %broadcast_in_dim3A_856 = vector.shape_cast %reduce_sum3A_855 : vector<256xf32> to vector<1x256xf32>
      %log3A_857 = math.log %broadcast_in_dim3A_856 : vector<1x256xf32>
      %add3A_858 = arith.addf %broadcast_in_dim3A_847, %log3A_857 : vector<1x256xf32>
      %sub3A_859 = vector.broadcast %add3A_858 : vector<1x256xf32> to vector<4x256xf32>
      %sub3A_860 = arith.subf %neg3A_839, %sub3A_859 : vector<4x256xf32>
      %reduce_max3A_861 = arith.constant dense<0xFF800000> : vector<256xf32>
      %reduce_max3A_862 = vector.multi_reduction <maximumf>, %neg3A_844, %reduce_max3A_861 [0] : vector<4x256xf32> to vector<256xf32>
      %broadcast_in_dim3A_863 = vector.shape_cast %reduce_max3A_862 : vector<256xf32> to vector<1x256xf32>
      %reduce_max3A_864 = arith.constant dense<0xFF800000> : vector<256xf32>
      %reduce_max3A_865 = vector.multi_reduction <maximumf>, %neg3A_844, %reduce_max3A_864 [0] : vector<4x256xf32> to vector<256xf32>
      %broadcast_in_dim3A_866 = vector.shape_cast %reduce_max3A_865 : vector<256xf32> to vector<1x256xf32>
      %sub3A_867 = vector.broadcast %broadcast_in_dim3A_866 : vector<1x256xf32> to vector<4x256xf32>
      %sub3A_868 = arith.subf %neg3A_844, %sub3A_867 : vector<4x256xf32>
      %exp3A_869 = math.exp %sub3A_868 : vector<4x256xf32>
      %reduce_sum3A_870 = arith.constant dense<0.000000e+00> : vector<256xf32>
      %reduce_sum3A_871 = vector.multi_reduction <add>, %exp3A_869, %reduce_sum3A_870 [0] : vector<4x256xf32> to vector<256xf32>
      %broadcast_in_dim3A_872 = vector.shape_cast %reduce_sum3A_871 : vector<256xf32> to vector<1x256xf32>
      %log3A_873 = math.log %broadcast_in_dim3A_872 : vector<1x256xf32>
      %add3A_874 = arith.addf %broadcast_in_dim3A_863, %log3A_873 : vector<1x256xf32>
      %sub3A_875 = vector.broadcast %add3A_874 : vector<1x256xf32> to vector<4x256xf32>
      %sub3A_876 = arith.subf %neg3A_844, %sub3A_875 : vector<4x256xf32>
      %exp3A_877 = math.exp %sub3A_860 : vector<4x256xf32>
      %sub3A_878 = arith.subf %sub3A_860, %sub3A_876 : vector<4x256xf32>
      %mul3A_879 = arith.mulf %exp3A_877, %sub3A_878 : vector<4x256xf32>
      %reduce_sum3A_880 = vector.shape_cast %mul3A_879 : vector<4x256xf32> to vector<1x4x256xf32>
      %reduce_sum3A_881 = arith.constant dense<0.000000e+00> : vector<1xf32>
      %reduce_sum3A_882 = vector.multi_reduction <add>, %reduce_sum3A_880, %reduce_sum3A_881 [1, 2] : vector<1x4x256xf32> to vector<1xf32>
      %reduce_sum3A_883 = vector.shape_cast %reduce_sum3A_882 : vector<1xf32> to vector<1x1x1xf32>
      %reduce_sum3A_884 = vector.extract %reduce_sum3A_883[0, 0, 0] : f32 from vector<1x1x1xf32>
      %add3A_885 = arith.addf %add3A_834, %reduce_sum3A_884 : f32
      %add3A_886 = arith.addf %add3A_520, %add3A_885 : f32
      %get3A_887 = arith.constant 4 : index
      %get3A_888 = arith.constant 0 : index
      %get3A_889 = vector.load %arg8[%get3A_887, %get3A_888] : memref<12x256xf32, #tpu.memory_space<vmem>>, vector<1x256xf32>
      %get3A_890 = vector.shape_cast %get3A_889 : vector<1x256xf32> to vector<256xf32>
      %broadcast_in_dim3A_891 = vector.shape_cast %get3A_890 : vector<256xf32> to vector<1x256xf32>
      %get3A_892 = arith.constant 10 : index
      %get3A_893 = arith.constant 0 : index
      %get3A_894 = vector.load %arg8[%get3A_892, %get3A_893] : memref<12x256xf32, #tpu.memory_space<vmem>>, vector<1x256xf32>
      %get3A_895 = vector.shape_cast %get3A_894 : vector<1x256xf32> to vector<256xf32>
      %broadcast_in_dim3A_896 = vector.shape_cast %get3A_895 : vector<256xf32> to vector<1x256xf32>
      %concatenate3A_897 = tpu.concatenate %broadcast_in_dim3A_891, %broadcast_in_dim3A_896 in 0 : vector<1x256xf32>, vector<1x256xf32> -> vector<2x256xf32>
      %get3A_898 = arith.constant 5 : index
      %get3A_899 = arith.constant 0 : index
      %get3A_900 = vector.load %arg8[%get3A_898, %get3A_899] : memref<12x256xf32, #tpu.memory_space<vmem>>, vector<1x256xf32>
      %get3A_901 = vector.shape_cast %get3A_900 : vector<1x256xf32> to vector<256xf32>
      %broadcast_in_dim3A_902 = vector.shape_cast %get3A_901 : vector<256xf32> to vector<1x256xf32>
      %get3A_903 = arith.constant 11 : index
      %get3A_904 = arith.constant 0 : index
      %get3A_905 = vector.load %arg8[%get3A_903, %get3A_904] : memref<12x256xf32, #tpu.memory_space<vmem>>, vector<1x256xf32>
      %get3A_906 = vector.shape_cast %get3A_905 : vector<1x256xf32> to vector<256xf32>
      %broadcast_in_dim3A_907 = vector.shape_cast %get3A_906 : vector<256xf32> to vector<1x256xf32>
      %concatenate3A_908 = tpu.concatenate %broadcast_in_dim3A_902, %broadcast_in_dim3A_907 in 0 : vector<1x256xf32>, vector<1x256xf32> -> vector<2x256xf32>
      %reduce_sum3A_909 = vector.shape_cast %concatenate3A_897 : vector<2x256xf32> to vector<1x2x256xf32>
      %reduce_sum3A_910 = arith.constant dense<0.000000e+00> : vector<1xf32>
      %reduce_sum3A_911 = vector.multi_reduction <add>, %reduce_sum3A_909, %reduce_sum3A_910 [1, 2] : vector<1x2x256xf32> to vector<1xf32>
      %reduce_sum3A_912 = vector.shape_cast %reduce_sum3A_911 : vector<1xf32> to vector<1x1x1xf32>
      %reduce_sum3A_913 = vector.extract %reduce_sum3A_912[0, 0, 0] : f32 from vector<1x1x1xf32>
      %div3A_914 = arith.constant 5.120000e+02 : f32
      %div3A_915 = arith.divf %reduce_sum3A_913, %div3A_914 : f32
      %add3A_916 = arith.constant 9.99999993E-9 : f32
      %add3A_917 = arith.addf %div3A_915, %add3A_916 : f32
      %div3A_918 = vector.broadcast %add3A_917 : f32 to vector<2x256xf32>
      %div3A_919 = arith.divf %concatenate3A_897, %div3A_918 : vector<2x256xf32>
      %reduce_sum3A_920 = vector.shape_cast %concatenate3A_908 : vector<2x256xf32> to vector<1x2x256xf32>
      %reduce_sum3A_921 = arith.constant dense<0.000000e+00> : vector<1xf32>
      %reduce_sum3A_922 = vector.multi_reduction <add>, %reduce_sum3A_920, %reduce_sum3A_921 [1, 2] : vector<1x2x256xf32> to vector<1xf32>
      %reduce_sum3A_923 = vector.shape_cast %reduce_sum3A_922 : vector<1xf32> to vector<1x1x1xf32>
      %reduce_sum3A_924 = vector.extract %reduce_sum3A_923[0, 0, 0] : f32 from vector<1x1x1xf32>
      %div3A_925 = arith.constant 5.120000e+02 : f32
      %div3A_926 = arith.divf %reduce_sum3A_924, %div3A_925 : f32
      %add3A_927 = arith.constant 9.99999993E-9 : f32
      %add3A_928 = arith.addf %div3A_926, %add3A_927 : f32
      %div3A_929 = vector.broadcast %add3A_928 : f32 to vector<2x256xf32>
      %div3A_930 = arith.divf %concatenate3A_908, %div3A_929 : vector<2x256xf32>
      %sub3A_931 = arith.subf %div3A_930, %div3A_919 : vector<2x256xf32>
      %abs3A_932 = math.absf %sub3A_931 : vector<2x256xf32>
      %lt3A_933 = arith.constant 5.000000e-01 : f32
      %lt3A_934 = vector.broadcast %lt3A_933 : f32 to vector<2x256xf32>
      %lt3A_935 = arith.cmpf olt, %abs3A_932, %lt3A_934 : vector<2x256xf32>
      %mul3A_936 = arith.constant 5.000000e-01 : f32
      %mul3A_937 = vector.broadcast %mul3A_936 : f32 to vector<2x256xf32>
      %mul3A_938 = arith.mulf %mul3A_937, %abs3A_932 : vector<2x256xf32>
      %mul3A_939 = arith.mulf %mul3A_938, %abs3A_932 : vector<2x256xf32>
      %div3A_940 = arith.constant 5.000000e-01 : f32
      %div3A_941 = vector.broadcast %div3A_940 : f32 to vector<2x256xf32>
      %div3A_942 = arith.divf %mul3A_939, %div3A_941 : vector<2x256xf32>
      %sub3A_943 = arith.constant 2.500000e-01 : f32
      %sub3A_944 = vector.broadcast %sub3A_943 : f32 to vector<2x256xf32>
      %sub3A_945 = arith.subf %abs3A_932, %sub3A_944 : vector<2x256xf32>
      %select_n3A_946 = arith.select %lt3A_935, %div3A_942, %sub3A_945 : vector<2x256xi1>, vector<2x256xf32>
      %reduce_sum3A_947 = vector.shape_cast %select_n3A_946 : vector<2x256xf32> to vector<1x2x256xf32>
      %reduce_sum3A_948 = arith.constant dense<0.000000e+00> : vector<1xf32>
      %reduce_sum3A_949 = vector.multi_reduction <add>, %reduce_sum3A_947, %reduce_sum3A_948 [1, 2] : vector<1x2x256xf32> to vector<1xf32>
      %reduce_sum3A_950 = vector.shape_cast %reduce_sum3A_949 : vector<1xf32> to vector<1x1x1xf32>
      %reduce_sum3A_951 = vector.extract %reduce_sum3A_950[0, 0, 0] : f32 from vector<1x1x1xf32>
      %add3A_952 = arith.addf %add3A_586, %reduce_sum3A_951 : f32
      %get3A_953 = arith.constant 16 : index
      %get3A_954 = arith.constant 0 : index
      %get3A_955 = vector.load %arg9[%get3A_953, %get3A_954] : memref<48x256xf32, #tpu.memory_space<vmem>>, vector<4x256xf32>
      %get3A_956 = arith.constant 40 : index
      %get3A_957 = arith.constant 0 : index
      %get3A_958 = vector.load %arg9[%get3A_956, %get3A_957] : memref<48x256xf32, #tpu.memory_space<vmem>>, vector<4x256xf32>
      %get3A_959 = arith.constant 20 : index
      %get3A_960 = arith.constant 0 : index
      %get3A_961 = vector.load %arg9[%get3A_959, %get3A_960] : memref<48x256xf32, #tpu.memory_space<vmem>>, vector<4x256xf32>
      %get3A_962 = arith.constant 44 : index
      %get3A_963 = arith.constant 0 : index
      %get3A_964 = vector.load %arg9[%get3A_962, %get3A_963] : memref<48x256xf32, #tpu.memory_space<vmem>>, vector<4x256xf32>
      %reduce_sum3A_965 = vector.shape_cast %get3A_955 : vector<4x256xf32> to vector<1x4x256xf32>
      %reduce_sum3A_966 = arith.constant dense<0.000000e+00> : vector<1xf32>
      %reduce_sum3A_967 = vector.multi_reduction <add>, %reduce_sum3A_965, %reduce_sum3A_966 [1, 2] : vector<1x4x256xf32> to vector<1xf32>
      %reduce_sum3A_968 = vector.shape_cast %reduce_sum3A_967 : vector<1xf32> to vector<1x1x1xf32>
      %reduce_sum3A_969 = vector.extract %reduce_sum3A_968[0, 0, 0] : f32 from vector<1x1x1xf32>
      %add3A_970 = arith.constant 0.000000e+00 : f32
      %add3A_971 = arith.addf %add3A_970, %reduce_sum3A_969 : f32
      %reduce_sum3A_972 = vector.shape_cast %get3A_958 : vector<4x256xf32> to vector<1x4x256xf32>
      %reduce_sum3A_973 = arith.constant dense<0.000000e+00> : vector<1xf32>
      %reduce_sum3A_974 = vector.multi_reduction <add>, %reduce_sum3A_972, %reduce_sum3A_973 [1, 2] : vector<1x4x256xf32> to vector<1xf32>
      %reduce_sum3A_975 = vector.shape_cast %reduce_sum3A_974 : vector<1xf32> to vector<1x1x1xf32>
      %reduce_sum3A_976 = vector.extract %reduce_sum3A_975[0, 0, 0] : f32 from vector<1x1x1xf32>
      %add3A_977 = arith.addf %add3A_971, %reduce_sum3A_976 : f32
      %div3A_978 = arith.constant 2.048000e+03 : f32
      %div3A_979 = arith.divf %add3A_977, %div3A_978 : f32
      %add3A_980 = arith.constant 9.99999993E-9 : f32
      %add3A_981 = arith.addf %div3A_979, %add3A_980 : f32
      %reduce_sum3A_982 = vector.shape_cast %get3A_961 : vector<4x256xf32> to vector<1x4x256xf32>
      %reduce_sum3A_983 = arith.constant dense<0.000000e+00> : vector<1xf32>
      %reduce_sum3A_984 = vector.multi_reduction <add>, %reduce_sum3A_982, %reduce_sum3A_983 [1, 2] : vector<1x4x256xf32> to vector<1xf32>
      %reduce_sum3A_985 = vector.shape_cast %reduce_sum3A_984 : vector<1xf32> to vector<1x1x1xf32>
      %reduce_sum3A_986 = vector.extract %reduce_sum3A_985[0, 0, 0] : f32 from vector<1x1x1xf32>
      %add3A_987 = arith.constant 0.000000e+00 : f32
      %add3A_988 = arith.addf %add3A_987, %reduce_sum3A_986 : f32
      %reduce_sum3A_989 = vector.shape_cast %get3A_964 : vector<4x256xf32> to vector<1x4x256xf32>
      %reduce_sum3A_990 = arith.constant dense<0.000000e+00> : vector<1xf32>
      %reduce_sum3A_991 = vector.multi_reduction <add>, %reduce_sum3A_989, %reduce_sum3A_990 [1, 2] : vector<1x4x256xf32> to vector<1xf32>
      %reduce_sum3A_992 = vector.shape_cast %reduce_sum3A_991 : vector<1xf32> to vector<1x1x1xf32>
      %reduce_sum3A_993 = vector.extract %reduce_sum3A_992[0, 0, 0] : f32 from vector<1x1x1xf32>
      %add3A_994 = arith.addf %add3A_988, %reduce_sum3A_993 : f32
      %div3A_995 = arith.constant 2.048000e+03 : f32
      %div3A_996 = arith.divf %add3A_994, %div3A_995 : f32
      %add3A_997 = arith.constant 9.99999993E-9 : f32
      %add3A_998 = arith.addf %div3A_996, %add3A_997 : f32
      %div3A_999 = vector.broadcast %add3A_981 : f32 to vector<4x256xf32>
      %div3A_1000 = arith.divf %get3A_955, %div3A_999 : vector<4x256xf32>
      %neg3A_1001 = arith.constant 0.000000e+00 : f32
      %neg3A_1002 = vector.broadcast %neg3A_1001 : f32 to vector<4x256xf32>
      %neg3A_1003 = arith.subf %neg3A_1002, %div3A_1000 : vector<4x256xf32>
      %div3A_1004 = vector.broadcast %add3A_998 : f32 to vector<4x256xf32>
      %div3A_1005 = arith.divf %get3A_961, %div3A_1004 : vector<4x256xf32>
      %neg3A_1006 = arith.constant 0.000000e+00 : f32
      %neg3A_1007 = vector.broadcast %neg3A_1006 : f32 to vector<4x256xf32>
      %neg3A_1008 = arith.subf %neg3A_1007, %div3A_1005 : vector<4x256xf32>
      %reduce_max3A_1009 = arith.constant dense<0xFF800000> : vector<256xf32>
      %reduce_max3A_1010 = vector.multi_reduction <maximumf>, %neg3A_1003, %reduce_max3A_1009 [0] : vector<4x256xf32> to vector<256xf32>
      %broadcast_in_dim3A_1011 = vector.shape_cast %reduce_max3A_1010 : vector<256xf32> to vector<1x256xf32>
      %reduce_max3A_1012 = arith.constant dense<0xFF800000> : vector<256xf32>
      %reduce_max3A_1013 = vector.multi_reduction <maximumf>, %neg3A_1003, %reduce_max3A_1012 [0] : vector<4x256xf32> to vector<256xf32>
      %broadcast_in_dim3A_1014 = vector.shape_cast %reduce_max3A_1013 : vector<256xf32> to vector<1x256xf32>
      %sub3A_1015 = vector.broadcast %broadcast_in_dim3A_1014 : vector<1x256xf32> to vector<4x256xf32>
      %sub3A_1016 = arith.subf %neg3A_1003, %sub3A_1015 : vector<4x256xf32>
      %exp3A_1017 = math.exp %sub3A_1016 : vector<4x256xf32>
      %reduce_sum3A_1018 = arith.constant dense<0.000000e+00> : vector<256xf32>
      %reduce_sum3A_1019 = vector.multi_reduction <add>, %exp3A_1017, %reduce_sum3A_1018 [0] : vector<4x256xf32> to vector<256xf32>
      %broadcast_in_dim3A_1020 = vector.shape_cast %reduce_sum3A_1019 : vector<256xf32> to vector<1x256xf32>
      %log3A_1021 = math.log %broadcast_in_dim3A_1020 : vector<1x256xf32>
      %add3A_1022 = arith.addf %broadcast_in_dim3A_1011, %log3A_1021 : vector<1x256xf32>
      %sub3A_1023 = vector.broadcast %add3A_1022 : vector<1x256xf32> to vector<4x256xf32>
      %sub3A_1024 = arith.subf %neg3A_1003, %sub3A_1023 : vector<4x256xf32>
      %reduce_max3A_1025 = arith.constant dense<0xFF800000> : vector<256xf32>
      %reduce_max3A_1026 = vector.multi_reduction <maximumf>, %neg3A_1008, %reduce_max3A_1025 [0] : vector<4x256xf32> to vector<256xf32>
      %broadcast_in_dim3A_1027 = vector.shape_cast %reduce_max3A_1026 : vector<256xf32> to vector<1x256xf32>
      %reduce_max3A_1028 = arith.constant dense<0xFF800000> : vector<256xf32>
      %reduce_max3A_1029 = vector.multi_reduction <maximumf>, %neg3A_1008, %reduce_max3A_1028 [0] : vector<4x256xf32> to vector<256xf32>
      %broadcast_in_dim3A_1030 = vector.shape_cast %reduce_max3A_1029 : vector<256xf32> to vector<1x256xf32>
      %sub3A_1031 = vector.broadcast %broadcast_in_dim3A_1030 : vector<1x256xf32> to vector<4x256xf32>
      %sub3A_1032 = arith.subf %neg3A_1008, %sub3A_1031 : vector<4x256xf32>
      %exp3A_1033 = math.exp %sub3A_1032 : vector<4x256xf32>
      %reduce_sum3A_1034 = arith.constant dense<0.000000e+00> : vector<256xf32>
      %reduce_sum3A_1035 = vector.multi_reduction <add>, %exp3A_1033, %reduce_sum3A_1034 [0] : vector<4x256xf32> to vector<256xf32>
      %broadcast_in_dim3A_1036 = vector.shape_cast %reduce_sum3A_1035 : vector<256xf32> to vector<1x256xf32>
      %log3A_1037 = math.log %broadcast_in_dim3A_1036 : vector<1x256xf32>
      %add3A_1038 = arith.addf %broadcast_in_dim3A_1027, %log3A_1037 : vector<1x256xf32>
      %sub3A_1039 = vector.broadcast %add3A_1038 : vector<1x256xf32> to vector<4x256xf32>
      %sub3A_1040 = arith.subf %neg3A_1008, %sub3A_1039 : vector<4x256xf32>
      %exp3A_1041 = math.exp %sub3A_1024 : vector<4x256xf32>
      %sub3A_1042 = arith.subf %sub3A_1024, %sub3A_1040 : vector<4x256xf32>
      %mul3A_1043 = arith.mulf %exp3A_1041, %sub3A_1042 : vector<4x256xf32>
      %reduce_sum3A_1044 = vector.shape_cast %mul3A_1043 : vector<4x256xf32> to vector<1x4x256xf32>
      %reduce_sum3A_1045 = arith.constant dense<0.000000e+00> : vector<1xf32>
      %reduce_sum3A_1046 = vector.multi_reduction <add>, %reduce_sum3A_1044, %reduce_sum3A_1045 [1, 2] : vector<1x4x256xf32> to vector<1xf32>
      %reduce_sum3A_1047 = vector.shape_cast %reduce_sum3A_1046 : vector<1xf32> to vector<1x1x1xf32>
      %reduce_sum3A_1048 = vector.extract %reduce_sum3A_1047[0, 0, 0] : f32 from vector<1x1x1xf32>
      %add3A_1049 = arith.constant 0.000000e+00 : f32
      %add3A_1050 = arith.addf %add3A_1049, %reduce_sum3A_1048 : f32
      %div3A_1051 = vector.broadcast %add3A_981 : f32 to vector<4x256xf32>
      %div3A_1052 = arith.divf %get3A_958, %div3A_1051 : vector<4x256xf32>
      %neg3A_1053 = arith.constant 0.000000e+00 : f32
      %neg3A_1054 = vector.broadcast %neg3A_1053 : f32 to vector<4x256xf32>
      %neg3A_1055 = arith.subf %neg3A_1054, %div3A_1052 : vector<4x256xf32>
      %div3A_1056 = vector.broadcast %add3A_998 : f32 to vector<4x256xf32>
      %div3A_1057 = arith.divf %get3A_964, %div3A_1056 : vector<4x256xf32>
      %neg3A_1058 = arith.constant 0.000000e+00 : f32
      %neg3A_1059 = vector.broadcast %neg3A_1058 : f32 to vector<4x256xf32>
      %neg3A_1060 = arith.subf %neg3A_1059, %div3A_1057 : vector<4x256xf32>
      %reduce_max3A_1061 = arith.constant dense<0xFF800000> : vector<256xf32>
      %reduce_max3A_1062 = vector.multi_reduction <maximumf>, %neg3A_1055, %reduce_max3A_1061 [0] : vector<4x256xf32> to vector<256xf32>
      %broadcast_in_dim3A_1063 = vector.shape_cast %reduce_max3A_1062 : vector<256xf32> to vector<1x256xf32>
      %reduce_max3A_1064 = arith.constant dense<0xFF800000> : vector<256xf32>
      %reduce_max3A_1065 = vector.multi_reduction <maximumf>, %neg3A_1055, %reduce_max3A_1064 [0] : vector<4x256xf32> to vector<256xf32>
      %broadcast_in_dim3A_1066 = vector.shape_cast %reduce_max3A_1065 : vector<256xf32> to vector<1x256xf32>
      %sub3A_1067 = vector.broadcast %broadcast_in_dim3A_1066 : vector<1x256xf32> to vector<4x256xf32>
      %sub3A_1068 = arith.subf %neg3A_1055, %sub3A_1067 : vector<4x256xf32>
      %exp3A_1069 = math.exp %sub3A_1068 : vector<4x256xf32>
      %reduce_sum3A_1070 = arith.constant dense<0.000000e+00> : vector<256xf32>
      %reduce_sum3A_1071 = vector.multi_reduction <add>, %exp3A_1069, %reduce_sum3A_1070 [0] : vector<4x256xf32> to vector<256xf32>
      %broadcast_in_dim3A_1072 = vector.shape_cast %reduce_sum3A_1071 : vector<256xf32> to vector<1x256xf32>
      %log3A_1073 = math.log %broadcast_in_dim3A_1072 : vector<1x256xf32>
      %add3A_1074 = arith.addf %broadcast_in_dim3A_1063, %log3A_1073 : vector<1x256xf32>
      %sub3A_1075 = vector.broadcast %add3A_1074 : vector<1x256xf32> to vector<4x256xf32>
      %sub3A_1076 = arith.subf %neg3A_1055, %sub3A_1075 : vector<4x256xf32>
      %reduce_max3A_1077 = arith.constant dense<0xFF800000> : vector<256xf32>
      %reduce_max3A_1078 = vector.multi_reduction <maximumf>, %neg3A_1060, %reduce_max3A_1077 [0] : vector<4x256xf32> to vector<256xf32>
      %broadcast_in_dim3A_1079 = vector.shape_cast %reduce_max3A_1078 : vector<256xf32> to vector<1x256xf32>
      %reduce_max3A_1080 = arith.constant dense<0xFF800000> : vector<256xf32>
      %reduce_max3A_1081 = vector.multi_reduction <maximumf>, %neg3A_1060, %reduce_max3A_1080 [0] : vector<4x256xf32> to vector<256xf32>
      %broadcast_in_dim3A_1082 = vector.shape_cast %reduce_max3A_1081 : vector<256xf32> to vector<1x256xf32>
      %sub3A_1083 = vector.broadcast %broadcast_in_dim3A_1082 : vector<1x256xf32> to vector<4x256xf32>
      %sub3A_1084 = arith.subf %neg3A_1060, %sub3A_1083 : vector<4x256xf32>
      %exp3A_1085 = math.exp %sub3A_1084 : vector<4x256xf32>
      %reduce_sum3A_1086 = arith.constant dense<0.000000e+00> : vector<256xf32>
      %reduce_sum3A_1087 = vector.multi_reduction <add>, %exp3A_1085, %reduce_sum3A_1086 [0] : vector<4x256xf32> to vector<256xf32>
      %broadcast_in_dim3A_1088 = vector.shape_cast %reduce_sum3A_1087 : vector<256xf32> to vector<1x256xf32>
      %log3A_1089 = math.log %broadcast_in_dim3A_1088 : vector<1x256xf32>
      %add3A_1090 = arith.addf %broadcast_in_dim3A_1079, %log3A_1089 : vector<1x256xf32>
      %sub3A_1091 = vector.broadcast %add3A_1090 : vector<1x256xf32> to vector<4x256xf32>
      %sub3A_1092 = arith.subf %neg3A_1060, %sub3A_1091 : vector<4x256xf32>
      %exp3A_1093 = math.exp %sub3A_1076 : vector<4x256xf32>
      %sub3A_1094 = arith.subf %sub3A_1076, %sub3A_1092 : vector<4x256xf32>
      %mul3A_1095 = arith.mulf %exp3A_1093, %sub3A_1094 : vector<4x256xf32>
      %reduce_sum3A_1096 = vector.shape_cast %mul3A_1095 : vector<4x256xf32> to vector<1x4x256xf32>
      %reduce_sum3A_1097 = arith.constant dense<0.000000e+00> : vector<1xf32>
      %reduce_sum3A_1098 = vector.multi_reduction <add>, %reduce_sum3A_1096, %reduce_sum3A_1097 [1, 2] : vector<1x4x256xf32> to vector<1xf32>
      %reduce_sum3A_1099 = vector.shape_cast %reduce_sum3A_1098 : vector<1xf32> to vector<1x1x1xf32>
      %reduce_sum3A_1100 = vector.extract %reduce_sum3A_1099[0, 0, 0] : f32 from vector<1x1x1xf32>
      %add3A_1101 = arith.addf %add3A_1050, %reduce_sum3A_1100 : f32
      %add3A_1102 = arith.addf %add3A_736, %add3A_1101 : f32
      %get3A_1103 = arith.constant 16 : index
      %get3A_1104 = arith.constant 0 : index
      %get3A_1105 = vector.load %arg10[%get3A_1103, %get3A_1104] : memref<48x256xf32, #tpu.memory_space<vmem>>, vector<4x256xf32>
      %get3A_1106 = arith.constant 40 : index
      %get3A_1107 = arith.constant 0 : index
      %get3A_1108 = vector.load %arg10[%get3A_1106, %get3A_1107] : memref<48x256xf32, #tpu.memory_space<vmem>>, vector<4x256xf32>
      %get3A_1109 = arith.constant 20 : index
      %get3A_1110 = arith.constant 0 : index
      %get3A_1111 = vector.load %arg10[%get3A_1109, %get3A_1110] : memref<48x256xf32, #tpu.memory_space<vmem>>, vector<4x256xf32>
      %get3A_1112 = arith.constant 44 : index
      %get3A_1113 = arith.constant 0 : index
      %get3A_1114 = vector.load %arg10[%get3A_1112, %get3A_1113] : memref<48x256xf32, #tpu.memory_space<vmem>>, vector<4x256xf32>
      %reduce_sum3A_1115 = vector.shape_cast %get3A_1105 : vector<4x256xf32> to vector<1x4x256xf32>
      %reduce_sum3A_1116 = arith.constant dense<0.000000e+00> : vector<1xf32>
      %reduce_sum3A_1117 = vector.multi_reduction <add>, %reduce_sum3A_1115, %reduce_sum3A_1116 [1, 2] : vector<1x4x256xf32> to vector<1xf32>
      %reduce_sum3A_1118 = vector.shape_cast %reduce_sum3A_1117 : vector<1xf32> to vector<1x1x1xf32>
      %reduce_sum3A_1119 = vector.extract %reduce_sum3A_1118[0, 0, 0] : f32 from vector<1x1x1xf32>
      %add3A_1120 = arith.constant 0.000000e+00 : f32
      %add3A_1121 = arith.addf %add3A_1120, %reduce_sum3A_1119 : f32
      %reduce_sum3A_1122 = vector.shape_cast %get3A_1108 : vector<4x256xf32> to vector<1x4x256xf32>
      %reduce_sum3A_1123 = arith.constant dense<0.000000e+00> : vector<1xf32>
      %reduce_sum3A_1124 = vector.multi_reduction <add>, %reduce_sum3A_1122, %reduce_sum3A_1123 [1, 2] : vector<1x4x256xf32> to vector<1xf32>
      %reduce_sum3A_1125 = vector.shape_cast %reduce_sum3A_1124 : vector<1xf32> to vector<1x1x1xf32>
      %reduce_sum3A_1126 = vector.extract %reduce_sum3A_1125[0, 0, 0] : f32 from vector<1x1x1xf32>
      %add3A_1127 = arith.addf %add3A_1121, %reduce_sum3A_1126 : f32
      %div3A_1128 = arith.constant 2.048000e+03 : f32
      %div3A_1129 = arith.divf %add3A_1127, %div3A_1128 : f32
      %add3A_1130 = arith.constant 9.99999993E-9 : f32
      %add3A_1131 = arith.addf %div3A_1129, %add3A_1130 : f32
      %reduce_sum3A_1132 = vector.shape_cast %get3A_1111 : vector<4x256xf32> to vector<1x4x256xf32>
      %reduce_sum3A_1133 = arith.constant dense<0.000000e+00> : vector<1xf32>
      %reduce_sum3A_1134 = vector.multi_reduction <add>, %reduce_sum3A_1132, %reduce_sum3A_1133 [1, 2] : vector<1x4x256xf32> to vector<1xf32>
      %reduce_sum3A_1135 = vector.shape_cast %reduce_sum3A_1134 : vector<1xf32> to vector<1x1x1xf32>
      %reduce_sum3A_1136 = vector.extract %reduce_sum3A_1135[0, 0, 0] : f32 from vector<1x1x1xf32>
      %add3A_1137 = arith.constant 0.000000e+00 : f32
      %add3A_1138 = arith.addf %add3A_1137, %reduce_sum3A_1136 : f32
      %reduce_sum3A_1139 = vector.shape_cast %get3A_1114 : vector<4x256xf32> to vector<1x4x256xf32>
      %reduce_sum3A_1140 = arith.constant dense<0.000000e+00> : vector<1xf32>
      %reduce_sum3A_1141 = vector.multi_reduction <add>, %reduce_sum3A_1139, %reduce_sum3A_1140 [1, 2] : vector<1x4x256xf32> to vector<1xf32>
      %reduce_sum3A_1142 = vector.shape_cast %reduce_sum3A_1141 : vector<1xf32> to vector<1x1x1xf32>
      %reduce_sum3A_1143 = vector.extract %reduce_sum3A_1142[0, 0, 0] : f32 from vector<1x1x1xf32>
      %add3A_1144 = arith.addf %add3A_1138, %reduce_sum3A_1143 : f32
      %div3A_1145 = arith.constant 2.048000e+03 : f32
      %div3A_1146 = arith.divf %add3A_1144, %div3A_1145 : f32
      %add3A_1147 = arith.constant 9.99999993E-9 : f32
      %add3A_1148 = arith.addf %div3A_1146, %add3A_1147 : f32
      %div3A_1149 = vector.broadcast %add3A_1131 : f32 to vector<4x256xf32>
      %div3A_1150 = arith.divf %get3A_1105, %div3A_1149 : vector<4x256xf32>
      %neg3A_1151 = arith.constant 0.000000e+00 : f32
      %neg3A_1152 = vector.broadcast %neg3A_1151 : f32 to vector<4x256xf32>
      %neg3A_1153 = arith.subf %neg3A_1152, %div3A_1150 : vector<4x256xf32>
      %div3A_1154 = vector.broadcast %add3A_1148 : f32 to vector<4x256xf32>
      %div3A_1155 = arith.divf %get3A_1111, %div3A_1154 : vector<4x256xf32>
      %neg3A_1156 = arith.constant 0.000000e+00 : f32
      %neg3A_1157 = vector.broadcast %neg3A_1156 : f32 to vector<4x256xf32>
      %neg3A_1158 = arith.subf %neg3A_1157, %div3A_1155 : vector<4x256xf32>
      %reduce_max3A_1159 = arith.constant dense<0xFF800000> : vector<256xf32>
      %reduce_max3A_1160 = vector.multi_reduction <maximumf>, %neg3A_1153, %reduce_max3A_1159 [0] : vector<4x256xf32> to vector<256xf32>
      %broadcast_in_dim3A_1161 = vector.shape_cast %reduce_max3A_1160 : vector<256xf32> to vector<1x256xf32>
      %reduce_max3A_1162 = arith.constant dense<0xFF800000> : vector<256xf32>
      %reduce_max3A_1163 = vector.multi_reduction <maximumf>, %neg3A_1153, %reduce_max3A_1162 [0] : vector<4x256xf32> to vector<256xf32>
      %broadcast_in_dim3A_1164 = vector.shape_cast %reduce_max3A_1163 : vector<256xf32> to vector<1x256xf32>
      %sub3A_1165 = vector.broadcast %broadcast_in_dim3A_1164 : vector<1x256xf32> to vector<4x256xf32>
      %sub3A_1166 = arith.subf %neg3A_1153, %sub3A_1165 : vector<4x256xf32>
      %exp3A_1167 = math.exp %sub3A_1166 : vector<4x256xf32>
      %reduce_sum3A_1168 = arith.constant dense<0.000000e+00> : vector<256xf32>
      %reduce_sum3A_1169 = vector.multi_reduction <add>, %exp3A_1167, %reduce_sum3A_1168 [0] : vector<4x256xf32> to vector<256xf32>
      %broadcast_in_dim3A_1170 = vector.shape_cast %reduce_sum3A_1169 : vector<256xf32> to vector<1x256xf32>
      %log3A_1171 = math.log %broadcast_in_dim3A_1170 : vector<1x256xf32>
      %add3A_1172 = arith.addf %broadcast_in_dim3A_1161, %log3A_1171 : vector<1x256xf32>
      %sub3A_1173 = vector.broadcast %add3A_1172 : vector<1x256xf32> to vector<4x256xf32>
      %sub3A_1174 = arith.subf %neg3A_1153, %sub3A_1173 : vector<4x256xf32>
      %reduce_max3A_1175 = arith.constant dense<0xFF800000> : vector<256xf32>
      %reduce_max3A_1176 = vector.multi_reduction <maximumf>, %neg3A_1158, %reduce_max3A_1175 [0] : vector<4x256xf32> to vector<256xf32>
      %broadcast_in_dim3A_1177 = vector.shape_cast %reduce_max3A_1176 : vector<256xf32> to vector<1x256xf32>
      %reduce_max3A_1178 = arith.constant dense<0xFF800000> : vector<256xf32>
      %reduce_max3A_1179 = vector.multi_reduction <maximumf>, %neg3A_1158, %reduce_max3A_1178 [0] : vector<4x256xf32> to vector<256xf32>
      %broadcast_in_dim3A_1180 = vector.shape_cast %reduce_max3A_1179 : vector<256xf32> to vector<1x256xf32>
      %sub3A_1181 = vector.broadcast %broadcast_in_dim3A_1180 : vector<1x256xf32> to vector<4x256xf32>
      %sub3A_1182 = arith.subf %neg3A_1158, %sub3A_1181 : vector<4x256xf32>
      %exp3A_1183 = math.exp %sub3A_1182 : vector<4x256xf32>
      %reduce_sum3A_1184 = arith.constant dense<0.000000e+00> : vector<256xf32>
      %reduce_sum3A_1185 = vector.multi_reduction <add>, %exp3A_1183, %reduce_sum3A_1184 [0] : vector<4x256xf32> to vector<256xf32>
      %broadcast_in_dim3A_1186 = vector.shape_cast %reduce_sum3A_1185 : vector<256xf32> to vector<1x256xf32>
      %log3A_1187 = math.log %broadcast_in_dim3A_1186 : vector<1x256xf32>
      %add3A_1188 = arith.addf %broadcast_in_dim3A_1177, %log3A_1187 : vector<1x256xf32>
      %sub3A_1189 = vector.broadcast %add3A_1188 : vector<1x256xf32> to vector<4x256xf32>
      %sub3A_1190 = arith.subf %neg3A_1158, %sub3A_1189 : vector<4x256xf32>
      %exp3A_1191 = math.exp %sub3A_1174 : vector<4x256xf32>
      %sub3A_1192 = arith.subf %sub3A_1174, %sub3A_1190 : vector<4x256xf32>
      %mul3A_1193 = arith.mulf %exp3A_1191, %sub3A_1192 : vector<4x256xf32>
      %reduce_sum3A_1194 = vector.shape_cast %mul3A_1193 : vector<4x256xf32> to vector<1x4x256xf32>
      %reduce_sum3A_1195 = arith.constant dense<0.000000e+00> : vector<1xf32>
      %reduce_sum3A_1196 = vector.multi_reduction <add>, %reduce_sum3A_1194, %reduce_sum3A_1195 [1, 2] : vector<1x4x256xf32> to vector<1xf32>
      %reduce_sum3A_1197 = vector.shape_cast %reduce_sum3A_1196 : vector<1xf32> to vector<1x1x1xf32>
      %reduce_sum3A_1198 = vector.extract %reduce_sum3A_1197[0, 0, 0] : f32 from vector<1x1x1xf32>
      %add3A_1199 = arith.constant 0.000000e+00 : f32
      %add3A_1200 = arith.addf %add3A_1199, %reduce_sum3A_1198 : f32
      %div3A_1201 = vector.broadcast %add3A_1131 : f32 to vector<4x256xf32>
      %div3A_1202 = arith.divf %get3A_1108, %div3A_1201 : vector<4x256xf32>
      %neg3A_1203 = arith.constant 0.000000e+00 : f32
      %neg3A_1204 = vector.broadcast %neg3A_1203 : f32 to vector<4x256xf32>
      %neg3A_1205 = arith.subf %neg3A_1204, %div3A_1202 : vector<4x256xf32>
      %div3A_1206 = vector.broadcast %add3A_1148 : f32 to vector<4x256xf32>
      %div3A_1207 = arith.divf %get3A_1114, %div3A_1206 : vector<4x256xf32>
      %neg3A_1208 = arith.constant 0.000000e+00 : f32
      %neg3A_1209 = vector.broadcast %neg3A_1208 : f32 to vector<4x256xf32>
      %neg3A_1210 = arith.subf %neg3A_1209, %div3A_1207 : vector<4x256xf32>
      %reduce_max3A_1211 = arith.constant dense<0xFF800000> : vector<256xf32>
      %reduce_max3A_1212 = vector.multi_reduction <maximumf>, %neg3A_1205, %reduce_max3A_1211 [0] : vector<4x256xf32> to vector<256xf32>
      %broadcast_in_dim3A_1213 = vector.shape_cast %reduce_max3A_1212 : vector<256xf32> to vector<1x256xf32>
      %reduce_max3A_1214 = arith.constant dense<0xFF800000> : vector<256xf32>
      %reduce_max3A_1215 = vector.multi_reduction <maximumf>, %neg3A_1205, %reduce_max3A_1214 [0] : vector<4x256xf32> to vector<256xf32>
      %broadcast_in_dim3A_1216 = vector.shape_cast %reduce_max3A_1215 : vector<256xf32> to vector<1x256xf32>
      %sub3A_1217 = vector.broadcast %broadcast_in_dim3A_1216 : vector<1x256xf32> to vector<4x256xf32>
      %sub3A_1218 = arith.subf %neg3A_1205, %sub3A_1217 : vector<4x256xf32>
      %exp3A_1219 = math.exp %sub3A_1218 : vector<4x256xf32>
      %reduce_sum3A_1220 = arith.constant dense<0.000000e+00> : vector<256xf32>
      %reduce_sum3A_1221 = vector.multi_reduction <add>, %exp3A_1219, %reduce_sum3A_1220 [0] : vector<4x256xf32> to vector<256xf32>
      %broadcast_in_dim3A_1222 = vector.shape_cast %reduce_sum3A_1221 : vector<256xf32> to vector<1x256xf32>
      %log3A_1223 = math.log %broadcast_in_dim3A_1222 : vector<1x256xf32>
      %add3A_1224 = arith.addf %broadcast_in_dim3A_1213, %log3A_1223 : vector<1x256xf32>
      %sub3A_1225 = vector.broadcast %add3A_1224 : vector<1x256xf32> to vector<4x256xf32>
      %sub3A_1226 = arith.subf %neg3A_1205, %sub3A_1225 : vector<4x256xf32>
      %reduce_max3A_1227 = arith.constant dense<0xFF800000> : vector<256xf32>
      %reduce_max3A_1228 = vector.multi_reduction <maximumf>, %neg3A_1210, %reduce_max3A_1227 [0] : vector<4x256xf32> to vector<256xf32>
      %broadcast_in_dim3A_1229 = vector.shape_cast %reduce_max3A_1228 : vector<256xf32> to vector<1x256xf32>
      %reduce_max3A_1230 = arith.constant dense<0xFF800000> : vector<256xf32>
      %reduce_max3A_1231 = vector.multi_reduction <maximumf>, %neg3A_1210, %reduce_max3A_1230 [0] : vector<4x256xf32> to vector<256xf32>
      %broadcast_in_dim3A_1232 = vector.shape_cast %reduce_max3A_1231 : vector<256xf32> to vector<1x256xf32>
      %sub3A_1233 = vector.broadcast %broadcast_in_dim3A_1232 : vector<1x256xf32> to vector<4x256xf32>
      %sub3A_1234 = arith.subf %neg3A_1210, %sub3A_1233 : vector<4x256xf32>
      %exp3A_1235 = math.exp %sub3A_1234 : vector<4x256xf32>
      %reduce_sum3A_1236 = arith.constant dense<0.000000e+00> : vector<256xf32>
      %reduce_sum3A_1237 = vector.multi_reduction <add>, %exp3A_1235, %reduce_sum3A_1236 [0] : vector<4x256xf32> to vector<256xf32>
      %broadcast_in_dim3A_1238 = vector.shape_cast %reduce_sum3A_1237 : vector<256xf32> to vector<1x256xf32>
      %log3A_1239 = math.log %broadcast_in_dim3A_1238 : vector<1x256xf32>
      %add3A_1240 = arith.addf %broadcast_in_dim3A_1229, %log3A_1239 : vector<1x256xf32>
      %sub3A_1241 = vector.broadcast %add3A_1240 : vector<1x256xf32> to vector<4x256xf32>
      %sub3A_1242 = arith.subf %neg3A_1210, %sub3A_1241 : vector<4x256xf32>
      %exp3A_1243 = math.exp %sub3A_1226 : vector<4x256xf32>
      %sub3A_1244 = arith.subf %sub3A_1226, %sub3A_1242 : vector<4x256xf32>
      %mul3A_1245 = arith.mulf %exp3A_1243, %sub3A_1244 : vector<4x256xf32>
      %reduce_sum3A_1246 = vector.shape_cast %mul3A_1245 : vector<4x256xf32> to vector<1x4x256xf32>
      %reduce_sum3A_1247 = arith.constant dense<0.000000e+00> : vector<1xf32>
      %reduce_sum3A_1248 = vector.multi_reduction <add>, %reduce_sum3A_1246, %reduce_sum3A_1247 [1, 2] : vector<1x4x256xf32> to vector<1xf32>
      %reduce_sum3A_1249 = vector.shape_cast %reduce_sum3A_1248 : vector<1xf32> to vector<1x1x1xf32>
      %reduce_sum3A_1250 = vector.extract %reduce_sum3A_1249[0, 0, 0] : f32 from vector<1x1x1xf32>
      %add3A_1251 = arith.addf %add3A_1200, %reduce_sum3A_1250 : f32
      %add3A_1252 = arith.addf %add3A_886, %add3A_1251 : f32
      %add3A_1253 = arith.addf %add3A_952, %add3A_1102 : f32
      %add3A_1254 = arith.addf %add3A_1253, %add3A_1252 : f32
      %div3A_1255 = arith.constant 1.536000e+03 : f32
      %div3A_1256 = arith.divf %add3A_1254, %div3A_1255 : f32
      %broadcast_in_dim3A_1257 = vector.broadcast %div3A_1256 : f32 to vector<1x1xf32>
      %swap3A_1258 = arith.constant 0 : index
      %swap3A_1259 = arith.constant 0 : index
      %swap3A_1260 = vector.load %arg7[%swap3A_1258, %swap3A_1259] : memref<1x1xf32, #tpu.memory_space<vmem>>, vector<1x1xf32>
      tpu.vector_store %arg7[%swap3A_1258, %swap3A_1259], %broadcast_in_dim3A_1257 {strides = array<i32>} : memref<1x1xf32, #tpu.memory_space<vmem>>, vector<1x1xf32>,
    } else {
    }
    return
  }
  func.func @transform_0(%arg0: i32, %arg1: i32) -> (i32, i32, i32) {
    %mul3A = arith.constant 4 : i32
    %mul3A_0 = arith.muli %mul3A, %arg0 : i32
    %c0_i32 = arith.constant 0 : i32
    %c0_i32_1 = arith.constant 0 : i32
    %c0_i32_2 = arith.constant 0 : i32
    return %mul3A_0, %c0_i32, %c0_i32_1 : i32, i32, i32
  }
  func.func @transform_1(%arg0: i32, %arg1: i32) -> (i32, i32, i32) {
    %mul3A = arith.constant 4 : i32
    %mul3A_0 = arith.muli %mul3A, %arg0 : i32
    %c0_i32 = arith.constant 0 : i32
    %c0_i32_1 = arith.constant 0 : i32
    %c0_i32_2 = arith.constant 0 : i32
    return %mul3A_0, %c0_i32, %c0_i32_1 : i32, i32, i32
  }
  func.func @transform_2(%arg0: i32, %arg1: i32) -> (i32, i32, i32) {
    %mul3A = arith.constant 4 : i32
    %mul3A_0 = arith.muli %mul3A, %arg0 : i32
    %add3A = arith.addi %mul3A_0, %arg1 : i32
    %add3A_1 = arith.constant 1 : i32
    %add3A_2 = arith.addi %add3A, %add3A_1 : i32
    %c0_i32 = arith.constant 0 : i32
    %c0_i32_3 = arith.constant 0 : i32
    %c0_i32_4 = arith.constant 0 : i32
    return %add3A_2, %c0_i32, %c0_i32_3 : i32, i32, i32
  }
  func.func @transform_3(%arg0: i32, %arg1: i32) -> (i32, i32, i32) {
    %mul3A = arith.constant 4 : i32
    %mul3A_0 = arith.muli %mul3A, %arg0 : i32
    %add3A = arith.addi %mul3A_0, %arg1 : i32
    %add3A_1 = arith.constant 1 : i32
    %add3A_2 = arith.addi %add3A, %add3A_1 : i32
    %c0_i32 = arith.constant 0 : i32
    %c0_i32_3 = arith.constant 0 : i32
    %c0_i32_4 = arith.constant 0 : i32
    return %add3A_2, %c0_i32, %c0_i32_3 : i32, i32, i32
  }
  func.func @transform_4(%arg0: i32, %arg1: i32) -> (i32, i32, i32, i32) {
    %c0_i32 = arith.constant 0 : i32
    %c0_i32_0 = arith.constant 0 : i32
    %c0_i32_1 = arith.constant 0 : i32
    %c0_i32_2 = arith.constant 0 : i32
    return %arg0, %c0_i32, %c0_i32_0, %c0_i32_1 : i32, i32, i32, i32
  }
  func.func @transform_5(%arg0: i32, %arg1: i32) -> (i32, i32) {
    %c0_i32 = arith.constant 0 : i32
    %c0_i32_0 = arith.constant 0 : i32
    %c0_i32_1 = arith.constant 0 : i32
    return %c0_i32, %c0_i32_0 : i32, i32
  }
}

</mosaic_0001>

<sc_bundles>
// kernel: kernel.6.cloned.1.call-start
scs
__scs_entry_jumppad:
0x0: {  	(pc) =	sbr.rel $0x88, $3  }
0x1: {  	(tag) =	ssettag $0x0;
	lr =	simm.s32 $0x1  }
0x2: {  	[smem:$0x3F9D] =	sst lr;
	_ =	strace $0xD0000000  }
0x3: {  	_ = 	snop  }
0x4: {  	_ = 	snop  }
0x5: {  	_ = 	snop  }
0x6: {  	_ = 	snop  }
0x7: {  	_ = 	snop  }
__scs_overlays_trampoline_lowered:
0x8: {  	[smem:$0x3FAC] =	sst s0  }
0x9: {  	[smem:$0x3FAD] =	sst s1  }
0xa: {  	[smem:$0x3FAE] =	sst s2  }
0xb: {  	[smem:$0x3FAF] =	sst s3  }
0xc: {  	[smem:$0x3FB0] =	sst s4  }
0xd: {  	[smem:$0x3FB1] =	sst s5  }
0xe: {  	[smem:$0x3FB2] =	sst s6  }
0xf: {  	[smem:$0x3FB3] =	sst s7  }
0x10: {  	[smem:$0x3FB4] =	sst s8  }
0x11: {  	[smem:$0x3FB5] =	sst s9;
	s0 =	simm.s32 @!p0 $0x0  }
0x12: {  	s1 =	sld [smem:$0x3F9B];
	s0 =	simm.s32 @p0 $0x1  }
0x13: {  	[smem:$0x3FB6] =	sst s0;
	s0 =	simm.s32 @!p1 $0x0  }
0x14: {  	s2 =	sld [smem:$0x3F9A];
	s0 =	simm.s32 @p1 $0x1  }
0x15: {  	[smem:$0x3FB7] =	sst s0;
	s0 =	simm.s32 @!p2 $0x0  }
0x16: {  	s3 =	sld [smem:$0x3FDB];
	s0 =	simm.s32 @p2 $0x1  }
0x17: {  	s4 =	simm.s32 $0x1BF5;
	[smem:$0x3FB9] =	sst s0  }
0x18: {  	s0 =	sld [smem:$0x3F9C];
	_ =	swait.ge [sflag:s4], $0x0  }
0x19: {  	s7 =	sld [smem:$0x3F9D]  }
0x1a: {  	s8 =	sadd.s32 $0xFFFFE003, lr  }
0x1b: {  	s9 =	sadd.s32 $0xFFFFFEF7, lr;
	s5 =	simm.s32 $0xFFFFFFFF;
	p2 =	slt.u32 s8, $0xFFFFF086  }
0x1c: {  	p1 =	slt.u32 s9, $0xF7A;
	s5 =	simm.s32 @!p2 $0x0  }
0x1d: {  	s5 =	simm.s32 @p1 $0x1;
	p0 =	seq.s32 s7, s2  }
0x1e: {  	s7 =	smul.u32 @!p0 $0xF7A, s2;
	p2 =	seq.s32 @!p0 s5, $0x0  }
0x1f: {  	s9 =	smul.u32 $0xF7A, s1;
	s8 =	simm.s32 @!p0 $0x1BF5;
	p2 =	por !p2, p0  }
0x20: {  	[sflag:s8] =	ssyncset.s32 @!p0 $0xFFFFF086;
	s6 =	sadd.s32 @!p0 s3, s7;
	s7 =	simm.s32 @!p0 $0x108  }
0x21: {  	s3 =	sadd.s32 s3, s9;
	s6 =	sadd.s32 @!p0 $0x88, s6;
	s7 =	simm.s32 @p2 $0x1082  }
0x22: {  	[simem:s7], [sflag:s8] =	dma.local @!p0 [hbm:s6], $0xF7A  }
0x23: {  	s9 =	sor.u32 $0xD0000000, s2;
	s6 =	simm.s32 $0x108;
	_ =	swait.ge @!p0 [sflag:s8], $0x0  }
0x24: {  	s3 =	sadd.s32 $0x88, s3;
	s6 =	simm.s32 @!p1 $0x1082;
	[sflag:s4] =	ssyncset.s32 $0xFFFFF086  }
0x25: {  	[simem:s6], [sflag:s4] =	dma.local [hbm:s3], $0xF7A  }
0x26: {  	[smem:$0x3F9D] =	sst s1;
	(tag) =	ssettag s2;
	_ =	strace s9  }
0x27: {  	s1 =	sld [smem:$0x3FAD]  }
0x28: {  	s2 =	sld [smem:$0x3FAE]  }
0x29: {  	s4 =	sld [smem:$0x3FB0]  }
0x2a: {  	p0 =	seq.s32 s5, $0x0;
	s5 =	sld [smem:$0x3FB1]  }
0x2b: {  	s6 =	sld [smem:$0x3FB2]  }
0x2c: {  	s7 =	sld [smem:$0x3FB3]  }
0x2d: {  	s3 =	simm.s32 $0x108;
	s8 =	sld [smem:$0x3FB4]  }
0x2e: {  	s3 =	simm.s32 @!p0 $0x1082;
	s9 =	sld [smem:$0x3FB5]  }
0x2f: {  	lr =	sadd.s32 s0, s3;
	s0 =	sld [smem:$0x3FAC]  }
0x30: {  	s3 =	sld [smem:$0x3FAF]  }
0x31: {  	[smem:$0x3FB8] =	sst s10  }
0x32: {  	s10 =	sld [smem:$0x3FB6];
	_ =	sdelay $0x3  }
0x33: {  	p0 =	seq.s32 s10, $0x1;
	s10 =	sld [smem:$0x3FB8];
	_ =	sdelay $0x3  }
0x34: {  	[smem:$0x3FB8] =	sst s10  }
0x35: {  	s10 =	sld [smem:$0x3FB7];
	_ =	sdelay $0x3  }
0x36: {  	p1 =	seq.s32 s10, $0x1;
	s10 =	sld [smem:$0x3FB8];
	_ =	sdelay $0x3  }
0x37: {  	[smem:$0x3FB8] =	sst s10  }
0x38: {  	s10 =	sld [smem:$0x3FB9]  }
0x39: {  	_ = 	snop;
	(pc) =	sbr.ind lr, $3  }
0x3a: {  	_ = 	snop  }
0x3b: {  	_ = 	snop  }
0x3c: {  	p2 =	seq.s32 s10, $0x1;
	s10 =	sld [smem:$0x3FB8]  }
0x3d: {  	_ =	shalt  }
0x3e: {  	_ =	shalt  }
0x3f: {  	_ =	shalt  }
0x40: {  	_ =	shalt  }
0x41: {  	_ =	shalt  }
0x42: {  	_ =	shalt  }
0x43: {  	_ =	shalt  }
0x44: {  	_ =	shalt  }
0x45: {  	_ =	shalt  }
0x46: {  	_ =	shalt  }
0x47: {  	_ =	shalt  }
0x48: {  	_ =	shalt  }
0x49: {  	_ =	shalt  }
0x4a: {  	_ =	shalt  }
0x4b: {  	_ =	shalt  }
0x4c: {  	_ =	shalt  }
0x4d: {  	_ =	shalt  }
0x4e: {  	_ =	shalt  }
0x4f: {  	_ =	shalt  }
0x50: {  	_ =	shalt  }
0x51: {  	_ =	shalt  }
0x52: {  	_ =	shalt  }
0x53: {  	_ =	shalt  }
0x54: {  	_ =	shalt  }
0x55: {  	_ =	shalt  }
0x56: {  	_ =	shalt  }
0x57: {  	_ =	shalt  }
0x58: {  	_ =	shalt  }
0x59: {  	_ =	shalt  }
0x5a: {  	_ =	shalt  }
0x5b: {  	_ =	shalt  }
0x5c: {  	_ =	shalt  }
0x5d: {  	_ =	shalt  }
0x5e: {  	_ =	shalt  }
0x5f: {  	_ =	shalt  }
0x60: {  	_ =	shalt  }
0x61: {  	_ =	shalt  }
0x62: {  	_ =	shalt  }
0x63: {  	_ =	shalt  }
0x64: {  	_ =	shalt  }
0x65: {  	_ =	shalt  }
0x66: {  	_ =	shalt  }
0x67: {  	_ =	shalt  }
0x68: {  	_ =	shalt  }
0x69: {  	_ =	shalt  }
0x6a: {  	_ =	shalt  }
0x6b: {  	_ =	shalt  }
0x6c: {  	_ =	shalt  }
0x6d: {  	_ =	shalt  }
0x6e: {  	_ =	shalt  }
0x6f: {  	_ =	shalt  }
0x70: {  	_ =	shalt  }
0x71: {  	_ =	shalt  }
0x72: {  	_ =	shalt  }
0x73: {  	_ =	shalt  }
0x74: {  	_ =	shalt  }
0x75: {  	_ =	shalt  }
0x76: {  	_ =	shalt  }
0x77: {  	_ =	shalt  }
0x78: {  	_ =	shalt  }
0x79: {  	_ =	shalt  }
0x7a: {  	_ =	shalt  }
0x7b: {  	_ =	shalt  }
0x7c: {  	_ =	shalt  }
0x7d: {  	_ =	shalt  }
0x7e: {  	_ =	shalt  }
0x7f: {  	_ =	shalt  }
0x80: {  	_ =	shalt  }
0x81: {  	_ =	shalt  }
0x82: {  	_ =	shalt  }
0x83: {  	_ =	shalt  }
0x84: {  	_ =	shalt  }
0x85: {  	_ =	shalt  }
0x86: {  	_ =	shalt  }
0x87: {  	_ =	shalt  }
.Lfunc_end0:
.L_simem_size_0:
called_computation_lowered:
.L_overlay_start_0:
0x88: {  	s2 =	sld [smem:$0x3FD9]  }
0x89: {  	s3 =	sld [smem:$0x3FFE];
	_ =	sdelay $0x1  }
0x8a: {  	s1 =	srdreg.scid  }
0x8b: {  	s0 =	sand.u32 $0x1, s1  }
0x8c: {  	s17 =	sshll.u32 s0, $0xA;
	s2 =	sadd.s32 s3, s2  }
0x8d: {  	s2 =	sadd.s32 s2, s17  }
0x8e: {  	[smem:$0x3FC4] =	sst s2  }
0x8f: {  	_ = 	snop  }
0x90: {  	s2 =	sld [smem:$0x3FC9]  }
0x91: {  	s18 =	sld [smem:$0x3FC8];
	(tm) =	ssettm $0x1  }
0x92: {  	s4 =	sld [smem:$0x3FFB];
	_ =	sdelay $0x3  }
0x93: {  	_ =	strace s4  }
0x94: {  	s4 =	sld [smem:$0x3FFC];
	_ =	sdelay $0x3  }
0x95: {  	_ =	strace s4  }
0x96: {  	s4 =	sld [smem:$0x3FFD];
	_ =	sdelay $0x3  }
0x97: {  	_ =	strace s4  }
0x98: {  	_ =	strace $0x8FFFFFFF  }
0x99: {  	s19 =	sld [smem:$0x3FDB];
	_ =	sdelay $0x1  }
0x9a: {  	s5 =	simm.s32 $_scs_section_size  }
0x9b: {  	s6 =	simm.s32 $_size__tile_overlayer_lowered;
	s7 =	simm.s32 $_tile_overlayer_lowered  }
0x9c: {  	s22 =	simm.s32 $0x1BFF;
	s21 =	sshll.u32 s7, $0x1;
	s4 =	sadd.s32 s5, s19  }
0x9d: {  	s8 =	simm.s32 $0x0;
	s20 =	sshll.u32 s6, $0x1;
	s6 =	sadd.s32 s21, s4  }
0x9e: {  	[timem:s8], [sflag:s22] =	dma.local [hbm:s6], s20  }
0x9f: {  	_ =	swait.ge [sflag:s22], s20  }
0xa0: {  	s5 =	ssub.s32 $0x0, s20;
	[sflag:s22] =	ssyncset.done $0x0  }
0xa1: {  	[sflag:s22] =	ssyncadd.s32 s5;
	_ =	sdelay $0x1  }
0xa2: {  	s23 =	simm.s32 $0x1B8B  }
0xa3: {  	_ =	swait.ge [sflag:s23], $0x1  }
0xa4: {  	[sflag:s23] =	ssyncset.done $0x0  }
0xa5: {  	s25 =	simm.s32 $0x1B8E;
	s24 =	sld [smem:$0x3FFE];
	[sflag:s23] =	ssyncadd.s32 $0xFFFFFFFF  }
0xa6: {  	s26 =	simm.s32 $execute0_lowered;
	[smem:$0x3FD2] =	sst s25  }
0xa7: {  	s6 =	sshll.u32 s26, $0x1;
	_ =	strace $0x80000046;
	[dreg:$0x1] =	wrdreg $0xFFFFFFFF  }
0xa8: {  	s28 =	simm.s32 $_size_execute0_lowered;
	s4 =	sadd.s32 s4, s6;
	[dreg:$0x0] =	wrdreg $0x0  }
0xa9: {  	s6 =	sshll.u32 s28, $0x1;
	[dreg:$0x2] =	wrdreg s4  }
0xaa: {  	[dreg:$0x3] =	wrdreg s6  }
0xab: {  	[dreg:$0x4] =	wrdreg $0xC0  }
0xac: {  	_ =	task [dreg:s8], $0x5FFFF  }
0xad: {  	[dreg:$0x1] =	wrdreg $0xFFFFFFFF  }
0xae: {  	[dreg:$0x0] =	wrdreg $0x60  }
0xaf: {  	[dreg:$0x2] =	wrdreg s2  }
0xb0: {  	[dreg:$0x3] =	wrdreg s24  }
0xb1: {  	[dreg:$0x4] =	wrdreg s18  }
0xb2: {  	[dreg:$0x5] =	wrdreg $0x9  }
0xb3: {  	_ =	task.clear_ibuf [dreg:s8], $0x6FFFF;
	_ =	strace $0x90000046  }
0xb4: {  	s29 =	simm.s32 $0x9;
	_ =	strace $0x80000048  }
0xb5: {  	_ =	swait.ge [sflag:s29], $0x1  }
0xb6: {  	[sflag:s29] =	ssyncadd.s32 $0xFFFFFFFF  }
0xb7: {  	_ =	strace $0x90000048  }
0xb8: {  	_ =	sfence  }
0xb9: {  	s30 =	sld [smem:$0x0];
	_ =	sdelay $0x2  }
0xba: {  	s31 =	sshll.u32 s1, $0xD;
	s1 =	sshrl.u32 s1, $0x2  }
0xbb: {  	s3 =	sand.u32 $0x4000, s31;
	s1 =	sadd.s32 s1, s30  }
0xbc: {  	s0 =	sor.u32 s3, s0;
	s1 =	sshll.u32 s1, $0x11  }
0xbd: {  	s0 =	sor.u32 s1, s0  }
0xbe: {  	s0 =	sadd.s32 $0x8F2B, s0  }
0xbf: {  	[sflag:s0] =	ssyncadd.remote.s32 $0x1  }
0xc0: {  	_ =	sfence.sel $0xFFFF  }
0xc1: {  	[dreg:$0x0] =	wrdreg $0xFFFFFFFF;
	(pc) =	sbr.abs _section_cstart, $3  }
0xc2: {  	[dreg:$0x1] =	wrdreg $0xFFFFFFFF  }
0xc3: {  	_ =	task.clear_ibuf [dreg:s8], $0x2FFFF;
	_ =	strace $0x9FFFFFFF  }
0xc4: {  	(tm) =	ssettm $0x7FFFFFFF  }
0xc5: {  	_ =	shalt  }
tec
execute0_lowered:
.L_overlay_start_1:
0x0: {  	(tag) =	ssettag $0x1  }
0x1: {  	s1 =	rddreg [dreg:$0x0]  }
0x2: {  	s0 =	rddreg [dreg:$0x1]  }
0x3: {  	s3 =	rddreg [dreg:$0x2]  }
0x4: {  	s2 =	srdreg.scid;
	s5 =	stileid.u32  }
0x5: {  	s4 =	simm.s32 $0x0;
	s12 =	simm.s32 $0x2;
	s29 =	simm.s32 $0x880  }
0x6: {  	s30 =	simm.s32 $0x1080;
	s31 =	simm.s32 $0x1880;
	s14 =	simm.s32 $0x3080  }
0x7: {  	s15 =	simm.s32 $0x3880;
	s16 =	simm.s32 $0x4080;
	s17 =	simm.s32 $0x4880  }
0x8: {  	s18 =	simm.s32 $0x5080;
	s19 =	simm.s32 $0x5880;
	s20 =	simm.s32 $0x6080  }
0x9: {  	s21 =	simm.s32 $0x6880;
	s22 =	simm.s32 $0x7080;
	s23 =	simm.s32 $0x7880  }
0xa: {  	s24 =	simm.s32 $0x8080;
	s13 =	simm.s32 $0x9080;
	s2 =	sand.u32 $0x1, s2  }
0xb: {  	s5 =	sshll.u32 s5, $0x7;
	[smem:$0x7FF] =	sst s4;
	s9 =	sadd.s32 $0x200, s3  }
0xc: {  	s10 =	sadd.s32 $0x300, s3;
	s6 =	sshll.u32 s2, $0x6;
	s2 =	ssub.s32 $0x2, s2  }
0xd: {  	_ =	strace $0x80000047;
	s5 =	sor.u32 s6, s5;
	s25 =	sshrl.u32 s2, $0x1  }
0xe: {  	s6 =	sshrl.u32 s5, $0x3;
	s5 =	sshll.u32 s5, $0x7;
	s2 =	ssub.s32 s2, s25  }
0xf: {  	s25 =	simm.s32 $0x8880;
	s7 =	sadd.s32 s6, s0;
	s0 =	sadd.s32 s5, s0  }
0x10: {  	s5 =	sadd.s32 $0x100, s1;
	s6 =	sadd.s32 $0x200, s1;
	s26 =	sadd.s32 $0x1C00, s7  }
0x11: {  	s11 =	smax.u32 s2, $0x1;
	s8 =	sadd.s32 $0x2000, s0;
	[dreg:$0x4] =	wrdreg s26  }
0x12: {  	v2 =	vlaneseq.u32;
	s28 =	sadd.s32 $0x1E00, s7;
	s7 =	sadd.s32 $0x300, s1;
	[dreg:$0x5] =	wrdreg s8  }
0x13: {  	vm0 =	vmmov $0xffff;
	v1 =	vshrl.u32 v2, $0x3;
	s0 =	sadd.s32 $0x42000, s0;
	[dreg:$0x6] =	wrdreg s28;
	s8 =	sadd.s32 $0x100, s3  }
0x14: {  	v0 =	vand.u32 $0x7, v2;
	v2 =	vor.u32 $0x8, v2;
	v1 =	vmul.u32 $0x8, v1;
	[dreg:$0x7] =	wrdreg s0;
	s26 =	simm.s32 $0x1;
	s0 =	simm.s32 $0x80  }
.LBB2_1:
0x15: {  	s28 =	rddreg [dreg:$0x4]  }
0x16: {  	[tilespmem:s4], [sflag:$0x2] =	stream.linear.gather [hbm4b:s28+s4], $0x40, $0x38;
	[tilespmem:$0x10080] =	vst v63  }
0x17: {  	_ =	swait.ge [sflag:s12], $0x40  }
0x18: {  	[sflag:s12] =	ssyncset.done $0x0  }
0x19: {  	[sflag:s12] =	ssyncadd.s32 $0xFFFFFFC0  }
0x1a: {  	v3 =	vld [tilespmem:$0x0];
	_ =	sdelay $0x4  }
0x1b: {  	v4 =	vshll.u32 v3, $0x3  }
0x1c: {  	v3 =	vand.u32 $0x7, v3;
	v4 =	vand.u32 $0xFFFFFFC0, v4  }
0x1d: {  	v3 =	vor.u32 v3, v4  }
0x1e: {  	v4 =	vperm.xlane v3, v0;
	_ =	sdelay $0x1  }
0x1f: {  	v4 =	vadd.s32 v1, v4;
	_ =	sdelay $0x4  }
0x20: {  	[tilespmem:s0], [sflag:$0x1] =	stream.indirect_vreg.gather [hbm4b:s1+s4], $0x80, v4, vm0, $0xb8;
	[tilespmem:$0x10080] =	vst v63  }
0x21: {  	v3 =	vperm.xlane v3, v2  }
0x22: {  	[tilespmem:s29], [sflag:$0x1] =	stream.indirect_vreg.gather [hbm4b:s5+s4], $0x80, v4, vm0, $0xb8;
	[tilespmem:$0x10080] =	vst v63  }
0x23: {  	v3 =	vadd.s32 v1, v3  }
0x24: {  	[tilespmem:s30], [sflag:$0x1] =	stream.indirect_vreg.gather [hbm4b:s6+s4], $0x80, v4, vm0, $0xb8;
	[tilespmem:$0x10080] =	vst v63  }
0x25: {  	_ = 	snop  }
0x26: {  	[tilespmem:s31], [sflag:$0x1] =	stream.indirect_vreg.gather [hbm4b:s7+s4], $0x80, v4, vm0, $0xb8;
	[tilespmem:$0x10080] =	vst v63  }
0x27: {  	s2 =	simm.s32 $0x2080  }
0x28: {  	[tilespmem:s2], [sflag:$0x1] =	stream.indirect_vreg.gather [hbm4b:s1+s4], $0x80, v3, vm0, $0xb8;
	[tilespmem:$0x10080] =	vst v63  }
0x29: {  	s2 =	simm.s32 $0x2880  }
0x2a: {  	[tilespmem:s2], [sflag:$0x1] =	stream.indirect_vreg.gather [hbm4b:s5+s4], $0x80, v3, vm0, $0xb8;
	[tilespmem:$0x10080] =	vst v63  }
0x2b: {  	_ = 	snop  }
0x2c: {  	[tilespmem:s14], [sflag:$0x1] =	stream.indirect_vreg.gather [hbm4b:s6+s4], $0x80, v3, vm0, $0xb8;
	[tilespmem:$0x10080] =	vst v63  }
0x2d: {  	_ = 	snop  }
0x2e: {  	[tilespmem:s15], [sflag:$0x1] =	stream.indirect_vreg.gather [hbm4b:s7+s4], $0x80, v3, vm0, $0xb8;
	[tilespmem:$0x10080] =	vst v63  }
0x2f: {  	v3 =	vld [tilespmem:$0x10];
	_ =	sdelay $0x4  }
0x30: {  	v57 =	vshll.u32 v3, $0x3  }
0x31: {  	v3 =	vand.u32 $0x7, v3;
	v4 =	vand.u32 $0xFFFFFFC0, v57  }
0x32: {  	v3 =	vor.u32 v3, v4  }
0x33: {  	v4 =	vperm.xlane v3, v0;
	_ =	sdelay $0x1  }
0x34: {  	v4 =	vadd.s32 v1, v4;
	_ =	sdelay $0x4  }
0x35: {  	[tilespmem:s16], [sflag:$0x1] =	stream.indirect_vreg.gather [hbm4b:s1+s4], $0x80, v4, vm0, $0xb8;
	[tilespmem:$0x10080] =	vst v63  }
0x36: {  	v3 =	vperm.xlane v3, v2  }
0x37: {  	[tilespmem:s17], [sflag:$0x1] =	stream.indirect_vreg.gather [hbm4b:s5+s4], $0x80, v4, vm0, $0xb8;
	[tilespmem:$0x10080] =	vst v63  }
0x38: {  	v3 =	vadd.s32 v1, v3  }
0x39: {  	[tilespmem:s18], [sflag:$0x1] =	stream.indirect_vreg.gather [hbm4b:s6+s4], $0x80, v4, vm0, $0xb8;
	[tilespmem:$0x10080] =	vst v63  }
0x3a: {  	_ = 	snop  }
0x3b: {  	[tilespmem:s19], [sflag:$0x1] =	stream.indirect_vreg.gather [hbm4b:s7+s4], $0x80, v4, vm0, $0xb8;
	[tilespmem:$0x10080] =	vst v63  }
0x3c: {  	_ = 	snop  }
0x3d: {  	[tilespmem:s20], [sflag:$0x1] =	stream.indirect_vreg.gather [hbm4b:s1+s4], $0x80, v3, vm0, $0xb8;
	[tilespmem:$0x10080] =	vst v63  }
0x3e: {  	_ = 	snop  }
0x3f: {  	[tilespmem:s21], [sflag:$0x1] =	stream.indirect_vreg.gather [hbm4b:s5+s4], $0x80, v3, vm0, $0xb8;
	[tilespmem:$0x10080] =	vst v63  }
0x40: {  	_ = 	snop  }
0x41: {  	[tilespmem:s22], [sflag:$0x1] =	stream.indirect_vreg.gather [hbm4b:s6+s4], $0x80, v3, vm0, $0xb8;
	[tilespmem:$0x10080] =	vst v63  }
0x42: {  	_ = 	snop  }
0x43: {  	[tilespmem:s23], [sflag:$0x1] =	stream.indirect_vreg.gather [hbm4b:s7+s4], $0x80, v3, vm0, $0xb8;
	[tilespmem:$0x10080] =	vst v63  }
0x44: {  	v3 =	vld [tilespmem:$0x20];
	_ =	sdelay $0x4  }
0x45: {  	v58 =	vshll.u32 v3, $0x3  }
0x46: {  	v3 =	vand.u32 $0x7, v3;
	v4 =	vand.u32 $0xFFFFFFC0, v58  }
0x47: {  	v3 =	vor.u32 v3, v4  }
0x48: {  	v4 =	vperm.xlane v3, v0;
	_ =	sdelay $0x1  }
0x49: {  	v4 =	vadd.s32 v1, v4;
	_ =	sdelay $0x4  }
0x4a: {  	[tilespmem:s24], [sflag:$0x1] =	stream.indirect_vreg.gather [hbm4b:s1+s4], $0x80, v4, vm0, $0xb8;
	[tilespmem:$0x10080] =	vst v63  }
0x4b: {  	v3 =	vperm.xlane v3, v2  }
0x4c: {  	[tilespmem:s25], [sflag:$0x1] =	stream.indirect_vreg.gather [hbm4b:s5+s4], $0x80, v4, vm0, $0xb8;
	[tilespmem:$0x10080] =	vst v63  }
0x4d: {  	v3 =	vadd.s32 v1, v3  }
0x4e: {  	[tilespmem:s13], [sflag:$0x1] =	stream.indirect_vreg.gather [hbm4b:s6+s4], $0x80, v4, vm0, $0xb8;
	[tilespmem:$0x10080] =	vst v63  }
0x4f: {  	s28 =	simm.s32 $0x9880  }
0x50: {  	[tilespmem:s28], [sflag:$0x1] =	stream.indirect_vreg.gather [hbm4b:s7+s4], $0x80, v4, vm0, $0xb8;
	[tilespmem:$0x10080] =	vst v63  }
0x51: {  	s28 =	simm.s32 $0xA080  }
0x52: {  	[tilespmem:s28], [sflag:$0x1] =	stream.indirect_vreg.gather [hbm4b:s1+s4], $0x80, v3, vm0, $0xb8;
	[tilespmem:$0x10080] =	vst v63  }
0x53: {  	s28 =	simm.s32 $0xA880  }
0x54: {  	[tilespmem:s28], [sflag:$0x1] =	stream.indirect_vreg.gather [hbm4b:s5+s4], $0x80, v3, vm0, $0xb8;
	[tilespmem:$0x10080] =	vst v63  }
0x55: {  	s28 =	simm.s32 $0xB080  }
0x56: {  	[tilespmem:s28], [sflag:$0x1] =	stream.indirect_vreg.gather [hbm4b:s6+s4], $0x80, v3, vm0, $0xb8;
	[tilespmem:$0x10080] =	vst v63  }
0x57: {  	s28 =	simm.s32 $0xB880  }
0x58: {  	[tilespmem:s28], [sflag:$0x1] =	stream.indirect_vreg.gather [hbm4b:s7+s4], $0x80, v3, vm0, $0xb8;
	[tilespmem:$0x10080] =	vst v63  }
0x59: {  	v3 =	vld [tilespmem:$0x30];
	_ =	sdelay $0x4  }
0x5a: {  	v59 =	vshll.u32 v3, $0x3  }
0x5b: {  	v3 =	vand.u32 $0x7, v3;
	v4 =	vand.u32 $0xFFFFFFC0, v59  }
0x5c: {  	v3 =	vor.u32 v3, v4  }
0x5d: {  	v4 =	vperm.xlane v3, v0;
	_ =	sdelay $0x1  }
0x5e: {  	v4 =	vadd.s32 v1, v4;
	_ =	sdelay $0x3  }
0x5f: {  	s28 =	simm.s32 $0xC080  }
0x60: {  	[tilespmem:s28], [sflag:$0x1] =	stream.indirect_vreg.gather [hbm4b:s1+s4], $0x80, v4, vm0, $0xb8;
	[tilespmem:$0x10080] =	vst v63  }
0x61: {  	v3 =	vperm.xlane v3, v2;
	s28 =	simm.s32 $0xC880  }
0x62: {  	[tilespmem:s28], [sflag:$0x1] =	stream.indirect_vreg.gather [hbm4b:s5+s4], $0x80, v4, vm0, $0xb8;
	[tilespmem:$0x10080] =	vst v63  }
0x63: {  	v3 =	vadd.s32 v1, v3;
	s28 =	simm.s32 $0xD080  }
0x64: {  	[tilespmem:s28], [sflag:$0x1] =	stream.indirect_vreg.gather [hbm4b:s6+s4], $0x80, v4, vm0, $0xb8;
	[tilespmem:$0x10080] =	vst v63  }
0x65: {  	s28 =	simm.s32 $0xD880  }
0x66: {  	[tilespmem:s28], [sflag:$0x1] =	stream.indirect_vreg.gather [hbm4b:s7+s4], $0x80, v4, vm0, $0xb8;
	[tilespmem:$0x10080] =	vst v63  }
0x67: {  	s28 =	simm.s32 $0xE080  }
0x68: {  	[tilespmem:s28], [sflag:$0x1] =	stream.indirect_vreg.gather [hbm4b:s1+s4], $0x80, v3, vm0, $0xb8;
	[tilespmem:$0x10080] =	vst v63  }
0x69: {  	s28 =	simm.s32 $0xE880  }
0x6a: {  	[tilespmem:s28], [sflag:$0x1] =	stream.indirect_vreg.gather [hbm4b:s5+s4], $0x80, v3, vm0, $0xb8;
	[tilespmem:$0x10080] =	vst v63  }
0x6b: {  	s28 =	simm.s32 $0xF080  }
0x6c: {  	[tilespmem:s28], [sflag:$0x1] =	stream.indirect_vreg.gather [hbm4b:s6+s4], $0x80, v3, vm0, $0xb8;
	[tilespmem:$0x10080] =	vst v63  }
0x6d: {  	s28 =	simm.s32 $0xF880  }
0x6e: {  	[tilespmem:s28], [sflag:$0x1] =	stream.indirect_vreg.gather [hbm4b:s7+s4], $0x80, v3, vm0, $0xb8;
	[tilespmem:$0x10080] =	vst v63  }
0x6f: {  	_ =	swait.ge [sflag:s26], $0x10000  }
0x70: {  	[sflag:s26] =	ssyncset.done $0x0  }
0x71: {  	s28 =	rddreg [dreg:$0x5];
	[sflag:s26] =	ssyncadd.s32 $0xFFFF0000  }
0x72: {  	[hbm4b:s28+s4] =	stream.linear.scatter [tilespmem:s0], [sflag:$0x2], $0x10000, $0x38;
	[tilespmem:$0x10080] =	vst v63  }
0x73: {  	_ =	swait.ge [sflag:s12], $0x10000  }
0x74: {  	[sflag:s12] =	ssyncset.done $0x0  }
0x75: {  	s28 =	rddreg [dreg:$0x6];
	[sflag:s12] =	ssyncadd.s32 $0xFFFF0000  }
0x76: {  	[tilespmem:s4], [sflag:$0x2] =	stream.linear.gather [hbm4b:s28+s4], $0x40, $0x38;
	[tilespmem:$0x10080] =	vst v63  }
0x77: {  	_ =	swait.ge [sflag:s12], $0x40  }
0x78: {  	[sflag:s12] =	ssyncset.done $0x0  }
0x79: {  	[sflag:s12] =	ssyncadd.s32 $0xFFFFFFC0  }
0x7a: {  	v3 =	vld [tilespmem:$0x0];
	_ =	sdelay $0x4  }
0x7b: {  	v60 =	vshll.u32 v3, $0x3  }
0x7c: {  	v3 =	vand.u32 $0x7, v3;
	v4 =	vand.u32 $0xFFFFFFC0, v60  }
0x7d: {  	v3 =	vor.u32 v3, v4  }
0x7e: {  	v4 =	vperm.xlane v3, v0;
	_ =	sdelay $0x1  }
0x7f: {  	v4 =	vadd.s32 v1, v4;
	_ =	sdelay $0x4  }
0x80: {  	[tilespmem:s0], [sflag:$0x1] =	stream.indirect_vreg.gather [hbm4b:s3+s4], $0x80, v4, vm0, $0xb8;
	[tilespmem:$0x10080] =	vst v63  }
0x81: {  	v3 =	vperm.xlane v3, v2  }
0x82: {  	[tilespmem:s29], [sflag:$0x1] =	stream.indirect_vreg.gather [hbm4b:s8+s4], $0x80, v4, vm0, $0xb8;
	[tilespmem:$0x10080] =	vst v63  }
0x83: {  	v3 =	vadd.s32 v1, v3  }
0x84: {  	[tilespmem:s30], [sflag:$0x1] =	stream.indirect_vreg.gather [hbm4b:s9+s4], $0x80, v4, vm0, $0xb8;
	[tilespmem:$0x10080] =	vst v63  }
0x85: {  	_ = 	snop  }
0x86: {  	[tilespmem:s31], [sflag:$0x1] =	stream.indirect_vreg.gather [hbm4b:s10+s4], $0x80, v4, vm0, $0xb8;
	[tilespmem:$0x10080] =	vst v63  }
0x87: {  	s28 =	simm.s32 $0x2080  }
0x88: {  	[tilespmem:s28], [sflag:$0x1] =	stream.indirect_vreg.gather [hbm4b:s3+s4], $0x80, v3, vm0, $0xb8;
	[tilespmem:$0x10080] =	vst v63  }
0x89: {  	_ = 	snop  }
0x8a: {  	[tilespmem:s2], [sflag:$0x1] =	stream.indirect_vreg.gather [hbm4b:s8+s4], $0x80, v3, vm0, $0xb8;
	[tilespmem:$0x10080] =	vst v63  }
0x8b: {  	_ = 	snop  }
0x8c: {  	[tilespmem:s14], [sflag:$0x1] =	stream.indirect_vreg.gather [hbm4b:s9+s4], $0x80, v3, vm0, $0xb8;
	[tilespmem:$0x10080] =	vst v63  }
0x8d: {  	_ = 	snop  }
0x8e: {  	[tilespmem:s15], [sflag:$0x1] =	stream.indirect_vreg.gather [hbm4b:s10+s4], $0x80, v3, vm0, $0xb8;
	[tilespmem:$0x10080] =	vst v63  }
0x8f: {  	v3 =	vld [tilespmem:$0x10];
	_ =	sdelay $0x4  }
0x90: {  	v61 =	vshll.u32 v3, $0x3  }
0x91: {  	v3 =	vand.u32 $0x7, v3;
	v4 =	vand.u32 $0xFFFFFFC0, v61  }
0x92: {  	v3 =	vor.u32 v3, v4  }
0x93: {  	v4 =	vperm.xlane v3, v0;
	_ =	sdelay $0x1  }
0x94: {  	v4 =	vadd.s32 v1, v4;
	_ =	sdelay $0x4  }
0x95: {  	[tilespmem:s16], [sflag:$0x1] =	stream.indirect_vreg.gather [hbm4b:s3+s4], $0x80, v4, vm0, $0xb8;
	[tilespmem:$0x10080] =	vst v63  }
0x96: {  	v3 =	vperm.xlane v3, v2  }
0x97: {  	[tilespmem:s17], [sflag:$0x1] =	stream.indirect_vreg.gather [hbm4b:s8+s4], $0x80, v4, vm0, $0xb8;
	[tilespmem:$0x10080] =	vst v63  }
0x98: {  	v3 =	vadd.s32 v1, v3  }
0x99: {  	[tilespmem:s18], [sflag:$0x1] =	stream.indirect_vreg.gather [hbm4b:s9+s4], $0x80, v4, vm0, $0xb8;
	[tilespmem:$0x10080] =	vst v63  }
0x9a: {  	_ = 	snop  }
0x9b: {  	[tilespmem:s19], [sflag:$0x1] =	stream.indirect_vreg.gather [hbm4b:s10+s4], $0x80, v4, vm0, $0xb8;
	[tilespmem:$0x10080] =	vst v63  }
0x9c: {  	_ = 	snop  }
0x9d: {  	[tilespmem:s20], [sflag:$0x1] =	stream.indirect_vreg.gather [hbm4b:s3+s4], $0x80, v3, vm0, $0xb8;
	[tilespmem:$0x10080] =	vst v63  }
0x9e: {  	_ = 	snop  }
0x9f: {  	[tilespmem:s21], [sflag:$0x1] =	stream.indirect_vreg.gather [hbm4b:s8+s4], $0x80, v3, vm0, $0xb8;
	[tilespmem:$0x10080] =	vst v63  }
0xa0: {  	_ = 	snop  }
0xa1: {  	[tilespmem:s22], [sflag:$0x1] =	stream.indirect_vreg.gather [hbm4b:s9+s4], $0x80, v3, vm0, $0xb8;
	[tilespmem:$0x10080] =	vst v63  }
0xa2: {  	_ = 	snop  }
0xa3: {  	[tilespmem:s23], [sflag:$0x1] =	stream.indirect_vreg.gather [hbm4b:s10+s4], $0x80, v3, vm0, $0xb8;
	[tilespmem:$0x10080] =	vst v63  }
0xa4: {  	v3 =	vld [tilespmem:$0x20];
	_ =	sdelay $0x4  }
0xa5: {  	v62 =	vshll.u32 v3, $0x3  }
0xa6: {  	v3 =	vand.u32 $0x7, v3;
	v4 =	vand.u32 $0xFFFFFFC0, v62  }
0xa7: {  	v3 =	vor.u32 v3, v4  }
0xa8: {  	v4 =	vperm.xlane v3, v0;
	_ =	sdelay $0x1  }
0xa9: {  	v4 =	vadd.s32 v1, v4;
	_ =	sdelay $0x4  }
0xaa: {  	[tilespmem:s24], [sflag:$0x1] =	stream.indirect_vreg.gather [hbm4b:s3+s4], $0x80, v4, vm0, $0xb8;
	[tilespmem:$0x10080] =	vst v63  }
0xab: {  	v3 =	vperm.xlane v3, v2  }
0xac: {  	[tilespmem:s25], [sflag:$0x1] =	stream.indirect_vreg.gather [hbm4b:s8+s4], $0x80, v4, vm0, $0xb8;
	[tilespmem:$0x10080] =	vst v63  }
0xad: {  	v3 =	vadd.s32 v1, v3  }
0xae: {  	[tilespmem:s13], [sflag:$0x1] =	stream.indirect_vreg.gather [hbm4b:s9+s4], $0x80, v4, vm0, $0xb8;
	[tilespmem:$0x10080] =	vst v63  }
0xaf: {  	s28 =	simm.s32 $0x9880  }
0xb0: {  	[tilespmem:s28], [sflag:$0x1] =	stream.indirect_vreg.gather [hbm4b:s10+s4], $0x80, v4, vm0, $0xb8;
	[tilespmem:$0x10080] =	vst v63  }
0xb1: {  	s28 =	simm.s32 $0xA080  }
0xb2: {  	[tilespmem:s28], [sflag:$0x1] =	stream.indirect_vreg.gather [hbm4b:s3+s4], $0x80, v3, vm0, $0xb8;
	[tilespmem:$0x10080] =	vst v63  }
0xb3: {  	s28 =	simm.s32 $0xA880  }
0xb4: {  	[tilespmem:s28], [sflag:$0x1] =	stream.indirect_vreg.gather [hbm4b:s8+s4], $0x80, v3, vm0, $0xb8;
	[tilespmem:$0x10080] =	vst v63  }
0xb5: {  	s28 =	simm.s32 $0xB080  }
0xb6: {  	[tilespmem:s28], [sflag:$0x1] =	stream.indirect_vreg.gather [hbm4b:s9+s4], $0x80, v3, vm0, $0xb8;
	[tilespmem:$0x10080] =	vst v63  }
0xb7: {  	s28 =	simm.s32 $0xB880  }
0xb8: {  	[tilespmem:s28], [sflag:$0x1] =	stream.indirect_vreg.gather [hbm4b:s10+s4], $0x80, v3, vm0, $0xb8;
	[tilespmem:$0x10080] =	vst v63  }
0xb9: {  	v3 =	vld [tilespmem:$0x30];
	_ =	sdelay $0x4  }
0xba: {  	v63 =	vshll.u32 v3, $0x3  }
0xbb: {  	v3 =	vand.u32 $0x7, v3;
	v4 =	vand.u32 $0xFFFFFFC0, v63  }
0xbc: {  	v3 =	vor.u32 v3, v4  }
0xbd: {  	v4 =	vperm.xlane v3, v0;
	_ =	sdelay $0x1  }
0xbe: {  	v4 =	vadd.s32 v1, v4;
	_ =	sdelay $0x3  }
0xbf: {  	s28 =	simm.s32 $0xC080  }
0xc0: {  	[tilespmem:s28], [sflag:$0x1] =	stream.indirect_vreg.gather [hbm4b:s3+s4], $0x80, v4, vm0, $0xb8;
	[tilespmem:$0x10080] =	vst v63  }
0xc1: {  	v3 =	vperm.xlane v3, v2;
	s28 =	simm.s32 $0xC880  }
0xc2: {  	[tilespmem:s28], [sflag:$0x1] =	stream.indirect_vreg.gather [hbm4b:s8+s4], $0x80, v4, vm0, $0xb8;
	[tilespmem:$0x10080] =	vst v63  }
0xc3: {  	v3 =	vadd.s32 v1, v3;
	s28 =	simm.s32 $0xD080  }
0xc4: {  	[tilespmem:s28], [sflag:$0x1] =	stream.indirect_vreg.gather [hbm4b:s9+s4], $0x80, v4, vm0, $0xb8;
	[tilespmem:$0x10080] =	vst v63  }
0xc5: {  	s28 =	simm.s32 $0xD880  }
0xc6: {  	[tilespmem:s28], [sflag:$0x1] =	stream.indirect_vreg.gather [hbm4b:s10+s4], $0x80, v4, vm0, $0xb8;
	[tilespmem:$0x10080] =	vst v63  }
0xc7: {  	s28 =	simm.s32 $0xE080  }
0xc8: {  	[tilespmem:s28], [sflag:$0x1] =	stream.indirect_vreg.gather [hbm4b:s3+s4], $0x80, v3, vm0, $0xb8;
	[tilespmem:$0x10080] =	vst v63  }
0xc9: {  	s28 =	simm.s32 $0xE880  }
0xca: {  	[tilespmem:s28], [sflag:$0x1] =	stream.indirect_vreg.gather [hbm4b:s8+s4], $0x80, v3, vm0, $0xb8;
	[tilespmem:$0x10080] =	vst v63  }
0xcb: {  	s28 =	simm.s32 $0xF080  }
0xcc: {  	[tilespmem:s28], [sflag:$0x1] =	stream.indirect_vreg.gather [hbm4b:s9+s4], $0x80, v3, vm0, $0xb8;
	[tilespmem:$0x10080] =	vst v63  }
0xcd: {  	s28 =	simm.s32 $0xF880  }
0xce: {  	[tilespmem:s28], [sflag:$0x1] =	stream.indirect_vreg.gather [hbm4b:s10+s4], $0x80, v3, vm0, $0xb8;
	[tilespmem:$0x10080] =	vst v63  }
0xcf: {  	_ =	swait.ge [sflag:s26], $0x10000  }
0xd0: {  	p0 =	sne.s32 s11, $0x1;
	[sflag:s26] =	ssyncset.done $0x0  }
.Ltmp0:
0xd1: {  	s2 =	rddreg [dreg:$0x7];
	[sflag:s26] =	ssyncadd.s32 $0xFFFF0000;
	(pc) =	sbr.rel @p0 .LBB2_1-.Ltmp0, $4  }
0xd2: {  	[hbm4b:s2+s4] =	stream.linear.scatter [tilespmem:s0], [sflag:$0x2], $0x10000, $0x38;
	[tilespmem:$0x10080] =	vst v63  }
0xd3: {  	_ =	swait.ge [sflag:s12], $0x10000  }
0xd4: {  	[sflag:s12] =	ssyncset.done $0x0  }
0xd5: {  	s11 =	sadd.s32 $0xFFFFFFFF, s11;
	[sflag:s12] =	ssyncadd.s32 $0xFFFF0000  }
0xd6: {  	_ =	sfence.sel $0x180000  }
0xd7: {  	[bflag:$0x0] =	sbarrier.arrive $0xFFFF  }
0xd8: {  	_ =	strace $0x90000047  }
0xd9: {  	s0 =	stileid.u32;
	[bflag:$0x2] =	sbarrier.arrive $0xFFFF  }
0xda: {  	p0 =	sne.s32 s0, $0x0;
	s0 =	rddreg [dreg:$0x3]  }
0xdb: {  	s0 =	sadd.s32 @!p0 $0x100000, s0  }
0xdc: {  	[sflag:s0] =	ssyncadd.tile.s32 @!p0 $0x1;
	_ =	shalt  }
.Lfunc_end2:
_tile_overlayer_lowered:
.L_overlay_start_2:
0xdd: {  	(tag) =	ssettag $0x2  }
0xde: {  	s0 =	rddreg [dreg:$0x0];
	s2 =	stileid.u32  }
0xdf: {  	s1 =	rddreg [dreg:$0x1];
	p0 =	sne.s32 s2, $0x0  }
0xe0: {  	s3 =	rddreg [dreg:$0x2];
	[bflag:$0x3] =	sbarrier.arrive $0xFFFF;
	s2 =	simm.s32 @!p0 $0x1C02  }
0xe1: {  	[timem:s3], [sflag:s2] =	dma.local @!p0 [hbm:s0], s1  }
0xe2: {  	s0 =	simm.s32 @!p0 $0x2  }
0xe3: {  	_ =	swait.ge @!p0 [sflag:s0], s1  }
0xe4: {  	s1 =	ssub.s32 @!p0 $0x0, s1;
	[sflag:s0] =	ssyncset.done @!p0 $0x0  }
0xe5: {  	[sflag:s0] =	ssyncadd.s32 @!p0 s1  }
0xe6: {  	[bflag:$0x3] =	sbarrier.arrive $0xFFFF  }
0xe7: {  	_ =	shalt  }

// kernel: kernel.9.cloned.1.call-start
scs
__scs_entry_jumppad:
0x0: {  	(pc) =	sbr.rel $0x88, $3  }
0x1: {  	(tag) =	ssettag $0x0;
	lr =	simm.s32 $0x1  }
0x2: {  	[smem:$0x3F9D] =	sst lr;
	_ =	strace $0xD0000000  }
0x3: {  	_ = 	snop  }
0x4: {  	_ = 	snop  }
0x5: {  	_ = 	snop  }
0x6: {  	_ = 	snop  }
0x7: {  	_ = 	snop  }
__scs_overlays_trampoline_lowered:
0x8: {  	[smem:$0x3FAC] =	sst s0  }
0x9: {  	[smem:$0x3FAD] =	sst s1  }
0xa: {  	[smem:$0x3FAE] =	sst s2  }
0xb: {  	[smem:$0x3FAF] =	sst s3  }
0xc: {  	[smem:$0x3FB0] =	sst s4  }
0xd: {  	[smem:$0x3FB1] =	sst s5  }
0xe: {  	[smem:$0x3FB2] =	sst s6  }
0xf: {  	[smem:$0x3FB3] =	sst s7  }
0x10: {  	[smem:$0x3FB4] =	sst s8  }
0x11: {  	[smem:$0x3FB5] =	sst s9;
	s0 =	simm.s32 @!p0 $0x0  }
0x12: {  	s1 =	sld [smem:$0x3F9B];
	s0 =	simm.s32 @p0 $0x1  }
0x13: {  	[smem:$0x3FB6] =	sst s0;
	s0 =	simm.s32 @!p1 $0x0  }
0x14: {  	s2 =	sld [smem:$0x3F9A];
	s0 =	simm.s32 @p1 $0x1  }
0x15: {  	[smem:$0x3FB7] =	sst s0;
	s0 =	simm.s32 @!p2 $0x0  }
0x16: {  	s3 =	sld [smem:$0x3FDB];
	s0 =	simm.s32 @p2 $0x1  }
0x17: {  	s4 =	simm.s32 $0x1BF5;
	[smem:$0x3FB9] =	sst s0  }
0x18: {  	s0 =	sld [smem:$0x3F9C];
	_ =	swait.ge [sflag:s4], $0x0  }
0x19: {  	s7 =	sld [smem:$0x3F9D]  }
0x1a: {  	s8 =	sadd.s32 $0xFFFFE003, lr  }
0x1b: {  	s9 =	sadd.s32 $0xFFFFFEF7, lr;
	s5 =	simm.s32 $0xFFFFFFFF;
	p2 =	slt.u32 s8, $0xFFFFF086  }
0x1c: {  	p1 =	slt.u32 s9, $0xF7A;
	s5 =	simm.s32 @!p2 $0x0  }
0x1d: {  	s5 =	simm.s32 @p1 $0x1;
	p0 =	seq.s32 s7, s2  }
0x1e: {  	s7 =	smul.u32 @!p0 $0xF7A, s2;
	p2 =	seq.s32 @!p0 s5, $0x0  }
0x1f: {  	s9 =	smul.u32 $0xF7A, s1;
	s8 =	simm.s32 @!p0 $0x1BF5;
	p2 =	por !p2, p0  }
0x20: {  	[sflag:s8] =	ssyncset.s32 @!p0 $0xFFFFF086;
	s6 =	sadd.s32 @!p0 s3, s7;
	s7 =	simm.s32 @!p0 $0x108  }
0x21: {  	s3 =	sadd.s32 s3, s9;
	s6 =	sadd.s32 @!p0 $0x88, s6;
	s7 =	simm.s32 @p2 $0x1082  }
0x22: {  	[simem:s7], [sflag:s8] =	dma.local @!p0 [hbm:s6], $0xF7A  }
0x23: {  	s9 =	sor.u32 $0xD0000000, s2;
	s6 =	simm.s32 $0x108;
	_ =	swait.ge @!p0 [sflag:s8], $0x0  }
0x24: {  	s3 =	sadd.s32 $0x88, s3;
	s6 =	simm.s32 @!p1 $0x1082;
	[sflag:s4] =	ssyncset.s32 $0xFFFFF086  }
0x25: {  	[simem:s6], [sflag:s4] =	dma.local [hbm:s3], $0xF7A  }
0x26: {  	[smem:$0x3F9D] =	sst s1;
	(tag) =	ssettag s2;
	_ =	strace s9  }
0x27: {  	s1 =	sld [smem:$0x3FAD]  }
0x28: {  	s2 =	sld [smem:$0x3FAE]  }
0x29: {  	s4 =	sld [smem:$0x3FB0]  }
0x2a: {  	p0 =	seq.s32 s5, $0x0;
	s5 =	sld [smem:$0x3FB1]  }
0x2b: {  	s6 =	sld [smem:$0x3FB2]  }
0x2c: {  	s7 =	sld [smem:$0x3FB3]  }
0x2d: {  	s3 =	simm.s32 $0x108;
	s8 =	sld [smem:$0x3FB4]  }
0x2e: {  	s3 =	simm.s32 @!p0 $0x1082;
	s9 =	sld [smem:$0x3FB5]  }
0x2f: {  	lr =	sadd.s32 s0, s3;
	s0 =	sld [smem:$0x3FAC]  }
0x30: {  	s3 =	sld [smem:$0x3FAF]  }
0x31: {  	[smem:$0x3FB8] =	sst s10  }
0x32: {  	s10 =	sld [smem:$0x3FB6];
	_ =	sdelay $0x3  }
0x33: {  	p0 =	seq.s32 s10, $0x1;
	s10 =	sld [smem:$0x3FB8];
	_ =	sdelay $0x3  }
0x34: {  	[smem:$0x3FB8] =	sst s10  }
0x35: {  	s10 =	sld [smem:$0x3FB7];
	_ =	sdelay $0x3  }
0x36: {  	p1 =	seq.s32 s10, $0x1;
	s10 =	sld [smem:$0x3FB8];
	_ =	sdelay $0x3  }
0x37: {  	[smem:$0x3FB8] =	sst s10  }
0x38: {  	s10 =	sld [smem:$0x3FB9]  }
0x39: {  	_ = 	snop;
	(pc) =	sbr.ind lr, $3  }
0x3a: {  	_ = 	snop  }
0x3b: {  	_ = 	snop  }
0x3c: {  	p2 =	seq.s32 s10, $0x1;
	s10 =	sld [smem:$0x3FB8]  }
0x3d: {  	_ =	shalt  }
0x3e: {  	_ =	shalt  }
0x3f: {  	_ =	shalt  }
0x40: {  	_ =	shalt  }
0x41: {  	_ =	shalt  }
0x42: {  	_ =	shalt  }
0x43: {  	_ =	shalt  }
0x44: {  	_ =	shalt  }
0x45: {  	_ =	shalt  }
0x46: {  	_ =	shalt  }
0x47: {  	_ =	shalt  }
0x48: {  	_ =	shalt  }
0x49: {  	_ =	shalt  }
0x4a: {  	_ =	shalt  }
0x4b: {  	_ =	shalt  }
0x4c: {  	_ =	shalt  }
0x4d: {  	_ =	shalt  }
0x4e: {  	_ =	shalt  }
0x4f: {  	_ =	shalt  }
0x50: {  	_ =	shalt  }
0x51: {  	_ =	shalt  }
0x52: {  	_ =	shalt  }
0x53: {  	_ =	shalt  }
0x54: {  	_ =	shalt  }
0x55: {  	_ =	shalt  }
0x56: {  	_ =	shalt  }
0x57: {  	_ =	shalt  }
0x58: {  	_ =	shalt  }
0x59: {  	_ =	shalt  }
0x5a: {  	_ =	shalt  }
0x5b: {  	_ =	shalt  }
0x5c: {  	_ =	shalt  }
0x5d: {  	_ =	shalt  }
0x5e: {  	_ =	shalt  }
0x5f: {  	_ =	shalt  }
0x60: {  	_ =	shalt  }
0x61: {  	_ =	shalt  }
0x62: {  	_ =	shalt  }
0x63: {  	_ =	shalt  }
0x64: {  	_ =	shalt  }
0x65: {  	_ =	shalt  }
0x66: {  	_ =	shalt  }
0x67: {  	_ =	shalt  }
0x68: {  	_ =	shalt  }
0x69: {  	_ =	shalt  }
0x6a: {  	_ =	shalt  }
0x6b: {  	_ =	shalt  }
0x6c: {  	_ =	shalt  }
0x6d: {  	_ =	shalt  }
0x6e: {  	_ =	shalt  }
0x6f: {  	_ =	shalt  }
0x70: {  	_ =	shalt  }
0x71: {  	_ =	shalt  }
0x72: {  	_ =	shalt  }
0x73: {  	_ =	shalt  }
0x74: {  	_ =	shalt  }
0x75: {  	_ =	shalt  }
0x76: {  	_ =	shalt  }
0x77: {  	_ =	shalt  }
0x78: {  	_ =	shalt  }
0x79: {  	_ =	shalt  }
0x7a: {  	_ =	shalt  }
0x7b: {  	_ =	shalt  }
0x7c: {  	_ =	shalt  }
0x7d: {  	_ =	shalt  }
0x7e: {  	_ =	shalt  }
0x7f: {  	_ =	shalt  }
0x80: {  	_ =	shalt  }
0x81: {  	_ =	shalt  }
0x82: {  	_ =	shalt  }
0x83: {  	_ =	shalt  }
0x84: {  	_ =	shalt  }
0x85: {  	_ =	shalt  }
0x86: {  	_ =	shalt  }
0x87: {  	_ =	shalt  }
.Lfunc_end0:
.L_simem_size_0:
called_computation.1_lowered:
.L_overlay_start_0:
0x88: {  	s2 =	sld [smem:$0x3FD9]  }
0x89: {  	s3 =	sld [smem:$0x3FFE];
	_ =	sdelay $0x1  }
0x8a: {  	s1 =	srdreg.scid  }
0x8b: {  	s0 =	sand.u32 $0x1, s1  }
0x8c: {  	s17 =	sshll.u32 s0, $0xA;
	s2 =	sadd.s32 s3, s2  }
0x8d: {  	s2 =	sadd.s32 s2, s17  }
0x8e: {  	[smem:$0x3FC4] =	sst s2  }
0x8f: {  	_ = 	snop  }
0x90: {  	s2 =	sld [smem:$0x3FC9];
	(tm) =	ssettm $0x1  }
0x91: {  	s18 =	sld [smem:$0x3FFB];
	_ =	sdelay $0x3  }
0x92: {  	_ =	strace s18  }
0x93: {  	s3 =	sld [smem:$0x3FFC];
	_ =	sdelay $0x3  }
0x94: {  	_ =	strace s3  }
0x95: {  	s3 =	sld [smem:$0x3FFD];
	_ =	sdelay $0x3  }
0x96: {  	_ =	strace s3  }
0x97: {  	_ =	strace $0x8FFFFFFF  }
0x98: {  	s19 =	sld [smem:$0x3FDB];
	_ =	sdelay $0x1  }
0x99: {  	s4 =	simm.s32 $_scs_section_size  }
0x9a: {  	s5 =	simm.s32 $_size__tile_overlayer_lowered;
	s6 =	simm.s32 $_tile_overlayer_lowered  }
0x9b: {  	s22 =	simm.s32 $0x1BFF;
	s21 =	sshll.u32 s6, $0x1;
	s3 =	sadd.s32 s4, s19  }
0x9c: {  	s7 =	simm.s32 $0x0;
	s20 =	sshll.u32 s5, $0x1;
	s5 =	sadd.s32 s21, s3  }
0x9d: {  	[timem:s7], [sflag:s22] =	dma.local [hbm:s5], s20  }
0x9e: {  	_ =	swait.ge [sflag:s22], s20  }
0x9f: {  	s4 =	ssub.s32 $0x0, s20;
	[sflag:s22] =	ssyncset.done $0x0  }
0xa0: {  	[sflag:s22] =	ssyncadd.s32 s4;
	_ =	sdelay $0x1  }
0xa1: {  	s23 =	simm.s32 $0x1B8B  }
0xa2: {  	_ =	swait.ge [sflag:s23], $0x1  }
0xa3: {  	[sflag:s23] =	ssyncset.done $0x0  }
0xa4: {  	s25 =	simm.s32 $0x1B8E;
	s24 =	sld [smem:$0x3FFE];
	[sflag:s23] =	ssyncadd.s32 $0xFFFFFFFF  }
0xa5: {  	s26 =	simm.s32 $execute0_lowered;
	[smem:$0x3FD2] =	sst s25  }
0xa6: {  	s5 =	sshll.u32 s26, $0x1;
	_ =	strace $0x80000049;
	[dreg:$0x1] =	wrdreg $0xFFFFFFFF  }
0xa7: {  	s28 =	simm.s32 $_size_execute0_lowered;
	s3 =	sadd.s32 s3, s5;
	[dreg:$0x0] =	wrdreg $0x0  }
0xa8: {  	s5 =	sshll.u32 s28, $0x1;
	[dreg:$0x2] =	wrdreg s3  }
0xa9: {  	[dreg:$0x3] =	wrdreg s5  }
0xaa: {  	[dreg:$0x4] =	wrdreg $0xC0  }
0xab: {  	_ =	task [dreg:s7], $0x5FFFF  }
0xac: {  	[dreg:$0x1] =	wrdreg $0xFFFFFFFF  }
0xad: {  	[dreg:$0x0] =	wrdreg $0x60  }
0xae: {  	[dreg:$0x2] =	wrdreg s2  }
0xaf: {  	[dreg:$0x3] =	wrdreg s24  }
0xb0: {  	[dreg:$0x4] =	wrdreg $0x9  }
0xb1: {  	_ =	task.clear_ibuf [dreg:s7], $0x5FFFF;
	_ =	strace $0x90000049  }
0xb2: {  	s29 =	simm.s32 $0x9;
	_ =	strace $0x8000004B  }
0xb3: {  	_ =	swait.ge [sflag:s29], $0x1  }
0xb4: {  	[sflag:s29] =	ssyncadd.s32 $0xFFFFFFFF  }
0xb5: {  	_ =	strace $0x9000004B  }
0xb6: {  	_ =	sfence  }
0xb7: {  	s30 =	sld [smem:$0x0];
	_ =	sdelay $0x2  }
0xb8: {  	s31 =	sshll.u32 s1, $0xD;
	s1 =	sshrl.u32 s1, $0x2  }
0xb9: {  	s3 =	sand.u32 $0x4000, s31;
	s1 =	sadd.s32 s1, s30  }
0xba: {  	s0 =	sor.u32 s3, s0;
	s1 =	sshll.u32 s1, $0x11  }
0xbb: {  	s0 =	sor.u32 s1, s0  }
0xbc: {  	s0 =	sadd.s32 $0x8F2B, s0  }
0xbd: {  	[sflag:s0] =	ssyncadd.remote.s32 $0x1  }
0xbe: {  	_ =	sfence.sel $0xFFFF  }
0xbf: {  	[dreg:$0x0] =	wrdreg $0xFFFFFFFF;
	(pc) =	sbr.abs _section_cstart, $3  }
0xc0: {  	[dreg:$0x1] =	wrdreg $0xFFFFFFFF  }
0xc1: {  	_ =	task.clear_ibuf [dreg:s7], $0x2FFFF;
	_ =	strace $0x9FFFFFFF  }
0xc2: {  	(tm) =	ssettm $0x7FFFFFFF  }
0xc3: {  	_ =	shalt  }
tec
execute0_lowered:
.L_overlay_start_1:
0x0: {  	(tag) =	ssettag $0x1  }
0x1: {  	s1 =	srdreg.scid  }
0x2: {  	s0 =	stileid.u32;
	s2 =	rddreg [dreg:$0x0]  }
0x3: {  	s5 =	rddreg [dreg:$0x1];
	s18 =	simm.s32 $0x880;
	s19 =	simm.s32 $0x1080  }
0x4: {  	s20 =	simm.s32 $0x1880;
	s22 =	simm.s32 $0x2080;
	s23 =	simm.s32 $0x2880  }
0x5: {  	s24 =	simm.s32 $0x3080;
	s7 =	simm.s32 $0x3880;
	s8 =	simm.s32 $0x4080  }
0x6: {  	s25 =	simm.s32 $0x4880;
	s26 =	simm.s32 $0x5080;
	s1 =	sand.u32 $0x1, s1  }
0x7: {  	s9 =	simm.s32 $0x80;
	s3 =	sshll.u32 s0, $0x7;
	s4 =	sshll.u32 s1, $0x6  }
0x8: {  	s11 =	simm.s32 $0x6080;
	s4 =	sor.u32 s4, s3;
	s3 =	simm.s32 $0x0  }
0x9: {  	s12 =	simm.s32 $0x6880;
	s13 =	simm.s32 $0x7080;
	[smem:$0x7FF] =	sst s3  }
0xa: {  	s14 =	simm.s32 $0x7880;
	_ =	strace $0x8000004A;
	[dreg:$0x5] =	wrdreg s18  }
0xb: {  	s15 =	simm.s32 $0x8080;
	s16 =	simm.s32 $0x8880;
	[dreg:$0x6] =	wrdreg s19  }
0xc: {  	s28 =	simm.s32 $0xE080;
	s29 =	simm.s32 $0xE880;
	[dreg:$0x7] =	wrdreg s20  }
0xd: {  	s30 =	simm.s32 $0xF080;
	s1 =	ssub.s32 $0x2, s1;
	[dreg:$0x8] =	wrdreg s22  }
0xe: {  	s31 =	simm.s32 $0xF880;
	s21 =	sshrl.u32 s1, $0x1;
	[dreg:$0x9] =	wrdreg s23  }
0xf: {  	s6 =	sshrl.u32 s4, $0x3;
	s4 =	sshll.u32 s4, $0x7;
	[dreg:$0xa] =	wrdreg s24  }
0x10: {  	s1 =	ssub.s32 s1, s21;
	s21 =	simm.s32 $0xB080;
	[dreg:$0xb] =	wrdreg s7  }
0x11: {  	s6 =	sadd.s32 s6, s5;
	s4 =	sadd.s32 s4, s5;
	[dreg:$0xc] =	wrdreg s8  }
0x12: {  	s5 =	sadd.s32 $0x200, s2;
	s7 =	smax.u32 s1, $0x1;
	[dreg:$0xd] =	wrdreg s25  }
0x13: {  	s8 =	simm.s32 $0x2;
	[dreg:$0xe] =	wrdreg s26;
	s18 =	simm.s32 $0x9880  }
0x14: {  	s19 =	simm.s32 $0xA080;
	s20 =	simm.s32 $0xA880;
	s22 =	simm.s32 $0xB880  }
0x15: {  	s23 =	simm.s32 $0xC080;
	s24 =	simm.s32 $0xC880;
	s25 =	simm.s32 $0xD080  }
0x16: {  	v2 =	vlaneseq.u32;
	s26 =	simm.s32 $0xD880;
	s1 =	simm.s32 $0x1;
	s17 =	sadd.s32 $0x1C00, s6  }
0x17: {  	vm0 =	vmmov $0xffff;
	v1 =	vshrl.u32 v2, $0x3;
	s4 =	sadd.s32 $0x1E00, s4;
	s6 =	sadd.s32 $0x300, s2;
	[dreg:$0x3] =	wrdreg s17  }
0x18: {  	v0 =	vand.u32 $0x7, v2;
	v2 =	vor.u32 $0x8, v2;
	v1 =	vmul.u32 $0x8, v1;
	[dreg:$0x4] =	wrdreg s4;
	s4 =	sadd.s32 $0x100, s2;
	s17 =	simm.s32 $0x9080  }
.LBB2_1:
0x19: {  	s0 =	rddreg [dreg:$0x3]  }
0x1a: {  	[tilespmem:s3], [sflag:$0x2] =	stream.linear.gather [hbm4b:s0+s3], $0x40, $0x38;
	[tilespmem:$0x10080] =	vst v63  }
0x1b: {  	_ =	swait.ge [sflag:s8], $0x40  }
0x1c: {  	[sflag:s8] =	ssyncset.done $0x0  }
0x1d: {  	[sflag:s8] =	ssyncadd.s32 $0xFFFFFFC0  }
0x1e: {  	v3 =	vld [tilespmem:$0x0];
	_ =	sdelay $0x4  }
0x1f: {  	v4 =	vshll.u32 v3, $0x3  }
0x20: {  	v3 =	vand.u32 $0x7, v3;
	v4 =	vand.u32 $0xFFFFFFC0, v4  }
0x21: {  	v3 =	vor.u32 v3, v4  }
0x22: {  	v4 =	vperm.xlane v3, v0;
	_ =	sdelay $0x1  }
0x23: {  	v4 =	vadd.s32 v1, v4;
	_ =	sdelay $0x4  }
0x24: {  	[tilespmem:s9], [sflag:$0x1] =	stream.indirect_vreg.gather [hbm4b:s2+s3], $0x80, v4, vm0, $0xb8;
	[tilespmem:$0x10080] =	vst v63  }
0x25: {  	s0 =	rddreg [dreg:$0x5];
	v3 =	vperm.xlane v3, v2  }
0x26: {  	[tilespmem:s0], [sflag:$0x1] =	stream.indirect_vreg.gather [hbm4b:s4+s3], $0x80, v4, vm0, $0xb8;
	[tilespmem:$0x10080] =	vst v63  }
0x27: {  	s10 =	rddreg [dreg:$0x6];
	v3 =	vadd.s32 v1, v3  }
0x28: {  	[tilespmem:s10], [sflag:$0x1] =	stream.indirect_vreg.gather [hbm4b:s5+s3], $0x80, v4, vm0, $0xb8;
	[tilespmem:$0x10080] =	vst v63  }
0x29: {  	s0 =	rddreg [dreg:$0x7]  }
0x2a: {  	[tilespmem:s0], [sflag:$0x1] =	stream.indirect_vreg.gather [hbm4b:s6+s3], $0x80, v4, vm0, $0xb8;
	[tilespmem:$0x10080] =	vst v63  }
0x2b: {  	s10 =	rddreg [dreg:$0x8]  }
0x2c: {  	[tilespmem:s10], [sflag:$0x1] =	stream.indirect_vreg.gather [hbm4b:s2+s3], $0x80, v3, vm0, $0xb8;
	[tilespmem:$0x10080] =	vst v63  }
0x2d: {  	s0 =	rddreg [dreg:$0x9]  }
0x2e: {  	[tilespmem:s0], [sflag:$0x1] =	stream.indirect_vreg.gather [hbm4b:s4+s3], $0x80, v3, vm0, $0xb8;
	[tilespmem:$0x10080] =	vst v63  }
0x2f: {  	s10 =	rddreg [dreg:$0xa]  }
0x30: {  	[tilespmem:s10], [sflag:$0x1] =	stream.indirect_vreg.gather [hbm4b:s5+s3], $0x80, v3, vm0, $0xb8;
	[tilespmem:$0x10080] =	vst v63  }
0x31: {  	s0 =	rddreg [dreg:$0xb]  }
0x32: {  	[tilespmem:s0], [sflag:$0x1] =	stream.indirect_vreg.gather [hbm4b:s6+s3], $0x80, v3, vm0, $0xb8;
	[tilespmem:$0x10080] =	vst v63  }
0x33: {  	v3 =	vld [tilespmem:$0x10];
	_ =	sdelay $0x4  }
0x34: {  	v61 =	vshll.u32 v3, $0x3  }
0x35: {  	v3 =	vand.u32 $0x7, v3;
	v4 =	vand.u32 $0xFFFFFFC0, v61  }
0x36: {  	v3 =	vor.u32 v3, v4  }
0x37: {  	v4 =	vperm.xlane v3, v0;
	_ =	sdelay $0x1  }
0x38: {  	v4 =	vadd.s32 v1, v4;
	_ =	sdelay $0x3  }
0x39: {  	s0 =	rddreg [dreg:$0xc]  }
0x3a: {  	[tilespmem:s0], [sflag:$0x1] =	stream.indirect_vreg.gather [hbm4b:s2+s3], $0x80, v4, vm0, $0xb8;
	[tilespmem:$0x10080] =	vst v63  }
0x3b: {  	s10 =	rddreg [dreg:$0xd];
	v3 =	vperm.xlane v3, v2  }
0x3c: {  	[tilespmem:s10], [sflag:$0x1] =	stream.indirect_vreg.gather [hbm4b:s4+s3], $0x80, v4, vm0, $0xb8;
	[tilespmem:$0x10080] =	vst v63  }
0x3d: {  	v3 =	vadd.s32 v1, v3;
	s0 =	rddreg [dreg:$0xe]  }
0x3e: {  	[tilespmem:s0], [sflag:$0x1] =	stream.indirect_vreg.gather [hbm4b:s5+s3], $0x80, v4, vm0, $0xb8;
	[tilespmem:$0x10080] =	vst v63  }
0x3f: {  	s10 =	simm.s32 $0x5880  }
0x40: {  	[tilespmem:s10], [sflag:$0x1] =	stream.indirect_vreg.gather [hbm4b:s6+s3], $0x80, v4, vm0, $0xb8;
	[tilespmem:$0x10080] =	vst v63  }
0x41: {  	_ = 	snop  }
0x42: {  	[tilespmem:s11], [sflag:$0x1] =	stream.indirect_vreg.gather [hbm4b:s2+s3], $0x80, v3, vm0, $0xb8;
	[tilespmem:$0x10080] =	vst v63  }
0x43: {  	_ = 	snop  }
0x44: {  	[tilespmem:s12], [sflag:$0x1] =	stream.indirect_vreg.gather [hbm4b:s4+s3], $0x80, v3, vm0, $0xb8;
	[tilespmem:$0x10080] =	vst v63  }
0x45: {  	_ = 	snop  }
0x46: {  	[tilespmem:s13], [sflag:$0x1] =	stream.indirect_vreg.gather [hbm4b:s5+s3], $0x80, v3, vm0, $0xb8;
	[tilespmem:$0x10080] =	vst v63  }
0x47: {  	_ = 	snop  }
0x48: {  	[tilespmem:s14], [sflag:$0x1] =	stream.indirect_vreg.gather [hbm4b:s6+s3], $0x80, v3, vm0, $0xb8;
	[tilespmem:$0x10080] =	vst v63  }
0x49: {  	v3 =	vld [tilespmem:$0x20];
	_ =	sdelay $0x4  }
0x4a: {  	v62 =	vshll.u32 v3, $0x3  }
0x4b: {  	v3 =	vand.u32 $0x7, v3;
	v4 =	vand.u32 $0xFFFFFFC0, v62  }
0x4c: {  	v3 =	vor.u32 v3, v4  }
0x4d: {  	v4 =	vperm.xlane v3, v0;
	_ =	sdelay $0x1  }
0x4e: {  	v4 =	vadd.s32 v1, v4;
	_ =	sdelay $0x4  }
0x4f: {  	[tilespmem:s15], [sflag:$0x1] =	stream.indirect_vreg.gather [hbm4b:s2+s3], $0x80, v4, vm0, $0xb8;
	[tilespmem:$0x10080] =	vst v63  }
0x50: {  	v3 =	vperm.xlane v3, v2  }
0x51: {  	[tilespmem:s16], [sflag:$0x1] =	stream.indirect_vreg.gather [hbm4b:s4+s3], $0x80, v4, vm0, $0xb8;
	[tilespmem:$0x10080] =	vst v63  }
0x52: {  	v3 =	vadd.s32 v1, v3  }
0x53: {  	[tilespmem:s17], [sflag:$0x1] =	stream.indirect_vreg.gather [hbm4b:s5+s3], $0x80, v4, vm0, $0xb8;
	[tilespmem:$0x10080] =	vst v63  }
0x54: {  	_ = 	snop  }
0x55: {  	[tilespmem:s18], [sflag:$0x1] =	stream.indirect_vreg.gather [hbm4b:s6+s3], $0x80, v4, vm0, $0xb8;
	[tilespmem:$0x10080] =	vst v63  }
0x56: {  	_ = 	snop  }
0x57: {  	[tilespmem:s19], [sflag:$0x1] =	stream.indirect_vreg.gather [hbm4b:s2+s3], $0x80, v3, vm0, $0xb8;
	[tilespmem:$0x10080] =	vst v63  }
0x58: {  	_ = 	snop  }
0x59: {  	[tilespmem:s20], [sflag:$0x1] =	stream.indirect_vreg.gather [hbm4b:s4+s3], $0x80, v3, vm0, $0xb8;
	[tilespmem:$0x10080] =	vst v63  }
0x5a: {  	_ = 	snop  }
0x5b: {  	[tilespmem:s21], [sflag:$0x1] =	stream.indirect_vreg.gather [hbm4b:s5+s3], $0x80, v3, vm0, $0xb8;
	[tilespmem:$0x10080] =	vst v63  }
0x5c: {  	_ = 	snop  }
0x5d: {  	[tilespmem:s22], [sflag:$0x1] =	stream.indirect_vreg.gather [hbm4b:s6+s3], $0x80, v3, vm0, $0xb8;
	[tilespmem:$0x10080] =	vst v63  }
0x5e: {  	v3 =	vld [tilespmem:$0x30];
	_ =	sdelay $0x4  }
0x5f: {  	v63 =	vshll.u32 v3, $0x3  }
0x60: {  	v3 =	vand.u32 $0x7, v3;
	v4 =	vand.u32 $0xFFFFFFC0, v63  }
0x61: {  	v3 =	vor.u32 v3, v4  }
0x62: {  	v4 =	vperm.xlane v3, v0;
	_ =	sdelay $0x1  }
0x63: {  	v4 =	vadd.s32 v1, v4;
	_ =	sdelay $0x4  }
0x64: {  	[tilespmem:s23], [sflag:$0x1] =	stream.indirect_vreg.gather [hbm4b:s2+s3], $0x80, v4, vm0, $0xb8;
	[tilespmem:$0x10080] =	vst v63  }
0x65: {  	v3 =	vperm.xlane v3, v2  }
0x66: {  	[tilespmem:s24], [sflag:$0x1] =	stream.indirect_vreg.gather [hbm4b:s4+s3], $0x80, v4, vm0, $0xb8;
	[tilespmem:$0x10080] =	vst v63  }
0x67: {  	v3 =	vadd.s32 v1, v3  }
0x68: {  	[tilespmem:s25], [sflag:$0x1] =	stream.indirect_vreg.gather [hbm4b:s5+s3], $0x80, v4, vm0, $0xb8;
	[tilespmem:$0x10080] =	vst v63  }
0x69: {  	_ = 	snop  }
0x6a: {  	[tilespmem:s26], [sflag:$0x1] =	stream.indirect_vreg.gather [hbm4b:s6+s3], $0x80, v4, vm0, $0xb8;
	[tilespmem:$0x10080] =	vst v63  }
0x6b: {  	_ = 	snop  }
0x6c: {  	[tilespmem:s28], [sflag:$0x1] =	stream.indirect_vreg.gather [hbm4b:s2+s3], $0x80, v3, vm0, $0xb8;
	[tilespmem:$0x10080] =	vst v63  }
0x6d: {  	_ = 	snop  }
0x6e: {  	[tilespmem:s29], [sflag:$0x1] =	stream.indirect_vreg.gather [hbm4b:s4+s3], $0x80, v3, vm0, $0xb8;
	[tilespmem:$0x10080] =	vst v63  }
0x6f: {  	_ = 	snop  }
0x70: {  	[tilespmem:s30], [sflag:$0x1] =	stream.indirect_vreg.gather [hbm4b:s5+s3], $0x80, v3, vm0, $0xb8;
	[tilespmem:$0x10080] =	vst v63  }
0x71: {  	_ = 	snop  }
0x72: {  	[tilespmem:s31], [sflag:$0x1] =	stream.indirect_vreg.gather [hbm4b:s6+s3], $0x80, v3, vm0, $0xb8;
	[tilespmem:$0x10080] =	vst v63  }
0x73: {  	_ =	swait.ge [sflag:s1], $0x10000  }
0x74: {  	p0 =	sne.s32 s7, $0x1;
	[sflag:s1] =	ssyncset.done $0x0  }
.Ltmp0:
0x75: {  	s10 =	rddreg [dreg:$0x4];
	[sflag:s1] =	ssyncadd.s32 $0xFFFF0000;
	(pc) =	sbr.rel @p0 .LBB2_1-.Ltmp0, $4  }
0x76: {  	[hbm4b:s10+s3] =	stream.linear.scatter [tilespmem:s9], [sflag:$0x2], $0x10000, $0x38;
	[tilespmem:$0x10080] =	vst v63  }
0x77: {  	_ =	swait.ge [sflag:s8], $0x10000  }
0x78: {  	[sflag:s8] =	ssyncset.done $0x0  }
0x79: {  	s7 =	sadd.s32 $0xFFFFFFFF, s7;
	[sflag:s8] =	ssyncadd.s32 $0xFFFF0000  }
0x7a: {  	_ =	sfence.sel $0x180000  }
0x7b: {  	[bflag:$0x0] =	sbarrier.arrive $0xFFFF  }
0x7c: {  	_ =	strace $0x9000004A  }
0x7d: {  	s0 =	stileid.u32;
	[bflag:$0x2] =	sbarrier.arrive $0xFFFF  }
0x7e: {  	p0 =	sne.s32 s0, $0x0;
	s0 =	rddreg [dreg:$0x2]  }
0x7f: {  	s0 =	sadd.s32 @!p0 $0x100000, s0  }
0x80: {  	[sflag:s0] =	ssyncadd.tile.s32 @!p0 $0x1;
	_ =	shalt  }
.Lfunc_end2:
_tile_overlayer_lowered:
.L_overlay_start_2:
0x81: {  	(tag) =	ssettag $0x2  }
0x82: {  	s0 =	rddreg [dreg:$0x0];
	s2 =	stileid.u32  }
0x83: {  	s1 =	rddreg [dreg:$0x1];
	p0 =	sne.s32 s2, $0x0  }
0x84: {  	s3 =	rddreg [dreg:$0x2];
	[bflag:$0x3] =	sbarrier.arrive $0xFFFF;
	s2 =	simm.s32 @!p0 $0x1C02  }
0x85: {  	[timem:s3], [sflag:s2] =	dma.local @!p0 [hbm:s0], s1  }
0x86: {  	s0 =	simm.s32 @!p0 $0x2  }
0x87: {  	_ =	swait.ge @!p0 [sflag:s0], s1  }
0x88: {  	s1 =	ssub.s32 @!p0 $0x0, s1;
	[sflag:s0] =	ssyncset.done @!p0 $0x0  }
0x89: {  	[sflag:s0] =	ssyncadd.s32 @!p0 s1  }
0x8a: {  	[bflag:$0x3] =	sbarrier.arrive $0xFFFF  }
0x8b: {  	_ =	shalt  }

</sc_bundles>
